<compile_context>
chip_gen: v7x
topology: tpu7x:2x2x1
jax: 0.10.2.dev20260603
libtpu: 0.0.44.dev20260713+nightly
codegen_flags: <defaults>
</compile_context>

<pallas_src>
import functools

import jax
import jax.numpy as jnp
from jax import lax
from jax.experimental import pallas as pl
from jax.experimental.pallas import tpu as pltpu
from jax.experimental.pallas import tpu_sc as plsc

N = 10000
E = 320000
D_IN = 128
D_H = 64
D_OUT = 32
EPS = 0.01

NC, NS = 2, 16
NW = NC * NS
EPW = E // NW
CHUNK = 125
NCHUNK = EPW // CHUNK

SLC = 624
TAIL_OFF = SLC * NS
TAIL = N - TAIL_OFF

ROWS_PER_SUB = N // NS
STG = SLC // 2


def _sc_mesh():
    return plsc.VectorSubcoreMesh(
        core_axis_name="c", subcore_axis_name="s",
        num_cores=NC, num_subcores=NS)


def _deg_sc(ei4):
    @functools.partial(
        pl.kernel,
        mesh=_sc_mesh(),
        compiler_params=pltpu.CompilerParams(
            use_tc_tiling_on_sc=False, needs_layout_passes=False),
        out_type=jax.ShapeDtypeStruct((NC, N), jnp.float32),
        scratch_types=[
            pltpu.VMEM((NCHUNK, CHUNK), jnp.int32),
            pltpu.VMEM((N,), jnp.float32),
            pltpu.VMEM((NS, SLC), jnp.float32),
            pltpu.VMEM((NS, TAIL), jnp.float32),
            pltpu.VMEM_SHARED((NS, N), jnp.float32),
        ],
    )
    def k(ei_hbm, out_hbm, didx, deg_loc, buf, tbuf, deg_sh):
        c = lax.axis_index("c")
        s = lax.axis_index("s")
        wid = c * NS + s

        def zl(i, carry):
            deg_loc[pl.ds(i * 16, 16)] = jnp.zeros((16,), jnp.float32)
            return carry

        lax.fori_loop(0, N // 16, zl, 0)
        pltpu.sync_copy(ei_hbm.at[1, wid], didx)
        ones16 = jnp.ones((16,), jnp.float32)

        rem = CHUNK - (CHUNK // 16) * 16
        lane = lax.broadcasted_iota(jnp.int32, (16,), 0)

        def body(j, carry):
            for q in range(CHUNK // 16):
                idxv = didx[j, pl.ds(q * 16, 16)]
                plsc.addupdate_scatter(deg_loc, [idxv], ones16)
            if rem:
                idxv = didx[j, pl.ds(CHUNK - 16, 16)]
                plsc.addupdate_scatter(deg_loc, [idxv], ones16,
                                       mask=lane >= (16 - rem))
            return carry

        lax.fori_loop(0, NCHUNK, body, 0)
        pltpu.sync_copy(deg_loc, deg_sh.at[s])
        plsc.subcore_barrier()
        pltpu.sync_copy(deg_sh.at[:, pl.ds(s * SLC, SLC)], buf)

        def addrow(i, carry):
            v = buf[0, pl.ds(i * 16, 16)]
            for t in range(1, NS):
                v = v + buf[t, pl.ds(i * 16, 16)]
            buf[0, pl.ds(i * 16, 16)] = v
            return carry

        lax.fori_loop(0, SLC // 16, addrow, 0)
        pltpu.sync_copy(buf.at[0], out_hbm.at[c, pl.ds(s * SLC, SLC)])

        @pl.when(s == NS - 1)
        def _():
            pltpu.sync_copy(deg_sh.at[:, pl.ds(TAIL_OFF, TAIL)], tbuf)
            v = tbuf[0, pl.ds(0, TAIL)]
            for t in range(1, NS):
                v = v + tbuf[t, pl.ds(0, TAIL)]
            tbuf[0, pl.ds(0, TAIL)] = v
            pltpu.sync_copy(tbuf.at[0], out_hbm.at[c, pl.ds(TAIL_OFF, TAIL)])

    return k(ei4)


NB = 5


def _agg_sc(y, ei4, D):
    scratch = [
        pltpu.VMEM((NCHUNK, CHUNK), jnp.int32),
        pltpu.VMEM((NCHUNK, CHUNK), jnp.int32),
        [pltpu.VMEM((CHUNK, D), jnp.float32) for _ in range(NB)],
        pltpu.VMEM((STG, D), jnp.float32),
        pltpu.VMEM_SHARED((N, D), jnp.float32),
        [pltpu.SemaphoreType.DMA for _ in range(NB)],
    ]

    @functools.partial(
        pl.kernel,
        mesh=_sc_mesh(),
        compiler_params=pltpu.CompilerParams(use_tc_tiling_on_sc=False),
        out_type=jax.ShapeDtypeStruct((N, max(NC * D, 128)), jnp.float32),
        scratch_types=scratch,
    )
    def k(y_hbm, ei_hbm, out_hbm, sidx, didx, rows, stage, agg_sh, gsem):
        c = lax.axis_index("c")
        s = lax.axis_index("s")
        wid = c * NS + s
        y_src = y_hbm

        def zb(i, carry):
            for j in range(D // 16):
                stage[i, pl.ds(j * 16, 16)] = jnp.zeros((16,), jnp.float32)
            return carry

        lax.fori_loop(0, STG, zb, 0)
        for t in range(SLC // STG):
            pltpu.sync_copy(stage, agg_sh.at[pl.ds(s * SLC + t * STG, STG)])

        @pl.when(s == NS - 1)
        def _():
            pltpu.sync_copy(stage.at[pl.ds(0, TAIL)],
                            agg_sh.at[pl.ds(TAIL_OFF, TAIL)])

        pltpu.sync_copy(ei_hbm.at[0, wid], sidx)
        pltpu.sync_copy(ei_hbm.at[1, wid], didx)
        plsc.subcore_barrier()

        for b in range(NB):
            pltpu.async_copy(y_src.at[sidx.at[b]], rows[b], gsem[b])

        def body(o, carry):
            for b in range(NB):
                j = o * NB + b
                pltpu.make_async_copy(
                    y_src.at[sidx.at[j]], rows[b], gsem[b]).wait()
                pltpu.sync_copy(rows[b], agg_sh.at[didx.at[j]], add=True)
                jn = j + NB

                @pl.when(jn < NCHUNK)
                def _():
                    pltpu.async_copy(y_src.at[sidx.at[jn]], rows[b], gsem[b])

            return carry

        lax.fori_loop(0, NCHUNK // NB, body, 0)
        plsc.subcore_barrier()
        for t in range(SLC // STG):
            off = s * SLC + t * STG
            pltpu.sync_copy(agg_sh.at[pl.ds(off, STG)], stage)
            pltpu.sync_copy(stage,
                            out_hbm.at[pl.ds(off, STG), pl.ds(c * D, D)])

        @pl.when(s == NS - 1)
        def _():
            pltpu.sync_copy(agg_sh.at[pl.ds(TAIL_OFF, TAIL)],
                            stage.at[pl.ds(0, TAIL)])
            pltpu.sync_copy(stage.at[pl.ds(0, TAIL)],
                            out_hbm.at[pl.ds(TAIL_OFF, TAIL), pl.ds(c * D, D)])

    return k(y, ei4)


def _dinv_col(deg_ref):
    degcol = lax.dot_general(
        deg_ref[...], jnp.ones((NC, 1), jnp.float32),
        (((0,), (0,)), ((), ())), preferred_element_type=jnp.float32)
    return lax.rsqrt(degcol + 1.0)


def _p1_body(x_ref, w_ref, deg_ref, y_ref):
    xw = jnp.dot(x_ref[...], w_ref[...], preferred_element_type=jnp.float32)
    y_ref[...] = xw * _dinv_col(deg_ref)


def _p3_body(y1_ref, agg_ref, deg_ref, b1_ref, w3_ref, y2_ref):
    dinv = _dinv_col(deg_ref)
    agg = agg_ref[...]
    h1 = jnp.maximum(
        (agg[:, :D_H] + agg[:, D_H:] + y1_ref[...]) * dinv + b1_ref[...],
        0.0)
    y2_ref[...] = jnp.dot(
        h1, w3_ref[...],
        preferred_element_type=jnp.float32) * dinv


def _p5_body(y2_ref, agg_ref, deg_ref, b3_ref, out_ref):
    dinv = _dinv_col(deg_ref)
    agg = agg_ref[...]
    h = jnp.maximum(
        (agg[:, :D_OUT] + agg[:, D_OUT:2 * D_OUT] + y2_ref[...]) * dinv
        + b3_ref[...], 0.0)
    inv_n = 1.0 / N
    mean = jnp.sum(h, axis=0, keepdims=True) * inv_n
    ctr = h - mean
    var = jnp.sum(ctr * ctr, axis=0, keepdims=True) * inv_n
    var = jnp.maximum(var, EPS)
    out_ref[...] = ctr / jnp.sqrt(var)


def kernel(x, edge_index, W1, b1, W3, b3):
    ei4 = edge_index.astype(jnp.int32).reshape(2, NW, NCHUNK, CHUNK)

    deg = _deg_sc(ei4)

    y1 = pl.pallas_call(
        _p1_body,
        out_shape=jax.ShapeDtypeStruct((N, D_H), jnp.float32),
    )(x, W1, deg)

    agg1 = _agg_sc(y1, ei4, D_H)

    y2 = pl.pallas_call(
        _p3_body,
        out_shape=jax.ShapeDtypeStruct((N, D_OUT), jnp.float32),
    )(y1, agg1, deg, b1.reshape(1, D_H), W3)

    agg2 = _agg_sc(y2, ei4, D_OUT)

    out = pl.pallas_call(
        _p5_body,
        out_shape=jax.ShapeDtypeStruct((N, D_OUT), jnp.float32),
    )(y2, agg2, deg, b3.reshape(1, D_OUT))

    return out

# --- scband reference (transcript-rebuilt; emitter-appended) ---
"""Pipeline reference for scband-gnn-encoder-73212012528423 (READ-ONLY COPY).

The authoritative reference and input builder live on the scoring server;
editing this copy changes nothing except your own understanding.
"""

import jax, jax.numpy as jnp
import numpy as np

N_NODES = 10000
N_EDGES = 320000
D_FEAT = 128
HIDDEN = 64
OUT = 32
EPS = 0.01


def glorot(key, shape):
    limit = (6.0 / (shape[0] + shape[1])) ** 0.5
    return jax.random.uniform(key, shape, minval=-limit, maxval=limit, dtype=jnp.float32)


def gcn_conv(x, edge_index, W, b):
    # PyG GCNConv: add self-loops, symmetric degree normalization, then scatter-add aggregation
    n = x.shape[0]
    loop = jnp.arange(n, dtype=edge_index.dtype)
    src = jnp.concatenate([edge_index[0], loop])
    dst = jnp.concatenate([edge_index[1], loop])
    deg = jnp.zeros((n,), dtype=x.dtype).at[dst].add(1.0)
    dinv = jnp.where(deg > 0, deg ** -0.5, 0.0)
    norm = dinv[src] * dinv[dst]
    xw = x @ W
    msgs = xw[src] * norm[:, None]
    out = jnp.zeros((n, W.shape[1]), dtype=x.dtype).at[dst].add(msgs)
    return out + b


def normalizer_apply(x, eps=EPS):
    # Faithful Welford-style running-stats loop (observe each row sequentially),
    # then normalize all rows with the FINAL mean/var, matching the torch code.
    d = x.shape[1]

    def step(carry, xi):
        n, mean, mean_diff = carry
        n = n + 1.0
        last_mean = mean
        mean = mean + (xi - mean) / n
        mean_diff = mean_diff + (xi - last_mean) * (xi - mean)
        return (n, mean, mean_diff), None

    init = (jnp.zeros((), x.dtype), jnp.zeros((d,), x.dtype), jnp.zeros((d,), x.dtype))
    (n, mean, mean_diff), _ = jax.lax.scan(step, init, x)
    var = jnp.clip(mean_diff / n, eps)
    obs_std = jnp.sqrt(var)
    return (x - mean) / obs_std


def setup_inputs(seed: int = 0) -> dict:
    key = jax.random.key(seed)
    ks = jax.random.split(key, 6)
    x = jax.random.normal(ks[0], (N_NODES, D_FEAT), dtype=jnp.float32)
    edge_index = jax.random.randint(ks[1], (2, N_EDGES), 0, N_NODES)
    W1 = glorot(ks[2], (D_FEAT, HIDDEN))
    b1 = jnp.zeros((HIDDEN,), dtype=jnp.float32)
    W3 = glorot(ks[3], (HIDDEN, OUT))
    b3 = jnp.zeros((OUT,), dtype=jnp.float32)
    return {"x": x, "edge_index": edge_index, "W1": W1, "b1": b1, "W3": W3, "b3": b3}


def reference(x, edge_index, W1, b1, W3, b3):
    h = jax.nn.relu(gcn_conv(x, edge_index, W1, b1))
    h = jax.nn.relu(gcn_conv(h, edge_index, W3, b3))
    return normalizer_apply(h)

if __name__ == "__main__":
    import jax
    _d = setup_inputs()
    print(jax.jit(kernel)(*tuple(_d.values())))

</pallas_src>

<mosaic_0001>
#map = affine_map<(d0, d1) -> (0, 0, 0, 0)>
#map1 = affine_map<(d0, d1) -> (0, 0)>
module attributes {stable_mosaic.version = 14 : i64} {
  func.func @k(%arg0: i32, %arg1: i32, %arg2: memref<2x32x80x125xi32, #tpu.memory_space<hbm>>, %arg3: memref<2x10000xf32, #tpu.memory_space<hbm>>, %arg4: memref<80x125xi32, #tpu.memory_space<vmem>>, %arg5: memref<10000xf32, #tpu.memory_space<vmem>>, %arg6: memref<16x624xf32, #tpu.memory_space<vmem>>, %arg7: memref<16x16xf32, #tpu.memory_space<vmem>>, %arg8: memref<16x10000xf32, #tpu.memory_space<vmem_shared>>) attributes {dimension_semantics = [#tpu.dimension_semantics<core_parallel>, #tpu.dimension_semantics<subcore_parallel>], iteration_bounds = array<i64: 2, 16>, scalar_prefetch = 0 : i64, scratch_operands = 5 : i64, tpu.core_type = #tpu.core_type<sc_vector_subcore>, window_params = [{transform_indices = #map}, {transform_indices = #map1}]} {
    %mul3A = arith.constant 16 : i32
    %mul3A_0 = arith.muli %arg0, %mul3A : i32
    %add3A = arith.addi %mul3A_0, %arg1 : i32
    %scan3A = arith.constant 0 : i32
    %scan3A_1 = arith.constant 0 : i32
    %scan3A_2 = arith.constant 625 : i32
    %scan3A_3 = arith.addi %scan3A_1, %scan3A_2 : i32
    %scan3A_4 = arith.constant 1 : i32
    scf.for %scan3A_26 = %scan3A_1 to %scan3A_3 step %scan3A_4  : i32 {
      %broadcast_in_dim3A_27 = arith.constant 0.000000e+00 : f32
      %broadcast_in_dim3A_28 = vector.broadcast %broadcast_in_dim3A_27 : f32 to vector<16xf32>
      %mul3A_29 = arith.constant 16 : i32
      %mul3A_30 = arith.muli %scan3A_26, %mul3A_29 : i32
      %swap3A = arith.index_cast %mul3A_30 : i32 to index
      %swap3A_31 = tpu.vector_load %arg5[%swap3A] {strides = array<i32>} : memref<10000xf32, #tpu.memory_space<vmem>>, vector<16xf32>,
      tpu.vector_store %arg5[%swap3A], %broadcast_in_dim3A_28 {strides = array<i32>} : memref<10000xf32, #tpu.memory_space<vmem>>, vector<16xf32>,
    }
    %scan3A_5 = arith.constant 625 : i32
    %run_scoped3A = arith.constant 1 : i32
    "tpu.region"() ({
      %run_scoped3A_26 = tpu.sem_alloc : memref<!tpu.dma_semaphore, #tpu.memory_space<semaphore_mem>>
      %dma_start3A = arith.constant 0 : i32
      %dma_start3A_27 = arith.constant 0 : i32
      %dma_start3A_28 = tpu.memref_slice %arg2[%run_scoped3A, %add3A, %dma_start3A, %dma_start3A_27] : memref<2x32x80x125xi32, #tpu.memory_space<hbm>> -> memref<1x1x80x125xi32, #tpu.memory_space<hbm>>
      %dma_start3A_29 = tpu.memref_squeeze %dma_start3A_28 : memref<1x1x80x125xi32, #tpu.memory_space<hbm>> -> memref<80x125xi32, #tpu.memory_space<hbm>>
      %dma_start3A_30 = arith.constant 0 : i32
      %dma_start3A_31 = arith.constant 0 : i32
      %dma_start3A_32 = tpu.memref_slice %arg2[%run_scoped3A, %add3A, %dma_start3A_30, %dma_start3A_31] : memref<2x32x80x125xi32, #tpu.memory_space<hbm>> -> memref<1x1x80x125xi32, #tpu.memory_space<hbm>>
      %dma_start3A_33 = tpu.memref_squeeze %dma_start3A_32 : memref<1x1x80x125xi32, #tpu.memory_space<hbm>> -> memref<80x125xi32, #tpu.memory_space<hbm>>
      tpu.enqueue_dma source(%dma_start3A_33 : memref<80x125xi32, #tpu.memory_space<hbm>>) target(%arg4 : memref<80x125xi32, #tpu.memory_space<vmem>>) target_semaphore(%run_scoped3A_26 : memref<!tpu.dma_semaphore, #tpu.memory_space<semaphore_mem>>)
      %dma_wait3A = arith.constant 0 : i32
      %dma_wait3A_34 = arith.constant 0 : i32
      %dma_wait3A_35 = tpu.memref_slice %arg2[%run_scoped3A, %add3A, %dma_wait3A, %dma_wait3A_34] : memref<2x32x80x125xi32, #tpu.memory_space<hbm>> -> memref<1x1x80x125xi32, #tpu.memory_space<hbm>>
      %dma_wait3A_36 = tpu.memref_squeeze %dma_wait3A_35 : memref<1x1x80x125xi32, #tpu.memory_space<hbm>> -> memref<80x125xi32, #tpu.memory_space<hbm>>
      %dma_wait3A_37 = arith.constant 0 : i32
      %dma_wait3A_38 = arith.constant 0 : i32
      %dma_wait3A_39 = tpu.memref_slice %arg2[%run_scoped3A, %add3A, %dma_wait3A_37, %dma_wait3A_38] : memref<2x32x80x125xi32, #tpu.memory_space<hbm>> -> memref<1x1x80x125xi32, #tpu.memory_space<hbm>>
      %dma_wait3A_40 = tpu.memref_squeeze %dma_wait3A_39 : memref<1x1x80x125xi32, #tpu.memory_space<hbm>> -> memref<80x125xi32, #tpu.memory_space<hbm>>
      tpu.wait_dma2 semaphore(%run_scoped3A_26 : memref<!tpu.dma_semaphore, #tpu.memory_space<semaphore_mem>>) src(%dma_wait3A_40 : memref<80x125xi32, #tpu.memory_space<hbm>>) dst(%arg4 : memref<80x125xi32, #tpu.memory_space<vmem>>)
      tpu.yield
    }) : () -> ()
    %broadcast_in_dim3A = arith.constant 1.000000e+00 : f32
    %broadcast_in_dim3A_6 = vector.broadcast %broadcast_in_dim3A : f32 to vector<16xf32>
    %iota3A = tpu.iota {dimensions = array<i32: 0>} : vector<16xi32>
    %scan3A_7 = arith.constant 0 : i32
    %scan3A_8 = arith.constant 0 : i32
    %scan3A_9 = arith.constant 80 : i32
    %scan3A_10 = arith.addi %scan3A_8, %scan3A_9 : i32
    %scan3A_11 = arith.constant 1 : i32
    scf.for %scan3A_26 = %scan3A_8 to %scan3A_10 step %scan3A_11  : i32 {
      %get3A = arith.index_cast %scan3A_26 : i32 to index
      %get3A_27 = arith.constant 0 : index
      %get3A_28 = tpu.vector_load %arg4[%get3A, %get3A_27] {strides = array<i32>} : memref<80x125xi32, #tpu.memory_space<vmem>>, vector<16xi32>,
      tpu.vector_store_idx %arg5[%get3A_28], %broadcast_in_dim3A_6 {add = true} : memref<10000xf32, #tpu.memory_space<vmem>>[vector<16xi32>], vector<16xf32>,
      %get3A_29 = arith.index_cast %scan3A_26 : i32 to index
      %get3A_30 = arith.constant 16 : index
      %get3A_31 = tpu.vector_load %arg4[%get3A_29, %get3A_30] {strides = array<i32>} : memref<80x125xi32, #tpu.memory_space<vmem>>, vector<16xi32>,
      tpu.vector_store_idx %arg5[%get3A_31], %broadcast_in_dim3A_6 {add = true} : memref<10000xf32, #tpu.memory_space<vmem>>[vector<16xi32>], vector<16xf32>,
      %get3A_32 = arith.index_cast %scan3A_26 : i32 to index
      %get3A_33 = arith.constant 32 : index
      %get3A_34 = tpu.vector_load %arg4[%get3A_32, %get3A_33] {strides = array<i32>} : memref<80x125xi32, #tpu.memory_space<vmem>>, vector<16xi32>,
      tpu.vector_store_idx %arg5[%get3A_34], %broadcast_in_dim3A_6 {add = true} : memref<10000xf32, #tpu.memory_space<vmem>>[vector<16xi32>], vector<16xf32>,
      %get3A_35 = arith.index_cast %scan3A_26 : i32 to index
      %get3A_36 = arith.constant 48 : index
      %get3A_37 = tpu.vector_load %arg4[%get3A_35, %get3A_36] {strides = array<i32>} : memref<80x125xi32, #tpu.memory_space<vmem>>, vector<16xi32>,
      tpu.vector_store_idx %arg5[%get3A_37], %broadcast_in_dim3A_6 {add = true} : memref<10000xf32, #tpu.memory_space<vmem>>[vector<16xi32>], vector<16xf32>,
      %get3A_38 = arith.index_cast %scan3A_26 : i32 to index
      %get3A_39 = arith.constant 64 : index
      %get3A_40 = tpu.vector_load %arg4[%get3A_38, %get3A_39] {strides = array<i32>} : memref<80x125xi32, #tpu.memory_space<vmem>>, vector<16xi32>,
      tpu.vector_store_idx %arg5[%get3A_40], %broadcast_in_dim3A_6 {add = true} : memref<10000xf32, #tpu.memory_space<vmem>>[vector<16xi32>], vector<16xf32>,
      %get3A_41 = arith.index_cast %scan3A_26 : i32 to index
      %get3A_42 = arith.constant 80 : index
      %get3A_43 = tpu.vector_load %arg4[%get3A_41, %get3A_42] {strides = array<i32>} : memref<80x125xi32, #tpu.memory_space<vmem>>, vector<16xi32>,
      tpu.vector_store_idx %arg5[%get3A_43], %broadcast_in_dim3A_6 {add = true} : memref<10000xf32, #tpu.memory_space<vmem>>[vector<16xi32>], vector<16xf32>,
      %get3A_44 = arith.index_cast %scan3A_26 : i32 to index
      %get3A_45 = arith.constant 96 : index
      %get3A_46 = tpu.vector_load %arg4[%get3A_44, %get3A_45] {strides = array<i32>} : memref<80x125xi32, #tpu.memory_space<vmem>>, vector<16xi32>,
      tpu.vector_store_idx %arg5[%get3A_46], %broadcast_in_dim3A_6 {add = true} : memref<10000xf32, #tpu.memory_space<vmem>>[vector<16xi32>], vector<16xf32>,
      %get3A_47 = arith.index_cast %scan3A_26 : i32 to index
      %get3A_48 = arith.constant 109 : index
      %get3A_49 = tpu.vector_load %arg4[%get3A_47, %get3A_48] {strides = array<i32>} : memref<80x125xi32, #tpu.memory_space<vmem>>, vector<16xi32>,
      %ge3A = arith.constant 3 : i32
      %ge3A_50 = vector.broadcast %ge3A : i32 to vector<16xi32>
      %ge3A_51 = arith.cmpi sge, %iota3A, %ge3A_50 : vector<16xi32>
      tpu.vector_store_idx %arg5[%get3A_49], %broadcast_in_dim3A_6 masked %ge3A_51 {add = true} : memref<10000xf32, #tpu.memory_space<vmem>>[vector<16xi32>], vector<16xf32>, vector<16xi1>
    }
    %scan3A_12 = arith.constant 80 : i32
    "tpu.region"() ({
      %run_scoped3A_26 = tpu.sem_alloc : memref<!tpu.dma_semaphore, #tpu.memory_space<semaphore_mem>>
      %dma_start3A = arith.constant 0 : i32
      %dma_start3A_27 = tpu.memref_slice %arg8[%arg1, %dma_start3A] : memref<16x10000xf32, #tpu.memory_space<vmem_shared>> -> memref<1x10000xf32, #tpu.memory_space<vmem_shared>>
      %dma_start3A_28 = tpu.memref_squeeze %dma_start3A_27 : memref<1x10000xf32, #tpu.memory_space<vmem_shared>> -> memref<10000xf32, #tpu.memory_space<vmem_shared>>
      %dma_start3A_29 = arith.constant 0 : i32
      %dma_start3A_30 = tpu.memref_slice %arg8[%arg1, %dma_start3A_29] : memref<16x10000xf32, #tpu.memory_space<vmem_shared>> -> memref<1x10000xf32, #tpu.memory_space<vmem_shared>>
      %dma_start3A_31 = tpu.memref_squeeze %dma_start3A_30 : memref<1x10000xf32, #tpu.memory_space<vmem_shared>> -> memref<10000xf32, #tpu.memory_space<vmem_shared>>
      tpu.enqueue_dma source(%arg5 : memref<10000xf32, #tpu.memory_space<vmem>>) target(%dma_start3A_31 : memref<10000xf32, #tpu.memory_space<vmem_shared>>) target_semaphore(%run_scoped3A_26 : memref<!tpu.dma_semaphore, #tpu.memory_space<semaphore_mem>>)
      %dma_wait3A = arith.constant 0 : i32
      %dma_wait3A_32 = tpu.memref_slice %arg8[%arg1, %dma_wait3A] : memref<16x10000xf32, #tpu.memory_space<vmem_shared>> -> memref<1x10000xf32, #tpu.memory_space<vmem_shared>>
      %dma_wait3A_33 = tpu.memref_squeeze %dma_wait3A_32 : memref<1x10000xf32, #tpu.memory_space<vmem_shared>> -> memref<10000xf32, #tpu.memory_space<vmem_shared>>
      %dma_wait3A_34 = arith.constant 0 : i32
      %dma_wait3A_35 = tpu.memref_slice %arg8[%arg1, %dma_wait3A_34] : memref<16x10000xf32, #tpu.memory_space<vmem_shared>> -> memref<1x10000xf32, #tpu.memory_space<vmem_shared>>
      %dma_wait3A_36 = tpu.memref_squeeze %dma_wait3A_35 : memref<1x10000xf32, #tpu.memory_space<vmem_shared>> -> memref<10000xf32, #tpu.memory_space<vmem_shared>>
      tpu.wait_dma2 semaphore(%run_scoped3A_26 : memref<!tpu.dma_semaphore, #tpu.memory_space<semaphore_mem>>) src(%arg5 : memref<10000xf32, #tpu.memory_space<vmem>>) dst(%dma_wait3A_36 : memref<10000xf32, #tpu.memory_space<vmem_shared>>)
      tpu.yield
    }) : () -> ()
    %barrier3A = arith.constant 0 : index
    tpu.barrier barrier_id(%barrier3A)
    %mul3A_13 = arith.constant 624 : i32
    %mul3A_14 = arith.muli %arg1, %mul3A_13 : i32
    "tpu.region"() ({
      %run_scoped3A_26 = tpu.sem_alloc : memref<!tpu.dma_semaphore, #tpu.memory_space<semaphore_mem>>
      %dma_start3A = arith.constant 0 : i32
      %dma_start3A_27 = tpu.memref_slice %arg8[%dma_start3A, %mul3A_14] : memref<16x10000xf32, #tpu.memory_space<vmem_shared>> -> memref<16x624xf32, #tpu.memory_space<vmem_shared>>
      %dma_start3A_28 = arith.constant 0 : i32
      %dma_start3A_29 = tpu.memref_slice %arg8[%dma_start3A_28, %mul3A_14] : memref<16x10000xf32, #tpu.memory_space<vmem_shared>> -> memref<16x624xf32, #tpu.memory_space<vmem_shared>>
      tpu.enqueue_dma source(%dma_start3A_29 : memref<16x624xf32, #tpu.memory_space<vmem_shared>>) target(%arg6 : memref<16x624xf32, #tpu.memory_space<vmem>>) target_semaphore(%run_scoped3A_26 : memref<!tpu.dma_semaphore, #tpu.memory_space<semaphore_mem>>)
      %dma_wait3A = arith.constant 0 : i32
      %dma_wait3A_30 = tpu.memref_slice %arg8[%dma_wait3A, %mul3A_14] : memref<16x10000xf32, #tpu.memory_space<vmem_shared>> -> memref<16x624xf32, #tpu.memory_space<vmem_shared>>
      %dma_wait3A_31 = arith.constant 0 : i32
      %dma_wait3A_32 = tpu.memref_slice %arg8[%dma_wait3A_31, %mul3A_14] : memref<16x10000xf32, #tpu.memory_space<vmem_shared>> -> memref<16x624xf32, #tpu.memory_space<vmem_shared>>
      tpu.wait_dma2 semaphore(%run_scoped3A_26 : memref<!tpu.dma_semaphore, #tpu.memory_space<semaphore_mem>>) src(%dma_wait3A_32 : memref<16x624xf32, #tpu.memory_space<vmem_shared>>) dst(%arg6 : memref<16x624xf32, #tpu.memory_space<vmem>>)
      tpu.yield
    }) : () -> ()
    %scan3A_15 = arith.constant 0 : i32
    %scan3A_16 = arith.constant 0 : i32
    %scan3A_17 = arith.constant 39 : i32
    %scan3A_18 = arith.addi %scan3A_16, %scan3A_17 : i32
    %scan3A_19 = arith.constant 1 : i32
    scf.for %scan3A_26 = %scan3A_16 to %scan3A_18 step %scan3A_19  : i32 {
      %mul3A_27 = arith.constant 16 : i32
      %mul3A_28 = arith.muli %scan3A_26, %mul3A_27 : i32
      %get3A = arith.constant 0 : i32
      %get3A_29 = arith.index_cast %get3A : i32 to index
      %get3A_30 = arith.index_cast %mul3A_28 : i32 to index
      %get3A_31 = tpu.vector_load %arg6[%get3A_29, %get3A_30] {strides = array<i32>} : memref<16x624xf32, #tpu.memory_space<vmem>>, vector<16xf32>,
      %mul3A_32 = arith.constant 16 : i32
      %mul3A_33 = arith.muli %scan3A_26, %mul3A_32 : i32
      %get3A_34 = arith.constant 1 : i32
      %get3A_35 = arith.index_cast %get3A_34 : i32 to index
      %get3A_36 = arith.index_cast %mul3A_33 : i32 to index
      %get3A_37 = tpu.vector_load %arg6[%get3A_35, %get3A_36] {strides = array<i32>} : memref<16x624xf32, #tpu.memory_space<vmem>>, vector<16xf32>,
      %add3A_38 = arith.addf %get3A_31, %get3A_37 : vector<16xf32>
      %mul3A_39 = arith.constant 16 : i32
      %mul3A_40 = arith.muli %scan3A_26, %mul3A_39 : i32
      %get3A_41 = arith.constant 2 : i32
      %get3A_42 = arith.index_cast %get3A_41 : i32 to index
      %get3A_43 = arith.index_cast %mul3A_40 : i32 to index
      %get3A_44 = tpu.vector_load %arg6[%get3A_42, %get3A_43] {strides = array<i32>} : memref<16x624xf32, #tpu.memory_space<vmem>>, vector<16xf32>,
      %add3A_45 = arith.addf %add3A_38, %get3A_44 : vector<16xf32>
      %mul3A_46 = arith.constant 16 : i32
      %mul3A_47 = arith.muli %scan3A_26, %mul3A_46 : i32
      %get3A_48 = arith.constant 3 : i32
      %get3A_49 = arith.index_cast %get3A_48 : i32 to index
      %get3A_50 = arith.index_cast %mul3A_47 : i32 to index
      %get3A_51 = tpu.vector_load %arg6[%get3A_49, %get3A_50] {strides = array<i32>} : memref<16x624xf32, #tpu.memory_space<vmem>>, vector<16xf32>,
      %add3A_52 = arith.addf %add3A_45, %get3A_51 : vector<16xf32>
      %mul3A_53 = arith.constant 16 : i32
      %mul3A_54 = arith.muli %scan3A_26, %mul3A_53 : i32
      %get3A_55 = arith.constant 4 : i32
      %get3A_56 = arith.index_cast %get3A_55 : i32 to index
      %get3A_57 = arith.index_cast %mul3A_54 : i32 to index
      %get3A_58 = tpu.vector_load %arg6[%get3A_56, %get3A_57] {strides = array<i32>} : memref<16x624xf32, #tpu.memory_space<vmem>>, vector<16xf32>,
      %add3A_59 = arith.addf %add3A_52, %get3A_58 : vector<16xf32>
      %mul3A_60 = arith.constant 16 : i32
      %mul3A_61 = arith.muli %scan3A_26, %mul3A_60 : i32
      %get3A_62 = arith.constant 5 : i32
      %get3A_63 = arith.index_cast %get3A_62 : i32 to index
      %get3A_64 = arith.index_cast %mul3A_61 : i32 to index
      %get3A_65 = tpu.vector_load %arg6[%get3A_63, %get3A_64] {strides = array<i32>} : memref<16x624xf32, #tpu.memory_space<vmem>>, vector<16xf32>,
      %add3A_66 = arith.addf %add3A_59, %get3A_65 : vector<16xf32>
      %mul3A_67 = arith.constant 16 : i32
      %mul3A_68 = arith.muli %scan3A_26, %mul3A_67 : i32
      %get3A_69 = arith.constant 6 : i32
      %get3A_70 = arith.index_cast %get3A_69 : i32 to index
      %get3A_71 = arith.index_cast %mul3A_68 : i32 to index
      %get3A_72 = tpu.vector_load %arg6[%get3A_70, %get3A_71] {strides = array<i32>} : memref<16x624xf32, #tpu.memory_space<vmem>>, vector<16xf32>,
      %add3A_73 = arith.addf %add3A_66, %get3A_72 : vector<16xf32>
      %mul3A_74 = arith.constant 16 : i32
      %mul3A_75 = arith.muli %scan3A_26, %mul3A_74 : i32
      %get3A_76 = arith.constant 7 : i32
      %get3A_77 = arith.index_cast %get3A_76 : i32 to index
      %get3A_78 = arith.index_cast %mul3A_75 : i32 to index
      %get3A_79 = tpu.vector_load %arg6[%get3A_77, %get3A_78] {strides = array<i32>} : memref<16x624xf32, #tpu.memory_space<vmem>>, vector<16xf32>,
      %add3A_80 = arith.addf %add3A_73, %get3A_79 : vector<16xf32>
      %mul3A_81 = arith.constant 16 : i32
      %mul3A_82 = arith.muli %scan3A_26, %mul3A_81 : i32
      %get3A_83 = arith.constant 8 : i32
      %get3A_84 = arith.index_cast %get3A_83 : i32 to index
      %get3A_85 = arith.index_cast %mul3A_82 : i32 to index
      %get3A_86 = tpu.vector_load %arg6[%get3A_84, %get3A_85] {strides = array<i32>} : memref<16x624xf32, #tpu.memory_space<vmem>>, vector<16xf32>,
      %add3A_87 = arith.addf %add3A_80, %get3A_86 : vector<16xf32>
      %mul3A_88 = arith.constant 16 : i32
      %mul3A_89 = arith.muli %scan3A_26, %mul3A_88 : i32
      %get3A_90 = arith.constant 9 : i32
      %get3A_91 = arith.index_cast %get3A_90 : i32 to index
      %get3A_92 = arith.index_cast %mul3A_89 : i32 to index
      %get3A_93 = tpu.vector_load %arg6[%get3A_91, %get3A_92] {strides = array<i32>} : memref<16x624xf32, #tpu.memory_space<vmem>>, vector<16xf32>,
      %add3A_94 = arith.addf %add3A_87, %get3A_93 : vector<16xf32>
      %mul3A_95 = arith.constant 16 : i32
      %mul3A_96 = arith.muli %scan3A_26, %mul3A_95 : i32
      %get3A_97 = arith.constant 10 : i32
      %get3A_98 = arith.index_cast %get3A_97 : i32 to index
      %get3A_99 = arith.index_cast %mul3A_96 : i32 to index
      %get3A_100 = tpu.vector_load %arg6[%get3A_98, %get3A_99] {strides = array<i32>} : memref<16x624xf32, #tpu.memory_space<vmem>>, vector<16xf32>,
      %add3A_101 = arith.addf %add3A_94, %get3A_100 : vector<16xf32>
      %mul3A_102 = arith.constant 16 : i32
      %mul3A_103 = arith.muli %scan3A_26, %mul3A_102 : i32
      %get3A_104 = arith.constant 11 : i32
      %get3A_105 = arith.index_cast %get3A_104 : i32 to index
      %get3A_106 = arith.index_cast %mul3A_103 : i32 to index
      %get3A_107 = tpu.vector_load %arg6[%get3A_105, %get3A_106] {strides = array<i32>} : memref<16x624xf32, #tpu.memory_space<vmem>>, vector<16xf32>,
      %add3A_108 = arith.addf %add3A_101, %get3A_107 : vector<16xf32>
      %mul3A_109 = arith.constant 16 : i32
      %mul3A_110 = arith.muli %scan3A_26, %mul3A_109 : i32
      %get3A_111 = arith.constant 12 : i32
      %get3A_112 = arith.index_cast %get3A_111 : i32 to index
      %get3A_113 = arith.index_cast %mul3A_110 : i32 to index
      %get3A_114 = tpu.vector_load %arg6[%get3A_112, %get3A_113] {strides = array<i32>} : memref<16x624xf32, #tpu.memory_space<vmem>>, vector<16xf32>,
      %add3A_115 = arith.addf %add3A_108, %get3A_114 : vector<16xf32>
      %mul3A_116 = arith.constant 16 : i32
      %mul3A_117 = arith.muli %scan3A_26, %mul3A_116 : i32
      %get3A_118 = arith.constant 13 : i32
      %get3A_119 = arith.index_cast %get3A_118 : i32 to index
      %get3A_120 = arith.index_cast %mul3A_117 : i32 to index
      %get3A_121 = tpu.vector_load %arg6[%get3A_119, %get3A_120] {strides = array<i32>} : memref<16x624xf32, #tpu.memory_space<vmem>>, vector<16xf32>,
      %add3A_122 = arith.addf %add3A_115, %get3A_121 : vector<16xf32>
      %mul3A_123 = arith.constant 16 : i32
      %mul3A_124 = arith.muli %scan3A_26, %mul3A_123 : i32
      %get3A_125 = arith.constant 14 : i32
      %get3A_126 = arith.index_cast %get3A_125 : i32 to index
      %get3A_127 = arith.index_cast %mul3A_124 : i32 to index
      %get3A_128 = tpu.vector_load %arg6[%get3A_126, %get3A_127] {strides = array<i32>} : memref<16x624xf32, #tpu.memory_space<vmem>>, vector<16xf32>,
      %add3A_129 = arith.addf %add3A_122, %get3A_128 : vector<16xf32>
      %mul3A_130 = arith.constant 16 : i32
      %mul3A_131 = arith.muli %scan3A_26, %mul3A_130 : i32
      %get3A_132 = arith.constant 15 : i32
      %get3A_133 = arith.index_cast %get3A_132 : i32 to index
      %get3A_134 = arith.index_cast %mul3A_131 : i32 to index
      %get3A_135 = tpu.vector_load %arg6[%get3A_133, %get3A_134] {strides = array<i32>} : memref<16x624xf32, #tpu.memory_space<vmem>>, vector<16xf32>,
      %add3A_136 = arith.addf %add3A_129, %get3A_135 : vector<16xf32>
      %mul3A_137 = arith.constant 16 : i32
      %mul3A_138 = arith.muli %scan3A_26, %mul3A_137 : i32
      %swap3A = arith.constant 0 : i32
      %swap3A_139 = arith.index_cast %swap3A : i32 to index
      %swap3A_140 = arith.index_cast %mul3A_138 : i32 to index
      %swap3A_141 = tpu.vector_load %arg6[%swap3A_139, %swap3A_140] {strides = array<i32>} : memref<16x624xf32, #tpu.memory_space<vmem>>, vector<16xf32>,
      tpu.vector_store %arg6[%swap3A_139, %swap3A_140], %add3A_136 {strides = array<i32>} : memref<16x624xf32, #tpu.memory_space<vmem>>, vector<16xf32>,
    }
    %scan3A_20 = arith.constant 39 : i32
    %mul3A_21 = arith.constant 624 : i32
    %mul3A_22 = arith.muli %arg1, %mul3A_21 : i32
    %run_scoped3A_23 = arith.constant 0 : i32
    "tpu.region"() ({
      %run_scoped3A_26 = tpu.sem_alloc : memref<!tpu.dma_semaphore, #tpu.memory_space<semaphore_mem>>
      %dma_start3A = arith.constant 0 : i32
      %dma_start3A_27 = tpu.memref_slice %arg6[%run_scoped3A_23, %dma_start3A] : memref<16x624xf32, #tpu.memory_space<vmem>> -> memref<1x624xf32, #tpu.memory_space<vmem>>
      %dma_start3A_28 = tpu.memref_squeeze %dma_start3A_27 : memref<1x624xf32, #tpu.memory_space<vmem>> -> memref<624xf32, #tpu.memory_space<vmem>>
      %dma_start3A_29 = tpu.memref_slice %arg3[%arg0, %mul3A_22] : memref<2x10000xf32, #tpu.memory_space<hbm>> -> memref<1x624xf32, #tpu.memory_space<hbm>>
      %dma_start3A_30 = tpu.memref_squeeze %dma_start3A_29 : memref<1x624xf32, #tpu.memory_space<hbm>> -> memref<624xf32, #tpu.memory_space<hbm>>
      %dma_start3A_31 = tpu.memref_slice %arg3[%arg0, %mul3A_22] : memref<2x10000xf32, #tpu.memory_space<hbm>> -> memref<1x624xf32, #tpu.memory_space<hbm>>
      %dma_start3A_32 = tpu.memref_squeeze %dma_start3A_31 : memref<1x624xf32, #tpu.memory_space<hbm>> -> memref<624xf32, #tpu.memory_space<hbm>>
      %dma_start3A_33 = arith.constant 0 : i32
      %dma_start3A_34 = tpu.memref_slice %arg6[%run_scoped3A_23, %dma_start3A_33] : memref<16x624xf32, #tpu.memory_space<vmem>> -> memref<1x624xf32, #tpu.memory_space<vmem>>
      %dma_start3A_35 = tpu.memref_squeeze %dma_start3A_34 : memref<1x624xf32, #tpu.memory_space<vmem>> -> memref<624xf32, #tpu.memory_space<vmem>>
      tpu.enqueue_dma source(%dma_start3A_35 : memref<624xf32, #tpu.memory_space<vmem>>) target(%dma_start3A_32 : memref<624xf32, #tpu.memory_space<hbm>>) target_semaphore(%run_scoped3A_26 : memref<!tpu.dma_semaphore, #tpu.memory_space<semaphore_mem>>)
      %dma_wait3A = arith.constant 0 : i32
      %dma_wait3A_36 = tpu.memref_slice %arg6[%run_scoped3A_23, %dma_wait3A] : memref<16x624xf32, #tpu.memory_space<vmem>> -> memref<1x624xf32, #tpu.memory_space<vmem>>
      %dma_wait3A_37 = tpu.memref_squeeze %dma_wait3A_36 : memref<1x624xf32, #tpu.memory_space<vmem>> -> memref<624xf32, #tpu.memory_space<vmem>>
      %dma_wait3A_38 = tpu.memref_slice %arg3[%arg0, %mul3A_22] : memref<2x10000xf32, #tpu.memory_space<hbm>> -> memref<1x624xf32, #tpu.memory_space<hbm>>
      %dma_wait3A_39 = tpu.memref_squeeze %dma_wait3A_38 : memref<1x624xf32, #tpu.memory_space<hbm>> -> memref<624xf32, #tpu.memory_space<hbm>>
      %dma_wait3A_40 = tpu.memref_slice %arg3[%arg0, %mul3A_22] : memref<2x10000xf32, #tpu.memory_space<hbm>> -> memref<1x624xf32, #tpu.memory_space<hbm>>
      %dma_wait3A_41 = tpu.memref_squeeze %dma_wait3A_40 : memref<1x624xf32, #tpu.memory_space<hbm>> -> memref<624xf32, #tpu.memory_space<hbm>>
      %dma_wait3A_42 = arith.constant 0 : i32
      %dma_wait3A_43 = tpu.memref_slice %arg6[%run_scoped3A_23, %dma_wait3A_42] : memref<16x624xf32, #tpu.memory_space<vmem>> -> memref<1x624xf32, #tpu.memory_space<vmem>>
      %dma_wait3A_44 = tpu.memref_squeeze %dma_wait3A_43 : memref<1x624xf32, #tpu.memory_space<vmem>> -> memref<624xf32, #tpu.memory_space<vmem>>
      tpu.wait_dma2 semaphore(%run_scoped3A_26 : memref<!tpu.dma_semaphore, #tpu.memory_space<semaphore_mem>>) src(%dma_wait3A_44 : memref<624xf32, #tpu.memory_space<vmem>>) dst(%dma_wait3A_41 : memref<624xf32, #tpu.memory_space<hbm>>)
      tpu.yield
    }) : () -> ()
    %eq3A = arith.constant 15 : i32
    %eq3A_24 = arith.cmpi eq, %arg1, %eq3A : i32
    %convert_element_type3A = arith.extui %eq3A_24 : i1 to i32
    %cond3A = arith.constant 0 : i32
    %cond3A_25 = arith.cmpi ne, %convert_element_type3A, %cond3A : i32
    scf.if %cond3A_25 {
      "tpu.region"() ({
        %run_scoped3A_108 = tpu.sem_alloc : memref<!tpu.dma_semaphore, #tpu.memory_space<semaphore_mem>>
        %dma_start3A = arith.constant 0 : i32
        %dma_start3A_109 = arith.constant 9984 : i32
        %dma_start3A_110 = tpu.memref_slice %arg8[%dma_start3A, %dma_start3A_109] : memref<16x10000xf32, #tpu.memory_space<vmem_shared>> -> memref<16x16xf32, #tpu.memory_space<vmem_shared>>
        %dma_start3A_111 = arith.constant 0 : i32
        %dma_start3A_112 = arith.constant 9984 : i32
        %dma_start3A_113 = tpu.memref_slice %arg8[%dma_start3A_111, %dma_start3A_112] : memref<16x10000xf32, #tpu.memory_space<vmem_shared>> -> memref<16x16xf32, #tpu.memory_space<vmem_shared>>
        tpu.enqueue_dma source(%dma_start3A_113 : memref<16x16xf32, #tpu.memory_space<vmem_shared>>) target(%arg7 : memref<16x16xf32, #tpu.memory_space<vmem>>) target_semaphore(%run_scoped3A_108 : memref<!tpu.dma_semaphore, #tpu.memory_space<semaphore_mem>>)
        %dma_wait3A = arith.constant 0 : i32
        %dma_wait3A_114 = arith.constant 9984 : i32
        %dma_wait3A_115 = tpu.memref_slice %arg8[%dma_wait3A, %dma_wait3A_114] : memref<16x10000xf32, #tpu.memory_space<vmem_shared>> -> memref<16x16xf32, #tpu.memory_space<vmem_shared>>
        %dma_wait3A_116 = arith.constant 0 : i32
        %dma_wait3A_117 = arith.constant 9984 : i32
        %dma_wait3A_118 = tpu.memref_slice %arg8[%dma_wait3A_116, %dma_wait3A_117] : memref<16x10000xf32, #tpu.memory_space<vmem_shared>> -> memref<16x16xf32, #tpu.memory_space<vmem_shared>>
        tpu.wait_dma2 semaphore(%run_scoped3A_108 : memref<!tpu.dma_semaphore, #tpu.memory_space<semaphore_mem>>) src(%dma_wait3A_118 : memref<16x16xf32, #tpu.memory_space<vmem_shared>>) dst(%arg7 : memref<16x16xf32, #tpu.memory_space<vmem>>)
        tpu.yield
      }) : () -> ()
      %get3A = arith.constant 0 : i32
      %get3A_26 = arith.index_cast %get3A : i32 to index
      %get3A_27 = arith.constant 0 : index
      %get3A_28 = tpu.vector_load %arg7[%get3A_26, %get3A_27] {strides = array<i32>} : memref<16x16xf32, #tpu.memory_space<vmem>>, vector<16xf32>,
      %get3A_29 = arith.constant 1 : i32
      %get3A_30 = arith.index_cast %get3A_29 : i32 to index
      %get3A_31 = arith.constant 0 : index
      %get3A_32 = tpu.vector_load %arg7[%get3A_30, %get3A_31] {strides = array<i32>} : memref<16x16xf32, #tpu.memory_space<vmem>>, vector<16xf32>,
      %add3A_33 = arith.addf %get3A_28, %get3A_32 : vector<16xf32>
      %get3A_34 = arith.constant 2 : i32
      %get3A_35 = arith.index_cast %get3A_34 : i32 to index
      %get3A_36 = arith.constant 0 : index
      %get3A_37 = tpu.vector_load %arg7[%get3A_35, %get3A_36] {strides = array<i32>} : memref<16x16xf32, #tpu.memory_space<vmem>>, vector<16xf32>,
      %add3A_38 = arith.addf %add3A_33, %get3A_37 : vector<16xf32>
      %get3A_39 = arith.constant 3 : i32
      %get3A_40 = arith.index_cast %get3A_39 : i32 to index
      %get3A_41 = arith.constant 0 : index
      %get3A_42 = tpu.vector_load %arg7[%get3A_40, %get3A_41] {strides = array<i32>} : memref<16x16xf32, #tpu.memory_space<vmem>>, vector<16xf32>,
      %add3A_43 = arith.addf %add3A_38, %get3A_42 : vector<16xf32>
      %get3A_44 = arith.constant 4 : i32
      %get3A_45 = arith.index_cast %get3A_44 : i32 to index
      %get3A_46 = arith.constant 0 : index
      %get3A_47 = tpu.vector_load %arg7[%get3A_45, %get3A_46] {strides = array<i32>} : memref<16x16xf32, #tpu.memory_space<vmem>>, vector<16xf32>,
      %add3A_48 = arith.addf %add3A_43, %get3A_47 : vector<16xf32>
      %get3A_49 = arith.constant 5 : i32
      %get3A_50 = arith.index_cast %get3A_49 : i32 to index
      %get3A_51 = arith.constant 0 : index
      %get3A_52 = tpu.vector_load %arg7[%get3A_50, %get3A_51] {strides = array<i32>} : memref<16x16xf32, #tpu.memory_space<vmem>>, vector<16xf32>,
      %add3A_53 = arith.addf %add3A_48, %get3A_52 : vector<16xf32>
      %get3A_54 = arith.constant 6 : i32
      %get3A_55 = arith.index_cast %get3A_54 : i32 to index
      %get3A_56 = arith.constant 0 : index
      %get3A_57 = tpu.vector_load %arg7[%get3A_55, %get3A_56] {strides = array<i32>} : memref<16x16xf32, #tpu.memory_space<vmem>>, vector<16xf32>,
      %add3A_58 = arith.addf %add3A_53, %get3A_57 : vector<16xf32>
      %get3A_59 = arith.constant 7 : i32
      %get3A_60 = arith.index_cast %get3A_59 : i32 to index
      %get3A_61 = arith.constant 0 : index
      %get3A_62 = tpu.vector_load %arg7[%get3A_60, %get3A_61] {strides = array<i32>} : memref<16x16xf32, #tpu.memory_space<vmem>>, vector<16xf32>,
      %add3A_63 = arith.addf %add3A_58, %get3A_62 : vector<16xf32>
      %get3A_64 = arith.constant 8 : i32
      %get3A_65 = arith.index_cast %get3A_64 : i32 to index
      %get3A_66 = arith.constant 0 : index
      %get3A_67 = tpu.vector_load %arg7[%get3A_65, %get3A_66] {strides = array<i32>} : memref<16x16xf32, #tpu.memory_space<vmem>>, vector<16xf32>,
      %add3A_68 = arith.addf %add3A_63, %get3A_67 : vector<16xf32>
      %get3A_69 = arith.constant 9 : i32
      %get3A_70 = arith.index_cast %get3A_69 : i32 to index
      %get3A_71 = arith.constant 0 : index
      %get3A_72 = tpu.vector_load %arg7[%get3A_70, %get3A_71] {strides = array<i32>} : memref<16x16xf32, #tpu.memory_space<vmem>>, vector<16xf32>,
      %add3A_73 = arith.addf %add3A_68, %get3A_72 : vector<16xf32>
      %get3A_74 = arith.constant 10 : i32
      %get3A_75 = arith.index_cast %get3A_74 : i32 to index
      %get3A_76 = arith.constant 0 : index
      %get3A_77 = tpu.vector_load %arg7[%get3A_75, %get3A_76] {strides = array<i32>} : memref<16x16xf32, #tpu.memory_space<vmem>>, vector<16xf32>,
      %add3A_78 = arith.addf %add3A_73, %get3A_77 : vector<16xf32>
      %get3A_79 = arith.constant 11 : i32
      %get3A_80 = arith.index_cast %get3A_79 : i32 to index
      %get3A_81 = arith.constant 0 : index
      %get3A_82 = tpu.vector_load %arg7[%get3A_80, %get3A_81] {strides = array<i32>} : memref<16x16xf32, #tpu.memory_space<vmem>>, vector<16xf32>,
      %add3A_83 = arith.addf %add3A_78, %get3A_82 : vector<16xf32>
      %get3A_84 = arith.constant 12 : i32
      %get3A_85 = arith.index_cast %get3A_84 : i32 to index
      %get3A_86 = arith.constant 0 : index
      %get3A_87 = tpu.vector_load %arg7[%get3A_85, %get3A_86] {strides = array<i32>} : memref<16x16xf32, #tpu.memory_space<vmem>>, vector<16xf32>,
      %add3A_88 = arith.addf %add3A_83, %get3A_87 : vector<16xf32>
      %get3A_89 = arith.constant 13 : i32
      %get3A_90 = arith.index_cast %get3A_89 : i32 to index
      %get3A_91 = arith.constant 0 : index
      %get3A_92 = tpu.vector_load %arg7[%get3A_90, %get3A_91] {strides = array<i32>} : memref<16x16xf32, #tpu.memory_space<vmem>>, vector<16xf32>,
      %add3A_93 = arith.addf %add3A_88, %get3A_92 : vector<16xf32>
      %get3A_94 = arith.constant 14 : i32
      %get3A_95 = arith.index_cast %get3A_94 : i32 to index
      %get3A_96 = arith.constant 0 : index
      %get3A_97 = tpu.vector_load %arg7[%get3A_95, %get3A_96] {strides = array<i32>} : memref<16x16xf32, #tpu.memory_space<vmem>>, vector<16xf32>,
      %add3A_98 = arith.addf %add3A_93, %get3A_97 : vector<16xf32>
      %get3A_99 = arith.constant 15 : i32
      %get3A_100 = arith.index_cast %get3A_99 : i32 to index
      %get3A_101 = arith.constant 0 : index
      %get3A_102 = tpu.vector_load %arg7[%get3A_100, %get3A_101] {strides = array<i32>} : memref<16x16xf32, #tpu.memory_space<vmem>>, vector<16xf32>,
      %add3A_103 = arith.addf %add3A_98, %get3A_102 : vector<16xf32>
      %swap3A = arith.constant 0 : i32
      %swap3A_104 = arith.index_cast %swap3A : i32 to index
      %swap3A_105 = arith.constant 0 : index
      %swap3A_106 = tpu.vector_load %arg7[%swap3A_104, %swap3A_105] {strides = array<i32>} : memref<16x16xf32, #tpu.memory_space<vmem>>, vector<16xf32>,
      tpu.vector_store %arg7[%swap3A_104, %swap3A_105], %add3A_103 {strides = array<i32>} : memref<16x16xf32, #tpu.memory_space<vmem>>, vector<16xf32>,
      %run_scoped3A_107 = arith.constant 0 : i32
      "tpu.region"() ({
        %run_scoped3A_108 = tpu.sem_alloc : memref<!tpu.dma_semaphore, #tpu.memory_space<semaphore_mem>>
        %dma_start3A = arith.constant 0 : i32
        %dma_start3A_109 = tpu.memref_slice %arg7[%run_scoped3A_107, %dma_start3A] : memref<16x16xf32, #tpu.memory_space<vmem>> -> memref<1x16xf32, #tpu.memory_space<vmem>>
        %dma_start3A_110 = tpu.memref_squeeze %dma_start3A_109 : memref<1x16xf32, #tpu.memory_space<vmem>> -> memref<16xf32, #tpu.memory_space<vmem>>
        %dma_start3A_111 = arith.constant 9984 : i32
        %dma_start3A_112 = tpu.memref_slice %arg3[%arg0, %dma_start3A_111] : memref<2x10000xf32, #tpu.memory_space<hbm>> -> memref<1x16xf32, #tpu.memory_space<hbm>>
        %dma_start3A_113 = tpu.memref_squeeze %dma_start3A_112 : memref<1x16xf32, #tpu.memory_space<hbm>> -> memref<16xf32, #tpu.memory_space<hbm>>
        %dma_start3A_114 = arith.constant 9984 : i32
        %dma_start3A_115 = tpu.memref_slice %arg3[%arg0, %dma_start3A_114] : memref<2x10000xf32, #tpu.memory_space<hbm>> -> memref<1x16xf32, #tpu.memory_space<hbm>>
        %dma_start3A_116 = tpu.memref_squeeze %dma_start3A_115 : memref<1x16xf32, #tpu.memory_space<hbm>> -> memref<16xf32, #tpu.memory_space<hbm>>
        %dma_start3A_117 = arith.constant 0 : i32
        %dma_start3A_118 = tpu.memref_slice %arg7[%run_scoped3A_107, %dma_start3A_117] : memref<16x16xf32, #tpu.memory_space<vmem>> -> memref<1x16xf32, #tpu.memory_space<vmem>>
        %dma_start3A_119 = tpu.memref_squeeze %dma_start3A_118 : memref<1x16xf32, #tpu.memory_space<vmem>> -> memref<16xf32, #tpu.memory_space<vmem>>
        tpu.enqueue_dma source(%dma_start3A_119 : memref<16xf32, #tpu.memory_space<vmem>>) target(%dma_start3A_116 : memref<16xf32, #tpu.memory_space<hbm>>) target_semaphore(%run_scoped3A_108 : memref<!tpu.dma_semaphore, #tpu.memory_space<semaphore_mem>>)
        %dma_wait3A = arith.constant 0 : i32
        %dma_wait3A_120 = tpu.memref_slice %arg7[%run_scoped3A_107, %dma_wait3A] : memref<16x16xf32, #tpu.memory_space<vmem>> -> memref<1x16xf32, #tpu.memory_space<vmem>>
        %dma_wait3A_121 = tpu.memref_squeeze %dma_wait3A_120 : memref<1x16xf32, #tpu.memory_space<vmem>> -> memref<16xf32, #tpu.memory_space<vmem>>
        %dma_wait3A_122 = arith.constant 9984 : i32
        %dma_wait3A_123 = tpu.memref_slice %arg3[%arg0, %dma_wait3A_122] : memref<2x10000xf32, #tpu.memory_space<hbm>> -> memref<1x16xf32, #tpu.memory_space<hbm>>
        %dma_wait3A_124 = tpu.memref_squeeze %dma_wait3A_123 : memref<1x16xf32, #tpu.memory_space<hbm>> -> memref<16xf32, #tpu.memory_space<hbm>>
        %dma_wait3A_125 = arith.constant 9984 : i32
        %dma_wait3A_126 = tpu.memref_slice %arg3[%arg0, %dma_wait3A_125] : memref<2x10000xf32, #tpu.memory_space<hbm>> -> memref<1x16xf32, #tpu.memory_space<hbm>>
        %dma_wait3A_127 = tpu.memref_squeeze %dma_wait3A_126 : memref<1x16xf32, #tpu.memory_space<hbm>> -> memref<16xf32, #tpu.memory_space<hbm>>
        %dma_wait3A_128 = arith.constant 0 : i32
        %dma_wait3A_129 = tpu.memref_slice %arg7[%run_scoped3A_107, %dma_wait3A_128] : memref<16x16xf32, #tpu.memory_space<vmem>> -> memref<1x16xf32, #tpu.memory_space<vmem>>
        %dma_wait3A_130 = tpu.memref_squeeze %dma_wait3A_129 : memref<1x16xf32, #tpu.memory_space<vmem>> -> memref<16xf32, #tpu.memory_space<vmem>>
        tpu.wait_dma2 semaphore(%run_scoped3A_108 : memref<!tpu.dma_semaphore, #tpu.memory_space<semaphore_mem>>) src(%dma_wait3A_130 : memref<16xf32, #tpu.memory_space<vmem>>) dst(%dma_wait3A_127 : memref<16xf32, #tpu.memory_space<hbm>>)
        tpu.yield
      }) : () -> ()
    } else {
    }
    return
  }
}

#map = affine_map<(d0, d1) -> (0, 0)>
#map1 = affine_map<(d0, d1) -> (0, 0, 0, 0)>
module attributes {stable_mosaic.version = 14 : i64} {
  func.func @k(%arg0: i32, %arg1: i32, %arg2: memref<10000x32xf32, #tpu.memory_space<hbm>>, %arg3: memref<2x32x80x125xi32, #tpu.memory_space<hbm>>, %arg4: memref<10000x128xf32, #tpu.memory_space<hbm>>, %arg5: memref<80x125xi32, #tpu.memory_space<vmem>>, %arg6: memref<80x125xi32, #tpu.memory_space<vmem>>, %arg7: memref<125x32xf32, #tpu.memory_space<vmem>>, %arg8: memref<125x32xf32, #tpu.memory_space<vmem>>, %arg9: memref<125x32xf32, #tpu.memory_space<vmem>>, %arg10: memref<125x32xf32, #tpu.memory_space<vmem>>, %arg11: memref<125x32xf32, #tpu.memory_space<vmem>>, %arg12: memref<312x32xf32, #tpu.memory_space<vmem>>, %arg13: memref<10000x32xf32, #tpu.memory_space<vmem_shared>>, %arg14: memref<!tpu.dma_semaphore, #tpu.memory_space<semaphore_mem>>, %arg15: memref<!tpu.dma_semaphore, #tpu.memory_space<semaphore_mem>>, %arg16: memref<!tpu.dma_semaphore, #tpu.memory_space<semaphore_mem>>, %arg17: memref<!tpu.dma_semaphore, #tpu.memory_space<semaphore_mem>>, %arg18: memref<!tpu.dma_semaphore, #tpu.memory_space<semaphore_mem>>) attributes {dimension_semantics = [#tpu.dimension_semantics<core_parallel>, #tpu.dimension_semantics<subcore_parallel>], iteration_bounds = array<i64: 2, 16>, scalar_prefetch = 0 : i64, scratch_operands = 14 : i64, tpu.core_type = #tpu.core_type<sc_vector_subcore>, window_params = [{transform_indices = #map}, {transform_indices = #map1}, {transform_indices = #map}]} {
    %mul3A = arith.constant 16 : i32
    %mul3A_0 = arith.muli %arg0, %mul3A : i32
    %add3A = arith.addi %mul3A_0, %arg1 : i32
    %scan3A = arith.constant 0 : i32
    %scan3A_1 = arith.constant 0 : i32
    %scan3A_2 = arith.constant 312 : i32
    %scan3A_3 = arith.addi %scan3A_1, %scan3A_2 : i32
    %scan3A_4 = arith.constant 1 : i32
    scf.for %scan3A_75 = %scan3A_1 to %scan3A_3 step %scan3A_4  : i32 {
      %broadcast_in_dim3A = arith.constant 0.000000e+00 : f32
      %broadcast_in_dim3A_76 = vector.broadcast %broadcast_in_dim3A : f32 to vector<16xf32>
      %swap3A = arith.index_cast %scan3A_75 : i32 to index
      %swap3A_77 = arith.constant 0 : index
      %swap3A_78 = tpu.vector_load %arg12[%swap3A, %swap3A_77] {strides = array<i32>} : memref<312x32xf32, #tpu.memory_space<vmem>>, vector<1x16xf32>,
      %swap3A_79 = vector.shape_cast %swap3A_78 : vector<1x16xf32> to vector<16xf32>
      %swap3A_80 = vector.shape_cast %broadcast_in_dim3A_76 : vector<16xf32> to vector<1x16xf32>
      tpu.vector_store %arg12[%swap3A, %swap3A_77], %swap3A_80 {strides = array<i32>} : memref<312x32xf32, #tpu.memory_space<vmem>>, vector<1x16xf32>,
      %broadcast_in_dim3A_81 = arith.constant 0.000000e+00 : f32
      %broadcast_in_dim3A_82 = vector.broadcast %broadcast_in_dim3A_81 : f32 to vector<16xf32>
      %swap3A_83 = arith.index_cast %scan3A_75 : i32 to index
      %swap3A_84 = arith.constant 16 : index
      %swap3A_85 = tpu.vector_load %arg12[%swap3A_83, %swap3A_84] {strides = array<i32>} : memref<312x32xf32, #tpu.memory_space<vmem>>, vector<1x16xf32>,
      %swap3A_86 = vector.shape_cast %swap3A_85 : vector<1x16xf32> to vector<16xf32>
      %swap3A_87 = vector.shape_cast %broadcast_in_dim3A_82 : vector<16xf32> to vector<1x16xf32>
      tpu.vector_store %arg12[%swap3A_83, %swap3A_84], %swap3A_87 {strides = array<i32>} : memref<312x32xf32, #tpu.memory_space<vmem>>, vector<1x16xf32>,
    }
    %scan3A_5 = arith.constant 312 : i32
    %mul3A_6 = arith.constant 624 : i32
    %mul3A_7 = arith.muli %arg1, %mul3A_6 : i32
    %add3A_8 = arith.constant 0 : i32
    %add3A_9 = arith.addi %mul3A_7, %add3A_8 : i32
    "tpu.region"() ({
      %run_scoped3A_75 = tpu.sem_alloc : memref<!tpu.dma_semaphore, #tpu.memory_space<semaphore_mem>>
      %dma_start3A_76 = arith.constant 0 : i32
      %dma_start3A_77 = tpu.memref_slice %arg13[%add3A_9, %dma_start3A_76] : memref<10000x32xf32, #tpu.memory_space<vmem_shared>> -> memref<312x32xf32, #tpu.memory_space<vmem_shared>>
      %dma_start3A_78 = arith.constant 0 : i32
      %dma_start3A_79 = tpu.memref_slice %arg13[%add3A_9, %dma_start3A_78] : memref<10000x32xf32, #tpu.memory_space<vmem_shared>> -> memref<312x32xf32, #tpu.memory_space<vmem_shared>>
      tpu.enqueue_dma source(%arg12 : memref<312x32xf32, #tpu.memory_space<vmem>>) target(%dma_start3A_79 : memref<312x32xf32, #tpu.memory_space<vmem_shared>>) target_semaphore(%run_scoped3A_75 : memref<!tpu.dma_semaphore, #tpu.memory_space<semaphore_mem>>)
      %dma_wait3A = arith.constant 0 : i32
      %dma_wait3A_80 = tpu.memref_slice %arg13[%add3A_9, %dma_wait3A] : memref<10000x32xf32, #tpu.memory_space<vmem_shared>> -> memref<312x32xf32, #tpu.memory_space<vmem_shared>>
      %dma_wait3A_81 = arith.constant 0 : i32
      %dma_wait3A_82 = tpu.memref_slice %arg13[%add3A_9, %dma_wait3A_81] : memref<10000x32xf32, #tpu.memory_space<vmem_shared>> -> memref<312x32xf32, #tpu.memory_space<vmem_shared>>
      tpu.wait_dma2 semaphore(%run_scoped3A_75 : memref<!tpu.dma_semaphore, #tpu.memory_space<semaphore_mem>>) src(%arg12 : memref<312x32xf32, #tpu.memory_space<vmem>>) dst(%dma_wait3A_82 : memref<312x32xf32, #tpu.memory_space<vmem_shared>>)
      tpu.yield
    }) : () -> ()
    %mul3A_10 = arith.constant 624 : i32
    %mul3A_11 = arith.muli %arg1, %mul3A_10 : i32
    %add3A_12 = arith.constant 312 : i32
    %add3A_13 = arith.addi %mul3A_11, %add3A_12 : i32
    "tpu.region"() ({
      %run_scoped3A_75 = tpu.sem_alloc : memref<!tpu.dma_semaphore, #tpu.memory_space<semaphore_mem>>
      %dma_start3A_76 = arith.constant 0 : i32
      %dma_start3A_77 = tpu.memref_slice %arg13[%add3A_13, %dma_start3A_76] : memref<10000x32xf32, #tpu.memory_space<vmem_shared>> -> memref<312x32xf32, #tpu.memory_space<vmem_shared>>
      %dma_start3A_78 = arith.constant 0 : i32
      %dma_start3A_79 = tpu.memref_slice %arg13[%add3A_13, %dma_start3A_78] : memref<10000x32xf32, #tpu.memory_space<vmem_shared>> -> memref<312x32xf32, #tpu.memory_space<vmem_shared>>
      tpu.enqueue_dma source(%arg12 : memref<312x32xf32, #tpu.memory_space<vmem>>) target(%dma_start3A_79 : memref<312x32xf32, #tpu.memory_space<vmem_shared>>) target_semaphore(%run_scoped3A_75 : memref<!tpu.dma_semaphore, #tpu.memory_space<semaphore_mem>>)
      %dma_wait3A = arith.constant 0 : i32
      %dma_wait3A_80 = tpu.memref_slice %arg13[%add3A_13, %dma_wait3A] : memref<10000x32xf32, #tpu.memory_space<vmem_shared>> -> memref<312x32xf32, #tpu.memory_space<vmem_shared>>
      %dma_wait3A_81 = arith.constant 0 : i32
      %dma_wait3A_82 = tpu.memref_slice %arg13[%add3A_13, %dma_wait3A_81] : memref<10000x32xf32, #tpu.memory_space<vmem_shared>> -> memref<312x32xf32, #tpu.memory_space<vmem_shared>>
      tpu.wait_dma2 semaphore(%run_scoped3A_75 : memref<!tpu.dma_semaphore, #tpu.memory_space<semaphore_mem>>) src(%arg12 : memref<312x32xf32, #tpu.memory_space<vmem>>) dst(%dma_wait3A_82 : memref<312x32xf32, #tpu.memory_space<vmem_shared>>)
      tpu.yield
    }) : () -> ()
    %eq3A = arith.constant 15 : i32
    %eq3A_14 = arith.cmpi eq, %arg1, %eq3A : i32
    %convert_element_type3A = arith.extui %eq3A_14 : i1 to i32
    %cond3A = arith.constant 0 : i32
    %cond3A_15 = arith.cmpi ne, %convert_element_type3A, %cond3A : i32
    scf.if %cond3A_15 {
      "tpu.region"() ({
        %run_scoped3A_75 = tpu.sem_alloc : memref<!tpu.dma_semaphore, #tpu.memory_space<semaphore_mem>>
        %dma_start3A_76 = arith.constant 0 : i32
        %dma_start3A_77 = arith.constant 0 : i32
        %dma_start3A_78 = tpu.memref_slice %arg12[%dma_start3A_76, %dma_start3A_77] : memref<312x32xf32, #tpu.memory_space<vmem>> -> memref<16x32xf32, #tpu.memory_space<vmem>>
        %dma_start3A_79 = arith.constant 9984 : i32
        %dma_start3A_80 = arith.constant 0 : i32
        %dma_start3A_81 = tpu.memref_slice %arg13[%dma_start3A_79, %dma_start3A_80] : memref<10000x32xf32, #tpu.memory_space<vmem_shared>> -> memref<16x32xf32, #tpu.memory_space<vmem_shared>>
        %dma_start3A_82 = arith.constant 9984 : i32
        %dma_start3A_83 = arith.constant 0 : i32
        %dma_start3A_84 = tpu.memref_slice %arg13[%dma_start3A_82, %dma_start3A_83] : memref<10000x32xf32, #tpu.memory_space<vmem_shared>> -> memref<16x32xf32, #tpu.memory_space<vmem_shared>>
        %dma_start3A_85 = arith.constant 0 : i32
        %dma_start3A_86 = arith.constant 0 : i32
        %dma_start3A_87 = tpu.memref_slice %arg12[%dma_start3A_85, %dma_start3A_86] : memref<312x32xf32, #tpu.memory_space<vmem>> -> memref<16x32xf32, #tpu.memory_space<vmem>>
        tpu.enqueue_dma source(%dma_start3A_87 : memref<16x32xf32, #tpu.memory_space<vmem>>) target(%dma_start3A_84 : memref<16x32xf32, #tpu.memory_space<vmem_shared>>) target_semaphore(%run_scoped3A_75 : memref<!tpu.dma_semaphore, #tpu.memory_space<semaphore_mem>>)
        %dma_wait3A = arith.constant 0 : i32
        %dma_wait3A_88 = arith.constant 0 : i32
        %dma_wait3A_89 = tpu.memref_slice %arg12[%dma_wait3A, %dma_wait3A_88] : memref<312x32xf32, #tpu.memory_space<vmem>> -> memref<16x32xf32, #tpu.memory_space<vmem>>
        %dma_wait3A_90 = arith.constant 9984 : i32
        %dma_wait3A_91 = arith.constant 0 : i32
        %dma_wait3A_92 = tpu.memref_slice %arg13[%dma_wait3A_90, %dma_wait3A_91] : memref<10000x32xf32, #tpu.memory_space<vmem_shared>> -> memref<16x32xf32, #tpu.memory_space<vmem_shared>>
        %dma_wait3A_93 = arith.constant 9984 : i32
        %dma_wait3A_94 = arith.constant 0 : i32
        %dma_wait3A_95 = tpu.memref_slice %arg13[%dma_wait3A_93, %dma_wait3A_94] : memref<10000x32xf32, #tpu.memory_space<vmem_shared>> -> memref<16x32xf32, #tpu.memory_space<vmem_shared>>
        %dma_wait3A_96 = arith.constant 0 : i32
        %dma_wait3A_97 = arith.constant 0 : i32
        %dma_wait3A_98 = tpu.memref_slice %arg12[%dma_wait3A_96, %dma_wait3A_97] : memref<312x32xf32, #tpu.memory_space<vmem>> -> memref<16x32xf32, #tpu.memory_space<vmem>>
        tpu.wait_dma2 semaphore(%run_scoped3A_75 : memref<!tpu.dma_semaphore, #tpu.memory_space<semaphore_mem>>) src(%dma_wait3A_98 : memref<16x32xf32, #tpu.memory_space<vmem>>) dst(%dma_wait3A_95 : memref<16x32xf32, #tpu.memory_space<vmem_shared>>)
        tpu.yield
      }) : () -> ()
    } else {
    }
    %run_scoped3A = arith.constant 0 : i32
    "tpu.region"() ({
      %run_scoped3A_75 = tpu.sem_alloc : memref<!tpu.dma_semaphore, #tpu.memory_space<semaphore_mem>>
      %dma_start3A_76 = arith.constant 0 : i32
      %dma_start3A_77 = arith.constant 0 : i32
      %dma_start3A_78 = tpu.memref_slice %arg3[%run_scoped3A, %add3A, %dma_start3A_76, %dma_start3A_77] : memref<2x32x80x125xi32, #tpu.memory_space<hbm>> -> memref<1x1x80x125xi32, #tpu.memory_space<hbm>>
      %dma_start3A_79 = tpu.memref_squeeze %dma_start3A_78 : memref<1x1x80x125xi32, #tpu.memory_space<hbm>> -> memref<80x125xi32, #tpu.memory_space<hbm>>
      %dma_start3A_80 = arith.constant 0 : i32
      %dma_start3A_81 = arith.constant 0 : i32
      %dma_start3A_82 = tpu.memref_slice %arg3[%run_scoped3A, %add3A, %dma_start3A_80, %dma_start3A_81] : memref<2x32x80x125xi32, #tpu.memory_space<hbm>> -> memref<1x1x80x125xi32, #tpu.memory_space<hbm>>
      %dma_start3A_83 = tpu.memref_squeeze %dma_start3A_82 : memref<1x1x80x125xi32, #tpu.memory_space<hbm>> -> memref<80x125xi32, #tpu.memory_space<hbm>>
      tpu.enqueue_dma source(%dma_start3A_83 : memref<80x125xi32, #tpu.memory_space<hbm>>) target(%arg5 : memref<80x125xi32, #tpu.memory_space<vmem>>) target_semaphore(%run_scoped3A_75 : memref<!tpu.dma_semaphore, #tpu.memory_space<semaphore_mem>>)
      %dma_wait3A = arith.constant 0 : i32
      %dma_wait3A_84 = arith.constant 0 : i32
      %dma_wait3A_85 = tpu.memref_slice %arg3[%run_scoped3A, %add3A, %dma_wait3A, %dma_wait3A_84] : memref<2x32x80x125xi32, #tpu.memory_space<hbm>> -> memref<1x1x80x125xi32, #tpu.memory_space<hbm>>
      %dma_wait3A_86 = tpu.memref_squeeze %dma_wait3A_85 : memref<1x1x80x125xi32, #tpu.memory_space<hbm>> -> memref<80x125xi32, #tpu.memory_space<hbm>>
      %dma_wait3A_87 = arith.constant 0 : i32
      %dma_wait3A_88 = arith.constant 0 : i32
      %dma_wait3A_89 = tpu.memref_slice %arg3[%run_scoped3A, %add3A, %dma_wait3A_87, %dma_wait3A_88] : memref<2x32x80x125xi32, #tpu.memory_space<hbm>> -> memref<1x1x80x125xi32, #tpu.memory_space<hbm>>
      %dma_wait3A_90 = tpu.memref_squeeze %dma_wait3A_89 : memref<1x1x80x125xi32, #tpu.memory_space<hbm>> -> memref<80x125xi32, #tpu.memory_space<hbm>>
      tpu.wait_dma2 semaphore(%run_scoped3A_75 : memref<!tpu.dma_semaphore, #tpu.memory_space<semaphore_mem>>) src(%dma_wait3A_90 : memref<80x125xi32, #tpu.memory_space<hbm>>) dst(%arg5 : memref<80x125xi32, #tpu.memory_space<vmem>>)
      tpu.yield
    }) : () -> ()
    %run_scoped3A_16 = arith.constant 1 : i32
    "tpu.region"() ({
      %run_scoped3A_75 = tpu.sem_alloc : memref<!tpu.dma_semaphore, #tpu.memory_space<semaphore_mem>>
      %dma_start3A_76 = arith.constant 0 : i32
      %dma_start3A_77 = arith.constant 0 : i32
      %dma_start3A_78 = tpu.memref_slice %arg3[%run_scoped3A_16, %add3A, %dma_start3A_76, %dma_start3A_77] : memref<2x32x80x125xi32, #tpu.memory_space<hbm>> -> memref<1x1x80x125xi32, #tpu.memory_space<hbm>>
      %dma_start3A_79 = tpu.memref_squeeze %dma_start3A_78 : memref<1x1x80x125xi32, #tpu.memory_space<hbm>> -> memref<80x125xi32, #tpu.memory_space<hbm>>
      %dma_start3A_80 = arith.constant 0 : i32
      %dma_start3A_81 = arith.constant 0 : i32
      %dma_start3A_82 = tpu.memref_slice %arg3[%run_scoped3A_16, %add3A, %dma_start3A_80, %dma_start3A_81] : memref<2x32x80x125xi32, #tpu.memory_space<hbm>> -> memref<1x1x80x125xi32, #tpu.memory_space<hbm>>
      %dma_start3A_83 = tpu.memref_squeeze %dma_start3A_82 : memref<1x1x80x125xi32, #tpu.memory_space<hbm>> -> memref<80x125xi32, #tpu.memory_space<hbm>>
      tpu.enqueue_dma source(%dma_start3A_83 : memref<80x125xi32, #tpu.memory_space<hbm>>) target(%arg6 : memref<80x125xi32, #tpu.memory_space<vmem>>) target_semaphore(%run_scoped3A_75 : memref<!tpu.dma_semaphore, #tpu.memory_space<semaphore_mem>>)
      %dma_wait3A = arith.constant 0 : i32
      %dma_wait3A_84 = arith.constant 0 : i32
      %dma_wait3A_85 = tpu.memref_slice %arg3[%run_scoped3A_16, %add3A, %dma_wait3A, %dma_wait3A_84] : memref<2x32x80x125xi32, #tpu.memory_space<hbm>> -> memref<1x1x80x125xi32, #tpu.memory_space<hbm>>
      %dma_wait3A_86 = tpu.memref_squeeze %dma_wait3A_85 : memref<1x1x80x125xi32, #tpu.memory_space<hbm>> -> memref<80x125xi32, #tpu.memory_space<hbm>>
      %dma_wait3A_87 = arith.constant 0 : i32
      %dma_wait3A_88 = arith.constant 0 : i32
      %dma_wait3A_89 = tpu.memref_slice %arg3[%run_scoped3A_16, %add3A, %dma_wait3A_87, %dma_wait3A_88] : memref<2x32x80x125xi32, #tpu.memory_space<hbm>> -> memref<1x1x80x125xi32, #tpu.memory_space<hbm>>
      %dma_wait3A_90 = tpu.memref_squeeze %dma_wait3A_89 : memref<1x1x80x125xi32, #tpu.memory_space<hbm>> -> memref<80x125xi32, #tpu.memory_space<hbm>>
      tpu.wait_dma2 semaphore(%run_scoped3A_75 : memref<!tpu.dma_semaphore, #tpu.memory_space<semaphore_mem>>) src(%dma_wait3A_90 : memref<80x125xi32, #tpu.memory_space<hbm>>) dst(%arg6 : memref<80x125xi32, #tpu.memory_space<vmem>>)
      tpu.yield
    }) : () -> ()
    %barrier3A = arith.constant 0 : index
    tpu.barrier barrier_id(%barrier3A)
    %dma_start3A = arith.constant 0 : i32
    %dma_start3A_17 = arith.constant 0 : i32
    %dma_start3A_18 = tpu.memref_slice %arg5[%dma_start3A, %dma_start3A_17] : memref<80x125xi32, #tpu.memory_space<vmem>> -> memref<1x125xi32, #tpu.memory_space<vmem>>
    %dma_start3A_19 = tpu.memref_squeeze %dma_start3A_18 : memref<1x125xi32, #tpu.memory_space<vmem>> -> memref<125xi32, #tpu.memory_space<vmem>>
    %dma_start3A_20 = arith.constant 0 : i32
    %dma_start3A_21 = arith.constant 0 : i32
    %dma_start3A_22 = tpu.memref_slice %arg2[%dma_start3A_20, %dma_start3A_21] : memref<10000x32xf32, #tpu.memory_space<hbm>> -> memref<10000x32xf32, #tpu.memory_space<hbm>>
    tpu.enqueue_indirect_dma source(%dma_start3A_22 : memref<10000x32xf32, #tpu.memory_space<hbm>>) target(%arg7 : memref<125x32xf32, #tpu.memory_space<vmem>>) offsets(%dma_start3A_19 : memref<125xi32, #tpu.memory_space<vmem>>) semaphore(%arg14 : memref<!tpu.dma_semaphore, #tpu.memory_space<semaphore_mem>>)
    %dma_start3A_23 = arith.constant 1 : i32
    %dma_start3A_24 = arith.constant 0 : i32
    %dma_start3A_25 = tpu.memref_slice %arg5[%dma_start3A_23, %dma_start3A_24] : memref<80x125xi32, #tpu.memory_space<vmem>> -> memref<1x125xi32, #tpu.memory_space<vmem>>
    %dma_start3A_26 = tpu.memref_squeeze %dma_start3A_25 : memref<1x125xi32, #tpu.memory_space<vmem>> -> memref<125xi32, #tpu.memory_space<vmem>>
    %dma_start3A_27 = arith.constant 0 : i32
    %dma_start3A_28 = arith.constant 0 : i32
    %dma_start3A_29 = tpu.memref_slice %arg2[%dma_start3A_27, %dma_start3A_28] : memref<10000x32xf32, #tpu.memory_space<hbm>> -> memref<10000x32xf32, #tpu.memory_space<hbm>>
    tpu.enqueue_indirect_dma source(%dma_start3A_29 : memref<10000x32xf32, #tpu.memory_space<hbm>>) target(%arg8 : memref<125x32xf32, #tpu.memory_space<vmem>>) offsets(%dma_start3A_26 : memref<125xi32, #tpu.memory_space<vmem>>) semaphore(%arg15 : memref<!tpu.dma_semaphore, #tpu.memory_space<semaphore_mem>>)
    %dma_start3A_30 = arith.constant 2 : i32
    %dma_start3A_31 = arith.constant 0 : i32
    %dma_start3A_32 = tpu.memref_slice %arg5[%dma_start3A_30, %dma_start3A_31] : memref<80x125xi32, #tpu.memory_space<vmem>> -> memref<1x125xi32, #tpu.memory_space<vmem>>
    %dma_start3A_33 = tpu.memref_squeeze %dma_start3A_32 : memref<1x125xi32, #tpu.memory_space<vmem>> -> memref<125xi32, #tpu.memory_space<vmem>>
    %dma_start3A_34 = arith.constant 0 : i32
    %dma_start3A_35 = arith.constant 0 : i32
    %dma_start3A_36 = tpu.memref_slice %arg2[%dma_start3A_34, %dma_start3A_35] : memref<10000x32xf32, #tpu.memory_space<hbm>> -> memref<10000x32xf32, #tpu.memory_space<hbm>>
    tpu.enqueue_indirect_dma source(%dma_start3A_36 : memref<10000x32xf32, #tpu.memory_space<hbm>>) target(%arg9 : memref<125x32xf32, #tpu.memory_space<vmem>>) offsets(%dma_start3A_33 : memref<125xi32, #tpu.memory_space<vmem>>) semaphore(%arg16 : memref<!tpu.dma_semaphore, #tpu.memory_space<semaphore_mem>>)
    %dma_start3A_37 = arith.constant 3 : i32
    %dma_start3A_38 = arith.constant 0 : i32
    %dma_start3A_39 = tpu.memref_slice %arg5[%dma_start3A_37, %dma_start3A_38] : memref<80x125xi32, #tpu.memory_space<vmem>> -> memref<1x125xi32, #tpu.memory_space<vmem>>
    %dma_start3A_40 = tpu.memref_squeeze %dma_start3A_39 : memref<1x125xi32, #tpu.memory_space<vmem>> -> memref<125xi32, #tpu.memory_space<vmem>>
    %dma_start3A_41 = arith.constant 0 : i32
    %dma_start3A_42 = arith.constant 0 : i32
    %dma_start3A_43 = tpu.memref_slice %arg2[%dma_start3A_41, %dma_start3A_42] : memref<10000x32xf32, #tpu.memory_space<hbm>> -> memref<10000x32xf32, #tpu.memory_space<hbm>>
    tpu.enqueue_indirect_dma source(%dma_start3A_43 : memref<10000x32xf32, #tpu.memory_space<hbm>>) target(%arg10 : memref<125x32xf32, #tpu.memory_space<vmem>>) offsets(%dma_start3A_40 : memref<125xi32, #tpu.memory_space<vmem>>) semaphore(%arg17 : memref<!tpu.dma_semaphore, #tpu.memory_space<semaphore_mem>>)
    %dma_start3A_44 = arith.constant 4 : i32
    %dma_start3A_45 = arith.constant 0 : i32
    %dma_start3A_46 = tpu.memref_slice %arg5[%dma_start3A_44, %dma_start3A_45] : memref<80x125xi32, #tpu.memory_space<vmem>> -> memref<1x125xi32, #tpu.memory_space<vmem>>
    %dma_start3A_47 = tpu.memref_squeeze %dma_start3A_46 : memref<1x125xi32, #tpu.memory_space<vmem>> -> memref<125xi32, #tpu.memory_space<vmem>>
    %dma_start3A_48 = arith.constant 0 : i32
    %dma_start3A_49 = arith.constant 0 : i32
    %dma_start3A_50 = tpu.memref_slice %arg2[%dma_start3A_48, %dma_start3A_49] : memref<10000x32xf32, #tpu.memory_space<hbm>> -> memref<10000x32xf32, #tpu.memory_space<hbm>>
    tpu.enqueue_indirect_dma source(%dma_start3A_50 : memref<10000x32xf32, #tpu.memory_space<hbm>>) target(%arg11 : memref<125x32xf32, #tpu.memory_space<vmem>>) offsets(%dma_start3A_47 : memref<125xi32, #tpu.memory_space<vmem>>) semaphore(%arg18 : memref<!tpu.dma_semaphore, #tpu.memory_space<semaphore_mem>>)
    %scan3A_51 = arith.constant 0 : i32
    %scan3A_52 = arith.constant 0 : i32
    %scan3A_53 = arith.constant 16 : i32
    %scan3A_54 = arith.addi %scan3A_52, %scan3A_53 : i32
    %scan3A_55 = arith.constant 1 : i32
    scf.for %scan3A_75 = %scan3A_52 to %scan3A_54 step %scan3A_55  : i32 {
      %mul3A_76 = arith.constant 5 : i32
      %mul3A_77 = arith.muli %scan3A_75, %mul3A_76 : i32
      %add3A_78 = arith.constant 0 : i32
      %add3A_79 = arith.addi %mul3A_77, %add3A_78 : i32
      %dma_wait3A = arith.constant 0 : i32
      %dma_wait3A_80 = tpu.memref_slice %arg5[%add3A_79, %dma_wait3A] : memref<80x125xi32, #tpu.memory_space<vmem>> -> memref<1x125xi32, #tpu.memory_space<vmem>>
      %dma_wait3A_81 = tpu.memref_squeeze %dma_wait3A_80 : memref<1x125xi32, #tpu.memory_space<vmem>> -> memref<125xi32, #tpu.memory_space<vmem>>
      %dma_wait3A_82 = arith.constant 0 : i32
      %dma_wait3A_83 = arith.constant 0 : i32
      %dma_wait3A_84 = tpu.memref_slice %arg2[%dma_wait3A_82, %dma_wait3A_83] : memref<10000x32xf32, #tpu.memory_space<hbm>> -> memref<10000x32xf32, #tpu.memory_space<hbm>>
      tpu.wait_indirect_dma semaphore(%arg14 : memref<!tpu.dma_semaphore, #tpu.memory_space<semaphore_mem>>) src(%dma_wait3A_84 : memref<10000x32xf32, #tpu.memory_space<hbm>>) dst(%arg7 : memref<125x32xf32, #tpu.memory_space<vmem>>)
      "tpu.region"() ({
        %run_scoped3A_159 = tpu.sem_alloc : memref<!tpu.dma_semaphore, #tpu.memory_space<semaphore_mem>>
        %dma_start3A_160 = arith.constant 0 : i32
        %dma_start3A_161 = tpu.memref_slice %arg6[%add3A_79, %dma_start3A_160] : memref<80x125xi32, #tpu.memory_space<vmem>> -> memref<1x125xi32, #tpu.memory_space<vmem>>
        %dma_start3A_162 = tpu.memref_squeeze %dma_start3A_161 : memref<1x125xi32, #tpu.memory_space<vmem>> -> memref<125xi32, #tpu.memory_space<vmem>>
        %dma_start3A_163 = arith.constant 0 : i32
        %dma_start3A_164 = arith.constant 0 : i32
        %dma_start3A_165 = tpu.memref_slice %arg13[%dma_start3A_163, %dma_start3A_164] : memref<10000x32xf32, #tpu.memory_space<vmem_shared>> -> memref<10000x32xf32, #tpu.memory_space<vmem_shared>>
        tpu.enqueue_indirect_dma source(%arg7 : memref<125x32xf32, #tpu.memory_space<vmem>>) target(%dma_start3A_165 : memref<10000x32xf32, #tpu.memory_space<vmem_shared>>) offsets(%dma_start3A_162 : memref<125xi32, #tpu.memory_space<vmem>>) semaphore(%run_scoped3A_159 : memref<!tpu.dma_semaphore, #tpu.memory_space<semaphore_mem>>) {add = true}
        %dma_wait3A_166 = arith.constant 0 : i32
        %dma_wait3A_167 = tpu.memref_slice %arg6[%add3A_79, %dma_wait3A_166] : memref<80x125xi32, #tpu.memory_space<vmem>> -> memref<1x125xi32, #tpu.memory_space<vmem>>
        %dma_wait3A_168 = tpu.memref_squeeze %dma_wait3A_167 : memref<1x125xi32, #tpu.memory_space<vmem>> -> memref<125xi32, #tpu.memory_space<vmem>>
        %dma_wait3A_169 = arith.constant 0 : i32
        %dma_wait3A_170 = arith.constant 0 : i32
        %dma_wait3A_171 = tpu.memref_slice %arg13[%dma_wait3A_169, %dma_wait3A_170] : memref<10000x32xf32, #tpu.memory_space<vmem_shared>> -> memref<10000x32xf32, #tpu.memory_space<vmem_shared>>
        tpu.wait_indirect_dma semaphore(%run_scoped3A_159 : memref<!tpu.dma_semaphore, #tpu.memory_space<semaphore_mem>>) src(%arg7 : memref<125x32xf32, #tpu.memory_space<vmem>>) dst(%dma_wait3A_171 : memref<10000x32xf32, #tpu.memory_space<vmem_shared>>)
        tpu.yield
      }) : () -> ()
      %add3A_85 = arith.constant 5 : i32
      %add3A_86 = arith.addi %add3A_79, %add3A_85 : i32
      %lt3A = arith.constant 80 : i32
      %lt3A_87 = arith.cmpi slt, %add3A_86, %lt3A : i32
      %convert_element_type3A_88 = arith.extui %lt3A_87 : i1 to i32
      %cond3A_89 = arith.constant 0 : i32
      %cond3A_90 = arith.cmpi ne, %convert_element_type3A_88, %cond3A_89 : i32
      scf.if %cond3A_90 {
        %dma_start3A_159 = arith.constant 0 : i32
        %dma_start3A_160 = tpu.memref_slice %arg5[%add3A_86, %dma_start3A_159] : memref<80x125xi32, #tpu.memory_space<vmem>> -> memref<1x125xi32, #tpu.memory_space<vmem>>
        %dma_start3A_161 = tpu.memref_squeeze %dma_start3A_160 : memref<1x125xi32, #tpu.memory_space<vmem>> -> memref<125xi32, #tpu.memory_space<vmem>>
        %dma_start3A_162 = arith.constant 0 : i32
        %dma_start3A_163 = arith.constant 0 : i32
        %dma_start3A_164 = tpu.memref_slice %arg2[%dma_start3A_162, %dma_start3A_163] : memref<10000x32xf32, #tpu.memory_space<hbm>> -> memref<10000x32xf32, #tpu.memory_space<hbm>>
        tpu.enqueue_indirect_dma source(%dma_start3A_164 : memref<10000x32xf32, #tpu.memory_space<hbm>>) target(%arg7 : memref<125x32xf32, #tpu.memory_space<vmem>>) offsets(%dma_start3A_161 : memref<125xi32, #tpu.memory_space<vmem>>) semaphore(%arg14 : memref<!tpu.dma_semaphore, #tpu.memory_space<semaphore_mem>>)
      } else {
      }
      %mul3A_91 = arith.constant 5 : i32
      %mul3A_92 = arith.muli %scan3A_75, %mul3A_91 : i32
      %add3A_93 = arith.constant 1 : i32
      %add3A_94 = arith.addi %mul3A_92, %add3A_93 : i32
      %dma_wait3A_95 = arith.constant 0 : i32
      %dma_wait3A_96 = tpu.memref_slice %arg5[%add3A_94, %dma_wait3A_95] : memref<80x125xi32, #tpu.memory_space<vmem>> -> memref<1x125xi32, #tpu.memory_space<vmem>>
      %dma_wait3A_97 = tpu.memref_squeeze %dma_wait3A_96 : memref<1x125xi32, #tpu.memory_space<vmem>> -> memref<125xi32, #tpu.memory_space<vmem>>
      %dma_wait3A_98 = arith.constant 0 : i32
      %dma_wait3A_99 = arith.constant 0 : i32
      %dma_wait3A_100 = tpu.memref_slice %arg2[%dma_wait3A_98, %dma_wait3A_99] : memref<10000x32xf32, #tpu.memory_space<hbm>> -> memref<10000x32xf32, #tpu.memory_space<hbm>>
      tpu.wait_indirect_dma semaphore(%arg15 : memref<!tpu.dma_semaphore, #tpu.memory_space<semaphore_mem>>) src(%dma_wait3A_100 : memref<10000x32xf32, #tpu.memory_space<hbm>>) dst(%arg8 : memref<125x32xf32, #tpu.memory_space<vmem>>)
      "tpu.region"() ({
        %run_scoped3A_159 = tpu.sem_alloc : memref<!tpu.dma_semaphore, #tpu.memory_space<semaphore_mem>>
        %dma_start3A_160 = arith.constant 0 : i32
        %dma_start3A_161 = tpu.memref_slice %arg6[%add3A_94, %dma_start3A_160] : memref<80x125xi32, #tpu.memory_space<vmem>> -> memref<1x125xi32, #tpu.memory_space<vmem>>
        %dma_start3A_162 = tpu.memref_squeeze %dma_start3A_161 : memref<1x125xi32, #tpu.memory_space<vmem>> -> memref<125xi32, #tpu.memory_space<vmem>>
        %dma_start3A_163 = arith.constant 0 : i32
        %dma_start3A_164 = arith.constant 0 : i32
        %dma_start3A_165 = tpu.memref_slice %arg13[%dma_start3A_163, %dma_start3A_164] : memref<10000x32xf32, #tpu.memory_space<vmem_shared>> -> memref<10000x32xf32, #tpu.memory_space<vmem_shared>>
        tpu.enqueue_indirect_dma source(%arg8 : memref<125x32xf32, #tpu.memory_space<vmem>>) target(%dma_start3A_165 : memref<10000x32xf32, #tpu.memory_space<vmem_shared>>) offsets(%dma_start3A_162 : memref<125xi32, #tpu.memory_space<vmem>>) semaphore(%run_scoped3A_159 : memref<!tpu.dma_semaphore, #tpu.memory_space<semaphore_mem>>) {add = true}
        %dma_wait3A_166 = arith.constant 0 : i32
        %dma_wait3A_167 = tpu.memref_slice %arg6[%add3A_94, %dma_wait3A_166] : memref<80x125xi32, #tpu.memory_space<vmem>> -> memref<1x125xi32, #tpu.memory_space<vmem>>
        %dma_wait3A_168 = tpu.memref_squeeze %dma_wait3A_167 : memref<1x125xi32, #tpu.memory_space<vmem>> -> memref<125xi32, #tpu.memory_space<vmem>>
        %dma_wait3A_169 = arith.constant 0 : i32
        %dma_wait3A_170 = arith.constant 0 : i32
        %dma_wait3A_171 = tpu.memref_slice %arg13[%dma_wait3A_169, %dma_wait3A_170] : memref<10000x32xf32, #tpu.memory_space<vmem_shared>> -> memref<10000x32xf32, #tpu.memory_space<vmem_shared>>
        tpu.wait_indirect_dma semaphore(%run_scoped3A_159 : memref<!tpu.dma_semaphore, #tpu.memory_space<semaphore_mem>>) src(%arg8 : memref<125x32xf32, #tpu.memory_space<vmem>>) dst(%dma_wait3A_171 : memref<10000x32xf32, #tpu.memory_space<vmem_shared>>)
        tpu.yield
      }) : () -> ()
      %add3A_101 = arith.constant 5 : i32
      %add3A_102 = arith.addi %add3A_94, %add3A_101 : i32
      %lt3A_103 = arith.constant 80 : i32
      %lt3A_104 = arith.cmpi slt, %add3A_102, %lt3A_103 : i32
      %convert_element_type3A_105 = arith.extui %lt3A_104 : i1 to i32
      %cond3A_106 = arith.constant 0 : i32
      %cond3A_107 = arith.cmpi ne, %convert_element_type3A_105, %cond3A_106 : i32
      scf.if %cond3A_107 {
        %dma_start3A_159 = arith.constant 0 : i32
        %dma_start3A_160 = tpu.memref_slice %arg5[%add3A_102, %dma_start3A_159] : memref<80x125xi32, #tpu.memory_space<vmem>> -> memref<1x125xi32, #tpu.memory_space<vmem>>
        %dma_start3A_161 = tpu.memref_squeeze %dma_start3A_160 : memref<1x125xi32, #tpu.memory_space<vmem>> -> memref<125xi32, #tpu.memory_space<vmem>>
        %dma_start3A_162 = arith.constant 0 : i32
        %dma_start3A_163 = arith.constant 0 : i32
        %dma_start3A_164 = tpu.memref_slice %arg2[%dma_start3A_162, %dma_start3A_163] : memref<10000x32xf32, #tpu.memory_space<hbm>> -> memref<10000x32xf32, #tpu.memory_space<hbm>>
        tpu.enqueue_indirect_dma source(%dma_start3A_164 : memref<10000x32xf32, #tpu.memory_space<hbm>>) target(%arg8 : memref<125x32xf32, #tpu.memory_space<vmem>>) offsets(%dma_start3A_161 : memref<125xi32, #tpu.memory_space<vmem>>) semaphore(%arg15 : memref<!tpu.dma_semaphore, #tpu.memory_space<semaphore_mem>>)
      } else {
      }
      %mul3A_108 = arith.constant 5 : i32
      %mul3A_109 = arith.muli %scan3A_75, %mul3A_108 : i32
      %add3A_110 = arith.constant 2 : i32
      %add3A_111 = arith.addi %mul3A_109, %add3A_110 : i32
      %dma_wait3A_112 = arith.constant 0 : i32
      %dma_wait3A_113 = tpu.memref_slice %arg5[%add3A_111, %dma_wait3A_112] : memref<80x125xi32, #tpu.memory_space<vmem>> -> memref<1x125xi32, #tpu.memory_space<vmem>>
      %dma_wait3A_114 = tpu.memref_squeeze %dma_wait3A_113 : memref<1x125xi32, #tpu.memory_space<vmem>> -> memref<125xi32, #tpu.memory_space<vmem>>
      %dma_wait3A_115 = arith.constant 0 : i32
      %dma_wait3A_116 = arith.constant 0 : i32
      %dma_wait3A_117 = tpu.memref_slice %arg2[%dma_wait3A_115, %dma_wait3A_116] : memref<10000x32xf32, #tpu.memory_space<hbm>> -> memref<10000x32xf32, #tpu.memory_space<hbm>>
      tpu.wait_indirect_dma semaphore(%arg16 : memref<!tpu.dma_semaphore, #tpu.memory_space<semaphore_mem>>) src(%dma_wait3A_117 : memref<10000x32xf32, #tpu.memory_space<hbm>>) dst(%arg9 : memref<125x32xf32, #tpu.memory_space<vmem>>)
      "tpu.region"() ({
        %run_scoped3A_159 = tpu.sem_alloc : memref<!tpu.dma_semaphore, #tpu.memory_space<semaphore_mem>>
        %dma_start3A_160 = arith.constant 0 : i32
        %dma_start3A_161 = tpu.memref_slice %arg6[%add3A_111, %dma_start3A_160] : memref<80x125xi32, #tpu.memory_space<vmem>> -> memref<1x125xi32, #tpu.memory_space<vmem>>
        %dma_start3A_162 = tpu.memref_squeeze %dma_start3A_161 : memref<1x125xi32, #tpu.memory_space<vmem>> -> memref<125xi32, #tpu.memory_space<vmem>>
        %dma_start3A_163 = arith.constant 0 : i32
        %dma_start3A_164 = arith.constant 0 : i32
        %dma_start3A_165 = tpu.memref_slice %arg13[%dma_start3A_163, %dma_start3A_164] : memref<10000x32xf32, #tpu.memory_space<vmem_shared>> -> memref<10000x32xf32, #tpu.memory_space<vmem_shared>>
        tpu.enqueue_indirect_dma source(%arg9 : memref<125x32xf32, #tpu.memory_space<vmem>>) target(%dma_start3A_165 : memref<10000x32xf32, #tpu.memory_space<vmem_shared>>) offsets(%dma_start3A_162 : memref<125xi32, #tpu.memory_space<vmem>>) semaphore(%run_scoped3A_159 : memref<!tpu.dma_semaphore, #tpu.memory_space<semaphore_mem>>) {add = true}
        %dma_wait3A_166 = arith.constant 0 : i32
        %dma_wait3A_167 = tpu.memref_slice %arg6[%add3A_111, %dma_wait3A_166] : memref<80x125xi32, #tpu.memory_space<vmem>> -> memref<1x125xi32, #tpu.memory_space<vmem>>
        %dma_wait3A_168 = tpu.memref_squeeze %dma_wait3A_167 : memref<1x125xi32, #tpu.memory_space<vmem>> -> memref<125xi32, #tpu.memory_space<vmem>>
        %dma_wait3A_169 = arith.constant 0 : i32
        %dma_wait3A_170 = arith.constant 0 : i32
        %dma_wait3A_171 = tpu.memref_slice %arg13[%dma_wait3A_169, %dma_wait3A_170] : memref<10000x32xf32, #tpu.memory_space<vmem_shared>> -> memref<10000x32xf32, #tpu.memory_space<vmem_shared>>
        tpu.wait_indirect_dma semaphore(%run_scoped3A_159 : memref<!tpu.dma_semaphore, #tpu.memory_space<semaphore_mem>>) src(%arg9 : memref<125x32xf32, #tpu.memory_space<vmem>>) dst(%dma_wait3A_171 : memref<10000x32xf32, #tpu.memory_space<vmem_shared>>)
        tpu.yield
      }) : () -> ()
      %add3A_118 = arith.constant 5 : i32
      %add3A_119 = arith.addi %add3A_111, %add3A_118 : i32
      %lt3A_120 = arith.constant 80 : i32
      %lt3A_121 = arith.cmpi slt, %add3A_119, %lt3A_120 : i32
      %convert_element_type3A_122 = arith.extui %lt3A_121 : i1 to i32
      %cond3A_123 = arith.constant 0 : i32
      %cond3A_124 = arith.cmpi ne, %convert_element_type3A_122, %cond3A_123 : i32
      scf.if %cond3A_124 {
        %dma_start3A_159 = arith.constant 0 : i32
        %dma_start3A_160 = tpu.memref_slice %arg5[%add3A_119, %dma_start3A_159] : memref<80x125xi32, #tpu.memory_space<vmem>> -> memref<1x125xi32, #tpu.memory_space<vmem>>
        %dma_start3A_161 = tpu.memref_squeeze %dma_start3A_160 : memref<1x125xi32, #tpu.memory_space<vmem>> -> memref<125xi32, #tpu.memory_space<vmem>>
        %dma_start3A_162 = arith.constant 0 : i32
        %dma_start3A_163 = arith.constant 0 : i32
        %dma_start3A_164 = tpu.memref_slice %arg2[%dma_start3A_162, %dma_start3A_163] : memref<10000x32xf32, #tpu.memory_space<hbm>> -> memref<10000x32xf32, #tpu.memory_space<hbm>>
        tpu.enqueue_indirect_dma source(%dma_start3A_164 : memref<10000x32xf32, #tpu.memory_space<hbm>>) target(%arg9 : memref<125x32xf32, #tpu.memory_space<vmem>>) offsets(%dma_start3A_161 : memref<125xi32, #tpu.memory_space<vmem>>) semaphore(%arg16 : memref<!tpu.dma_semaphore, #tpu.memory_space<semaphore_mem>>)
      } else {
      }
      %mul3A_125 = arith.constant 5 : i32
      %mul3A_126 = arith.muli %scan3A_75, %mul3A_125 : i32
      %add3A_127 = arith.constant 3 : i32
      %add3A_128 = arith.addi %mul3A_126, %add3A_127 : i32
      %dma_wait3A_129 = arith.constant 0 : i32
      %dma_wait3A_130 = tpu.memref_slice %arg5[%add3A_128, %dma_wait3A_129] : memref<80x125xi32, #tpu.memory_space<vmem>> -> memref<1x125xi32, #tpu.memory_space<vmem>>
      %dma_wait3A_131 = tpu.memref_squeeze %dma_wait3A_130 : memref<1x125xi32, #tpu.memory_space<vmem>> -> memref<125xi32, #tpu.memory_space<vmem>>
      %dma_wait3A_132 = arith.constant 0 : i32
      %dma_wait3A_133 = arith.constant 0 : i32
      %dma_wait3A_134 = tpu.memref_slice %arg2[%dma_wait3A_132, %dma_wait3A_133] : memref<10000x32xf32, #tpu.memory_space<hbm>> -> memref<10000x32xf32, #tpu.memory_space<hbm>>
      tpu.wait_indirect_dma semaphore(%arg17 : memref<!tpu.dma_semaphore, #tpu.memory_space<semaphore_mem>>) src(%dma_wait3A_134 : memref<10000x32xf32, #tpu.memory_space<hbm>>) dst(%arg10 : memref<125x32xf32, #tpu.memory_space<vmem>>)
      "tpu.region"() ({
        %run_scoped3A_159 = tpu.sem_alloc : memref<!tpu.dma_semaphore, #tpu.memory_space<semaphore_mem>>
        %dma_start3A_160 = arith.constant 0 : i32
        %dma_start3A_161 = tpu.memref_slice %arg6[%add3A_128, %dma_start3A_160] : memref<80x125xi32, #tpu.memory_space<vmem>> -> memref<1x125xi32, #tpu.memory_space<vmem>>
        %dma_start3A_162 = tpu.memref_squeeze %dma_start3A_161 : memref<1x125xi32, #tpu.memory_space<vmem>> -> memref<125xi32, #tpu.memory_space<vmem>>
        %dma_start3A_163 = arith.constant 0 : i32
        %dma_start3A_164 = arith.constant 0 : i32
        %dma_start3A_165 = tpu.memref_slice %arg13[%dma_start3A_163, %dma_start3A_164] : memref<10000x32xf32, #tpu.memory_space<vmem_shared>> -> memref<10000x32xf32, #tpu.memory_space<vmem_shared>>
        tpu.enqueue_indirect_dma source(%arg10 : memref<125x32xf32, #tpu.memory_space<vmem>>) target(%dma_start3A_165 : memref<10000x32xf32, #tpu.memory_space<vmem_shared>>) offsets(%dma_start3A_162 : memref<125xi32, #tpu.memory_space<vmem>>) semaphore(%run_scoped3A_159 : memref<!tpu.dma_semaphore, #tpu.memory_space<semaphore_mem>>) {add = true}
        %dma_wait3A_166 = arith.constant 0 : i32
        %dma_wait3A_167 = tpu.memref_slice %arg6[%add3A_128, %dma_wait3A_166] : memref<80x125xi32, #tpu.memory_space<vmem>> -> memref<1x125xi32, #tpu.memory_space<vmem>>
        %dma_wait3A_168 = tpu.memref_squeeze %dma_wait3A_167 : memref<1x125xi32, #tpu.memory_space<vmem>> -> memref<125xi32, #tpu.memory_space<vmem>>
        %dma_wait3A_169 = arith.constant 0 : i32
        %dma_wait3A_170 = arith.constant 0 : i32
        %dma_wait3A_171 = tpu.memref_slice %arg13[%dma_wait3A_169, %dma_wait3A_170] : memref<10000x32xf32, #tpu.memory_space<vmem_shared>> -> memref<10000x32xf32, #tpu.memory_space<vmem_shared>>
        tpu.wait_indirect_dma semaphore(%run_scoped3A_159 : memref<!tpu.dma_semaphore, #tpu.memory_space<semaphore_mem>>) src(%arg10 : memref<125x32xf32, #tpu.memory_space<vmem>>) dst(%dma_wait3A_171 : memref<10000x32xf32, #tpu.memory_space<vmem_shared>>)
        tpu.yield
      }) : () -> ()
      %add3A_135 = arith.constant 5 : i32
      %add3A_136 = arith.addi %add3A_128, %add3A_135 : i32
      %lt3A_137 = arith.constant 80 : i32
      %lt3A_138 = arith.cmpi slt, %add3A_136, %lt3A_137 : i32
      %convert_element_type3A_139 = arith.extui %lt3A_138 : i1 to i32
      %cond3A_140 = arith.constant 0 : i32
      %cond3A_141 = arith.cmpi ne, %convert_element_type3A_139, %cond3A_140 : i32
      scf.if %cond3A_141 {
        %dma_start3A_159 = arith.constant 0 : i32
        %dma_start3A_160 = tpu.memref_slice %arg5[%add3A_136, %dma_start3A_159] : memref<80x125xi32, #tpu.memory_space<vmem>> -> memref<1x125xi32, #tpu.memory_space<vmem>>
        %dma_start3A_161 = tpu.memref_squeeze %dma_start3A_160 : memref<1x125xi32, #tpu.memory_space<vmem>> -> memref<125xi32, #tpu.memory_space<vmem>>
        %dma_start3A_162 = arith.constant 0 : i32
        %dma_start3A_163 = arith.constant 0 : i32
        %dma_start3A_164 = tpu.memref_slice %arg2[%dma_start3A_162, %dma_start3A_163] : memref<10000x32xf32, #tpu.memory_space<hbm>> -> memref<10000x32xf32, #tpu.memory_space<hbm>>
        tpu.enqueue_indirect_dma source(%dma_start3A_164 : memref<10000x32xf32, #tpu.memory_space<hbm>>) target(%arg10 : memref<125x32xf32, #tpu.memory_space<vmem>>) offsets(%dma_start3A_161 : memref<125xi32, #tpu.memory_space<vmem>>) semaphore(%arg17 : memref<!tpu.dma_semaphore, #tpu.memory_space<semaphore_mem>>)
      } else {
      }
      %mul3A_142 = arith.constant 5 : i32
      %mul3A_143 = arith.muli %scan3A_75, %mul3A_142 : i32
      %add3A_144 = arith.constant 4 : i32
      %add3A_145 = arith.addi %mul3A_143, %add3A_144 : i32
      %dma_wait3A_146 = arith.constant 0 : i32
      %dma_wait3A_147 = tpu.memref_slice %arg5[%add3A_145, %dma_wait3A_146] : memref<80x125xi32, #tpu.memory_space<vmem>> -> memref<1x125xi32, #tpu.memory_space<vmem>>
      %dma_wait3A_148 = tpu.memref_squeeze %dma_wait3A_147 : memref<1x125xi32, #tpu.memory_space<vmem>> -> memref<125xi32, #tpu.memory_space<vmem>>
      %dma_wait3A_149 = arith.constant 0 : i32
      %dma_wait3A_150 = arith.constant 0 : i32
      %dma_wait3A_151 = tpu.memref_slice %arg2[%dma_wait3A_149, %dma_wait3A_150] : memref<10000x32xf32, #tpu.memory_space<hbm>> -> memref<10000x32xf32, #tpu.memory_space<hbm>>
      tpu.wait_indirect_dma semaphore(%arg18 : memref<!tpu.dma_semaphore, #tpu.memory_space<semaphore_mem>>) src(%dma_wait3A_151 : memref<10000x32xf32, #tpu.memory_space<hbm>>) dst(%arg11 : memref<125x32xf32, #tpu.memory_space<vmem>>)
      "tpu.region"() ({
        %run_scoped3A_159 = tpu.sem_alloc : memref<!tpu.dma_semaphore, #tpu.memory_space<semaphore_mem>>
        %dma_start3A_160 = arith.constant 0 : i32
        %dma_start3A_161 = tpu.memref_slice %arg6[%add3A_145, %dma_start3A_160] : memref<80x125xi32, #tpu.memory_space<vmem>> -> memref<1x125xi32, #tpu.memory_space<vmem>>
        %dma_start3A_162 = tpu.memref_squeeze %dma_start3A_161 : memref<1x125xi32, #tpu.memory_space<vmem>> -> memref<125xi32, #tpu.memory_space<vmem>>
        %dma_start3A_163 = arith.constant 0 : i32
        %dma_start3A_164 = arith.constant 0 : i32
        %dma_start3A_165 = tpu.memref_slice %arg13[%dma_start3A_163, %dma_start3A_164] : memref<10000x32xf32, #tpu.memory_space<vmem_shared>> -> memref<10000x32xf32, #tpu.memory_space<vmem_shared>>
        tpu.enqueue_indirect_dma source(%arg11 : memref<125x32xf32, #tpu.memory_space<vmem>>) target(%dma_start3A_165 : memref<10000x32xf32, #tpu.memory_space<vmem_shared>>) offsets(%dma_start3A_162 : memref<125xi32, #tpu.memory_space<vmem>>) semaphore(%run_scoped3A_159 : memref<!tpu.dma_semaphore, #tpu.memory_space<semaphore_mem>>) {add = true}
        %dma_wait3A_166 = arith.constant 0 : i32
        %dma_wait3A_167 = tpu.memref_slice %arg6[%add3A_145, %dma_wait3A_166] : memref<80x125xi32, #tpu.memory_space<vmem>> -> memref<1x125xi32, #tpu.memory_space<vmem>>
        %dma_wait3A_168 = tpu.memref_squeeze %dma_wait3A_167 : memref<1x125xi32, #tpu.memory_space<vmem>> -> memref<125xi32, #tpu.memory_space<vmem>>
        %dma_wait3A_169 = arith.constant 0 : i32
        %dma_wait3A_170 = arith.constant 0 : i32
        %dma_wait3A_171 = tpu.memref_slice %arg13[%dma_wait3A_169, %dma_wait3A_170] : memref<10000x32xf32, #tpu.memory_space<vmem_shared>> -> memref<10000x32xf32, #tpu.memory_space<vmem_shared>>
        tpu.wait_indirect_dma semaphore(%run_scoped3A_159 : memref<!tpu.dma_semaphore, #tpu.memory_space<semaphore_mem>>) src(%arg11 : memref<125x32xf32, #tpu.memory_space<vmem>>) dst(%dma_wait3A_171 : memref<10000x32xf32, #tpu.memory_space<vmem_shared>>)
        tpu.yield
      }) : () -> ()
      %add3A_152 = arith.constant 5 : i32
      %add3A_153 = arith.addi %add3A_145, %add3A_152 : i32
      %lt3A_154 = arith.constant 80 : i32
      %lt3A_155 = arith.cmpi slt, %add3A_153, %lt3A_154 : i32
      %convert_element_type3A_156 = arith.extui %lt3A_155 : i1 to i32
      %cond3A_157 = arith.constant 0 : i32
      %cond3A_158 = arith.cmpi ne, %convert_element_type3A_156, %cond3A_157 : i32
      scf.if %cond3A_158 {
        %dma_start3A_159 = arith.constant 0 : i32
        %dma_start3A_160 = tpu.memref_slice %arg5[%add3A_153, %dma_start3A_159] : memref<80x125xi32, #tpu.memory_space<vmem>> -> memref<1x125xi32, #tpu.memory_space<vmem>>
        %dma_start3A_161 = tpu.memref_squeeze %dma_start3A_160 : memref<1x125xi32, #tpu.memory_space<vmem>> -> memref<125xi32, #tpu.memory_space<vmem>>
        %dma_start3A_162 = arith.constant 0 : i32
        %dma_start3A_163 = arith.constant 0 : i32
        %dma_start3A_164 = tpu.memref_slice %arg2[%dma_start3A_162, %dma_start3A_163] : memref<10000x32xf32, #tpu.memory_space<hbm>> -> memref<10000x32xf32, #tpu.memory_space<hbm>>
        tpu.enqueue_indirect_dma source(%dma_start3A_164 : memref<10000x32xf32, #tpu.memory_space<hbm>>) target(%arg11 : memref<125x32xf32, #tpu.memory_space<vmem>>) offsets(%dma_start3A_161 : memref<125xi32, #tpu.memory_space<vmem>>) semaphore(%arg18 : memref<!tpu.dma_semaphore, #tpu.memory_space<semaphore_mem>>)
      } else {
      }
    }
    %scan3A_56 = arith.constant 16 : i32
    %barrier3A_57 = arith.constant 0 : index
    tpu.barrier barrier_id(%barrier3A_57)
    %mul3A_58 = arith.constant 624 : i32
    %mul3A_59 = arith.muli %arg1, %mul3A_58 : i32
    %add3A_60 = arith.constant 0 : i32
    %add3A_61 = arith.addi %mul3A_59, %add3A_60 : i32
    "tpu.region"() ({
      %run_scoped3A_75 = tpu.sem_alloc : memref<!tpu.dma_semaphore, #tpu.memory_space<semaphore_mem>>
      %dma_start3A_76 = arith.constant 0 : i32
      %dma_start3A_77 = tpu.memref_slice %arg13[%add3A_61, %dma_start3A_76] : memref<10000x32xf32, #tpu.memory_space<vmem_shared>> -> memref<312x32xf32, #tpu.memory_space<vmem_shared>>
      %dma_start3A_78 = arith.constant 0 : i32
      %dma_start3A_79 = tpu.memref_slice %arg13[%add3A_61, %dma_start3A_78] : memref<10000x32xf32, #tpu.memory_space<vmem_shared>> -> memref<312x32xf32, #tpu.memory_space<vmem_shared>>
      tpu.enqueue_dma source(%dma_start3A_79 : memref<312x32xf32, #tpu.memory_space<vmem_shared>>) target(%arg12 : memref<312x32xf32, #tpu.memory_space<vmem>>) target_semaphore(%run_scoped3A_75 : memref<!tpu.dma_semaphore, #tpu.memory_space<semaphore_mem>>)
      %dma_wait3A = arith.constant 0 : i32
      %dma_wait3A_80 = tpu.memref_slice %arg13[%add3A_61, %dma_wait3A] : memref<10000x32xf32, #tpu.memory_space<vmem_shared>> -> memref<312x32xf32, #tpu.memory_space<vmem_shared>>
      %dma_wait3A_81 = arith.constant 0 : i32
      %dma_wait3A_82 = tpu.memref_slice %arg13[%add3A_61, %dma_wait3A_81] : memref<10000x32xf32, #tpu.memory_space<vmem_shared>> -> memref<312x32xf32, #tpu.memory_space<vmem_shared>>
      tpu.wait_dma2 semaphore(%run_scoped3A_75 : memref<!tpu.dma_semaphore, #tpu.memory_space<semaphore_mem>>) src(%dma_wait3A_82 : memref<312x32xf32, #tpu.memory_space<vmem_shared>>) dst(%arg12 : memref<312x32xf32, #tpu.memory_space<vmem>>)
      tpu.yield
    }) : () -> ()
    %mul3A_62 = arith.constant 32 : i32
    %mul3A_63 = arith.muli %arg0, %mul3A_62 : i32
    "tpu.region"() ({
      %run_scoped3A_75 = tpu.sem_alloc : memref<!tpu.dma_semaphore, #tpu.memory_space<semaphore_mem>>
      %dma_start3A_76 = tpu.memref_slice %arg4[%add3A_61, %mul3A_63] : memref<10000x128xf32, #tpu.memory_space<hbm>> -> memref<312x32xf32, #tpu.memory_space<hbm>>
      %dma_start3A_77 = tpu.memref_slice %arg4[%add3A_61, %mul3A_63] : memref<10000x128xf32, #tpu.memory_space<hbm>> -> memref<312x32xf32, #tpu.memory_space<hbm>>
      tpu.enqueue_dma source(%arg12 : memref<312x32xf32, #tpu.memory_space<vmem>>) target(%dma_start3A_77 : memref<312x32xf32, #tpu.memory_space<hbm>>) target_semaphore(%run_scoped3A_75 : memref<!tpu.dma_semaphore, #tpu.memory_space<semaphore_mem>>)
      %dma_wait3A = tpu.memref_slice %arg4[%add3A_61, %mul3A_63] : memref<10000x128xf32, #tpu.memory_space<hbm>> -> memref<312x32xf32, #tpu.memory_space<hbm>>
      %dma_wait3A_78 = tpu.memref_slice %arg4[%add3A_61, %mul3A_63] : memref<10000x128xf32, #tpu.memory_space<hbm>> -> memref<312x32xf32, #tpu.memory_space<hbm>>
      tpu.wait_dma2 semaphore(%run_scoped3A_75 : memref<!tpu.dma_semaphore, #tpu.memory_space<semaphore_mem>>) src(%arg12 : memref<312x32xf32, #tpu.memory_space<vmem>>) dst(%dma_wait3A_78 : memref<312x32xf32, #tpu.memory_space<hbm>>)
      tpu.yield
    }) : () -> ()
    %mul3A_64 = arith.constant 624 : i32
    %mul3A_65 = arith.muli %arg1, %mul3A_64 : i32
    %add3A_66 = arith.constant 312 : i32
    %add3A_67 = arith.addi %mul3A_65, %add3A_66 : i32
    "tpu.region"() ({
      %run_scoped3A_75 = tpu.sem_alloc : memref<!tpu.dma_semaphore, #tpu.memory_space<semaphore_mem>>
      %dma_start3A_76 = arith.constant 0 : i32
      %dma_start3A_77 = tpu.memref_slice %arg13[%add3A_67, %dma_start3A_76] : memref<10000x32xf32, #tpu.memory_space<vmem_shared>> -> memref<312x32xf32, #tpu.memory_space<vmem_shared>>
      %dma_start3A_78 = arith.constant 0 : i32
      %dma_start3A_79 = tpu.memref_slice %arg13[%add3A_67, %dma_start3A_78] : memref<10000x32xf32, #tpu.memory_space<vmem_shared>> -> memref<312x32xf32, #tpu.memory_space<vmem_shared>>
      tpu.enqueue_dma source(%dma_start3A_79 : memref<312x32xf32, #tpu.memory_space<vmem_shared>>) target(%arg12 : memref<312x32xf32, #tpu.memory_space<vmem>>) target_semaphore(%run_scoped3A_75 : memref<!tpu.dma_semaphore, #tpu.memory_space<semaphore_mem>>)
      %dma_wait3A = arith.constant 0 : i32
      %dma_wait3A_80 = tpu.memref_slice %arg13[%add3A_67, %dma_wait3A] : memref<10000x32xf32, #tpu.memory_space<vmem_shared>> -> memref<312x32xf32, #tpu.memory_space<vmem_shared>>
      %dma_wait3A_81 = arith.constant 0 : i32
      %dma_wait3A_82 = tpu.memref_slice %arg13[%add3A_67, %dma_wait3A_81] : memref<10000x32xf32, #tpu.memory_space<vmem_shared>> -> memref<312x32xf32, #tpu.memory_space<vmem_shared>>
      tpu.wait_dma2 semaphore(%run_scoped3A_75 : memref<!tpu.dma_semaphore, #tpu.memory_space<semaphore_mem>>) src(%dma_wait3A_82 : memref<312x32xf32, #tpu.memory_space<vmem_shared>>) dst(%arg12 : memref<312x32xf32, #tpu.memory_space<vmem>>)
      tpu.yield
    }) : () -> ()
    %mul3A_68 = arith.constant 32 : i32
    %mul3A_69 = arith.muli %arg0, %mul3A_68 : i32
    "tpu.region"() ({
      %run_scoped3A_75 = tpu.sem_alloc : memref<!tpu.dma_semaphore, #tpu.memory_space<semaphore_mem>>
      %dma_start3A_76 = tpu.memref_slice %arg4[%add3A_67, %mul3A_69] : memref<10000x128xf32, #tpu.memory_space<hbm>> -> memref<312x32xf32, #tpu.memory_space<hbm>>
      %dma_start3A_77 = tpu.memref_slice %arg4[%add3A_67, %mul3A_69] : memref<10000x128xf32, #tpu.memory_space<hbm>> -> memref<312x32xf32, #tpu.memory_space<hbm>>
      tpu.enqueue_dma source(%arg12 : memref<312x32xf32, #tpu.memory_space<vmem>>) target(%dma_start3A_77 : memref<312x32xf32, #tpu.memory_space<hbm>>) target_semaphore(%run_scoped3A_75 : memref<!tpu.dma_semaphore, #tpu.memory_space<semaphore_mem>>)
      %dma_wait3A = tpu.memref_slice %arg4[%add3A_67, %mul3A_69] : memref<10000x128xf32, #tpu.memory_space<hbm>> -> memref<312x32xf32, #tpu.memory_space<hbm>>
      %dma_wait3A_78 = tpu.memref_slice %arg4[%add3A_67, %mul3A_69] : memref<10000x128xf32, #tpu.memory_space<hbm>> -> memref<312x32xf32, #tpu.memory_space<hbm>>
      tpu.wait_dma2 semaphore(%run_scoped3A_75 : memref<!tpu.dma_semaphore, #tpu.memory_space<semaphore_mem>>) src(%arg12 : memref<312x32xf32, #tpu.memory_space<vmem>>) dst(%dma_wait3A_78 : memref<312x32xf32, #tpu.memory_space<hbm>>)
      tpu.yield
    }) : () -> ()
    %eq3A_70 = arith.constant 15 : i32
    %eq3A_71 = arith.cmpi eq, %arg1, %eq3A_70 : i32
    %convert_element_type3A_72 = arith.extui %eq3A_71 : i1 to i32
    %cond3A_73 = arith.constant 0 : i32
    %cond3A_74 = arith.cmpi ne, %convert_element_type3A_72, %cond3A_73 : i32
    scf.if %cond3A_74 {
      "tpu.region"() ({
        %run_scoped3A_77 = tpu.sem_alloc : memref<!tpu.dma_semaphore, #tpu.memory_space<semaphore_mem>>
        %dma_start3A_78 = arith.constant 0 : i32
        %dma_start3A_79 = arith.constant 0 : i32
        %dma_start3A_80 = tpu.memref_slice %arg12[%dma_start3A_78, %dma_start3A_79] : memref<312x32xf32, #tpu.memory_space<vmem>> -> memref<16x32xf32, #tpu.memory_space<vmem>>
        %dma_start3A_81 = arith.constant 9984 : i32
        %dma_start3A_82 = arith.constant 0 : i32
        %dma_start3A_83 = tpu.memref_slice %arg13[%dma_start3A_81, %dma_start3A_82] : memref<10000x32xf32, #tpu.memory_space<vmem_shared>> -> memref<16x32xf32, #tpu.memory_space<vmem_shared>>
        %dma_start3A_84 = arith.constant 0 : i32
        %dma_start3A_85 = arith.constant 0 : i32
        %dma_start3A_86 = tpu.memref_slice %arg12[%dma_start3A_84, %dma_start3A_85] : memref<312x32xf32, #tpu.memory_space<vmem>> -> memref<16x32xf32, #tpu.memory_space<vmem>>
        %dma_start3A_87 = arith.constant 9984 : i32
        %dma_start3A_88 = arith.constant 0 : i32
        %dma_start3A_89 = tpu.memref_slice %arg13[%dma_start3A_87, %dma_start3A_88] : memref<10000x32xf32, #tpu.memory_space<vmem_shared>> -> memref<16x32xf32, #tpu.memory_space<vmem_shared>>
        tpu.enqueue_dma source(%dma_start3A_89 : memref<16x32xf32, #tpu.memory_space<vmem_shared>>) target(%dma_start3A_86 : memref<16x32xf32, #tpu.memory_space<vmem>>) target_semaphore(%run_scoped3A_77 : memref<!tpu.dma_semaphore, #tpu.memory_space<semaphore_mem>>)
        %dma_wait3A = arith.constant 0 : i32
        %dma_wait3A_90 = arith.constant 0 : i32
        %dma_wait3A_91 = tpu.memref_slice %arg12[%dma_wait3A, %dma_wait3A_90] : memref<312x32xf32, #tpu.memory_space<vmem>> -> memref<16x32xf32, #tpu.memory_space<vmem>>
        %dma_wait3A_92 = arith.constant 9984 : i32
        %dma_wait3A_93 = arith.constant 0 : i32
        %dma_wait3A_94 = tpu.memref_slice %arg13[%dma_wait3A_92, %dma_wait3A_93] : memref<10000x32xf32, #tpu.memory_space<vmem_shared>> -> memref<16x32xf32, #tpu.memory_space<vmem_shared>>
        %dma_wait3A_95 = arith.constant 0 : i32
        %dma_wait3A_96 = arith.constant 0 : i32
        %dma_wait3A_97 = tpu.memref_slice %arg12[%dma_wait3A_95, %dma_wait3A_96] : memref<312x32xf32, #tpu.memory_space<vmem>> -> memref<16x32xf32, #tpu.memory_space<vmem>>
        %dma_wait3A_98 = arith.constant 9984 : i32
        %dma_wait3A_99 = arith.constant 0 : i32
        %dma_wait3A_100 = tpu.memref_slice %arg13[%dma_wait3A_98, %dma_wait3A_99] : memref<10000x32xf32, #tpu.memory_space<vmem_shared>> -> memref<16x32xf32, #tpu.memory_space<vmem_shared>>
        tpu.wait_dma2 semaphore(%run_scoped3A_77 : memref<!tpu.dma_semaphore, #tpu.memory_space<semaphore_mem>>) src(%dma_wait3A_100 : memref<16x32xf32, #tpu.memory_space<vmem_shared>>) dst(%dma_wait3A_97 : memref<16x32xf32, #tpu.memory_space<vmem>>)
        tpu.yield
      }) : () -> ()
      %mul3A_75 = arith.constant 32 : i32
      %mul3A_76 = arith.muli %arg0, %mul3A_75 : i32
      "tpu.region"() ({
        %run_scoped3A_77 = tpu.sem_alloc : memref<!tpu.dma_semaphore, #tpu.memory_space<semaphore_mem>>
        %dma_start3A_78 = arith.constant 0 : i32
        %dma_start3A_79 = arith.constant 0 : i32
        %dma_start3A_80 = tpu.memref_slice %arg12[%dma_start3A_78, %dma_start3A_79] : memref<312x32xf32, #tpu.memory_space<vmem>> -> memref<16x32xf32, #tpu.memory_space<vmem>>
        %dma_start3A_81 = arith.constant 9984 : i32
        %dma_start3A_82 = tpu.memref_slice %arg4[%dma_start3A_81, %mul3A_76] : memref<10000x128xf32, #tpu.memory_space<hbm>> -> memref<16x32xf32, #tpu.memory_space<hbm>>
        %dma_start3A_83 = arith.constant 9984 : i32
        %dma_start3A_84 = tpu.memref_slice %arg4[%dma_start3A_83, %mul3A_76] : memref<10000x128xf32, #tpu.memory_space<hbm>> -> memref<16x32xf32, #tpu.memory_space<hbm>>
        %dma_start3A_85 = arith.constant 0 : i32
        %dma_start3A_86 = arith.constant 0 : i32
        %dma_start3A_87 = tpu.memref_slice %arg12[%dma_start3A_85, %dma_start3A_86] : memref<312x32xf32, #tpu.memory_space<vmem>> -> memref<16x32xf32, #tpu.memory_space<vmem>>
        tpu.enqueue_dma source(%dma_start3A_87 : memref<16x32xf32, #tpu.memory_space<vmem>>) target(%dma_start3A_84 : memref<16x32xf32, #tpu.memory_space<hbm>>) target_semaphore(%run_scoped3A_77 : memref<!tpu.dma_semaphore, #tpu.memory_space<semaphore_mem>>)
        %dma_wait3A = arith.constant 0 : i32
        %dma_wait3A_88 = arith.constant 0 : i32
        %dma_wait3A_89 = tpu.memref_slice %arg12[%dma_wait3A, %dma_wait3A_88] : memref<312x32xf32, #tpu.memory_space<vmem>> -> memref<16x32xf32, #tpu.memory_space<vmem>>
        %dma_wait3A_90 = arith.constant 9984 : i32
        %dma_wait3A_91 = tpu.memref_slice %arg4[%dma_wait3A_90, %mul3A_76] : memref<10000x128xf32, #tpu.memory_space<hbm>> -> memref<16x32xf32, #tpu.memory_space<hbm>>
        %dma_wait3A_92 = arith.constant 9984 : i32
        %dma_wait3A_93 = tpu.memref_slice %arg4[%dma_wait3A_92, %mul3A_76] : memref<10000x128xf32, #tpu.memory_space<hbm>> -> memref<16x32xf32, #tpu.memory_space<hbm>>
        %dma_wait3A_94 = arith.constant 0 : i32
        %dma_wait3A_95 = arith.constant 0 : i32
        %dma_wait3A_96 = tpu.memref_slice %arg12[%dma_wait3A_94, %dma_wait3A_95] : memref<312x32xf32, #tpu.memory_space<vmem>> -> memref<16x32xf32, #tpu.memory_space<vmem>>
        tpu.wait_dma2 semaphore(%run_scoped3A_77 : memref<!tpu.dma_semaphore, #tpu.memory_space<semaphore_mem>>) src(%dma_wait3A_96 : memref<16x32xf32, #tpu.memory_space<vmem>>) dst(%dma_wait3A_93 : memref<16x32xf32, #tpu.memory_space<hbm>>)
        tpu.yield
      }) : () -> ()
    } else {
    }
    return
  }
}

#map = affine_map<(d0, d1) -> (0, 0)>
#map1 = affine_map<(d0, d1) -> (0, 0, 0, 0)>
module attributes {stable_mosaic.version = 14 : i64} {
  func.func @k(%arg0: i32, %arg1: i32, %arg2: memref<10000x64xf32, #tpu.memory_space<hbm>>, %arg3: memref<2x32x80x125xi32, #tpu.memory_space<hbm>>, %arg4: memref<10000x128xf32, #tpu.memory_space<hbm>>, %arg5: memref<80x125xi32, #tpu.memory_space<vmem>>, %arg6: memref<80x125xi32, #tpu.memory_space<vmem>>, %arg7: memref<125x64xf32, #tpu.memory_space<vmem>>, %arg8: memref<125x64xf32, #tpu.memory_space<vmem>>, %arg9: memref<125x64xf32, #tpu.memory_space<vmem>>, %arg10: memref<125x64xf32, #tpu.memory_space<vmem>>, %arg11: memref<125x64xf32, #tpu.memory_space<vmem>>, %arg12: memref<312x64xf32, #tpu.memory_space<vmem>>, %arg13: memref<10000x64xf32, #tpu.memory_space<vmem_shared>>, %arg14: memref<!tpu.dma_semaphore, #tpu.memory_space<semaphore_mem>>, %arg15: memref<!tpu.dma_semaphore, #tpu.memory_space<semaphore_mem>>, %arg16: memref<!tpu.dma_semaphore, #tpu.memory_space<semaphore_mem>>, %arg17: memref<!tpu.dma_semaphore, #tpu.memory_space<semaphore_mem>>, %arg18: memref<!tpu.dma_semaphore, #tpu.memory_space<semaphore_mem>>) attributes {dimension_semantics = [#tpu.dimension_semantics<core_parallel>, #tpu.dimension_semantics<subcore_parallel>], iteration_bounds = array<i64: 2, 16>, scalar_prefetch = 0 : i64, scratch_operands = 14 : i64, tpu.core_type = #tpu.core_type<sc_vector_subcore>, window_params = [{transform_indices = #map}, {transform_indices = #map1}, {transform_indices = #map}]} {
    %mul3A = arith.constant 16 : i32
    %mul3A_0 = arith.muli %arg0, %mul3A : i32
    %add3A = arith.addi %mul3A_0, %arg1 : i32
    %scan3A = arith.constant 0 : i32
    %scan3A_1 = arith.constant 0 : i32
    %scan3A_2 = arith.constant 312 : i32
    %scan3A_3 = arith.addi %scan3A_1, %scan3A_2 : i32
    %scan3A_4 = arith.constant 1 : i32
    scf.for %scan3A_75 = %scan3A_1 to %scan3A_3 step %scan3A_4  : i32 {
      %broadcast_in_dim3A = arith.constant 0.000000e+00 : f32
      %broadcast_in_dim3A_76 = vector.broadcast %broadcast_in_dim3A : f32 to vector<16xf32>
      %swap3A = arith.index_cast %scan3A_75 : i32 to index
      %swap3A_77 = arith.constant 0 : index
      %swap3A_78 = tpu.vector_load %arg12[%swap3A, %swap3A_77] {strides = array<i32>} : memref<312x64xf32, #tpu.memory_space<vmem>>, vector<1x16xf32>,
      %swap3A_79 = vector.shape_cast %swap3A_78 : vector<1x16xf32> to vector<16xf32>
      %swap3A_80 = vector.shape_cast %broadcast_in_dim3A_76 : vector<16xf32> to vector<1x16xf32>
      tpu.vector_store %arg12[%swap3A, %swap3A_77], %swap3A_80 {strides = array<i32>} : memref<312x64xf32, #tpu.memory_space<vmem>>, vector<1x16xf32>,
      %broadcast_in_dim3A_81 = arith.constant 0.000000e+00 : f32
      %broadcast_in_dim3A_82 = vector.broadcast %broadcast_in_dim3A_81 : f32 to vector<16xf32>
      %swap3A_83 = arith.index_cast %scan3A_75 : i32 to index
      %swap3A_84 = arith.constant 16 : index
      %swap3A_85 = tpu.vector_load %arg12[%swap3A_83, %swap3A_84] {strides = array<i32>} : memref<312x64xf32, #tpu.memory_space<vmem>>, vector<1x16xf32>,
      %swap3A_86 = vector.shape_cast %swap3A_85 : vector<1x16xf32> to vector<16xf32>
      %swap3A_87 = vector.shape_cast %broadcast_in_dim3A_82 : vector<16xf32> to vector<1x16xf32>
      tpu.vector_store %arg12[%swap3A_83, %swap3A_84], %swap3A_87 {strides = array<i32>} : memref<312x64xf32, #tpu.memory_space<vmem>>, vector<1x16xf32>,
      %broadcast_in_dim3A_88 = arith.constant 0.000000e+00 : f32
      %broadcast_in_dim3A_89 = vector.broadcast %broadcast_in_dim3A_88 : f32 to vector<16xf32>
      %swap3A_90 = arith.index_cast %scan3A_75 : i32 to index
      %swap3A_91 = arith.constant 32 : index
      %swap3A_92 = tpu.vector_load %arg12[%swap3A_90, %swap3A_91] {strides = array<i32>} : memref<312x64xf32, #tpu.memory_space<vmem>>, vector<1x16xf32>,
      %swap3A_93 = vector.shape_cast %swap3A_92 : vector<1x16xf32> to vector<16xf32>
      %swap3A_94 = vector.shape_cast %broadcast_in_dim3A_89 : vector<16xf32> to vector<1x16xf32>
      tpu.vector_store %arg12[%swap3A_90, %swap3A_91], %swap3A_94 {strides = array<i32>} : memref<312x64xf32, #tpu.memory_space<vmem>>, vector<1x16xf32>,
      %broadcast_in_dim3A_95 = arith.constant 0.000000e+00 : f32
      %broadcast_in_dim3A_96 = vector.broadcast %broadcast_in_dim3A_95 : f32 to vector<16xf32>
      %swap3A_97 = arith.index_cast %scan3A_75 : i32 to index
      %swap3A_98 = arith.constant 48 : index
      %swap3A_99 = tpu.vector_load %arg12[%swap3A_97, %swap3A_98] {strides = array<i32>} : memref<312x64xf32, #tpu.memory_space<vmem>>, vector<1x16xf32>,
      %swap3A_100 = vector.shape_cast %swap3A_99 : vector<1x16xf32> to vector<16xf32>
      %swap3A_101 = vector.shape_cast %broadcast_in_dim3A_96 : vector<16xf32> to vector<1x16xf32>
      tpu.vector_store %arg12[%swap3A_97, %swap3A_98], %swap3A_101 {strides = array<i32>} : memref<312x64xf32, #tpu.memory_space<vmem>>, vector<1x16xf32>,
    }
    %scan3A_5 = arith.constant 312 : i32
    %mul3A_6 = arith.constant 624 : i32
    %mul3A_7 = arith.muli %arg1, %mul3A_6 : i32
    %add3A_8 = arith.constant 0 : i32
    %add3A_9 = arith.addi %mul3A_7, %add3A_8 : i32
    "tpu.region"() ({
      %run_scoped3A_75 = tpu.sem_alloc : memref<!tpu.dma_semaphore, #tpu.memory_space<semaphore_mem>>
      %dma_start3A_76 = arith.constant 0 : i32
      %dma_start3A_77 = tpu.memref_slice %arg13[%add3A_9, %dma_start3A_76] : memref<10000x64xf32, #tpu.memory_space<vmem_shared>> -> memref<312x64xf32, #tpu.memory_space<vmem_shared>>
      %dma_start3A_78 = arith.constant 0 : i32
      %dma_start3A_79 = tpu.memref_slice %arg13[%add3A_9, %dma_start3A_78] : memref<10000x64xf32, #tpu.memory_space<vmem_shared>> -> memref<312x64xf32, #tpu.memory_space<vmem_shared>>
      tpu.enqueue_dma source(%arg12 : memref<312x64xf32, #tpu.memory_space<vmem>>) target(%dma_start3A_79 : memref<312x64xf32, #tpu.memory_space<vmem_shared>>) target_semaphore(%run_scoped3A_75 : memref<!tpu.dma_semaphore, #tpu.memory_space<semaphore_mem>>)
      %dma_wait3A = arith.constant 0 : i32
      %dma_wait3A_80 = tpu.memref_slice %arg13[%add3A_9, %dma_wait3A] : memref<10000x64xf32, #tpu.memory_space<vmem_shared>> -> memref<312x64xf32, #tpu.memory_space<vmem_shared>>
      %dma_wait3A_81 = arith.constant 0 : i32
      %dma_wait3A_82 = tpu.memref_slice %arg13[%add3A_9, %dma_wait3A_81] : memref<10000x64xf32, #tpu.memory_space<vmem_shared>> -> memref<312x64xf32, #tpu.memory_space<vmem_shared>>
      tpu.wait_dma2 semaphore(%run_scoped3A_75 : memref<!tpu.dma_semaphore, #tpu.memory_space<semaphore_mem>>) src(%arg12 : memref<312x64xf32, #tpu.memory_space<vmem>>) dst(%dma_wait3A_82 : memref<312x64xf32, #tpu.memory_space<vmem_shared>>)
      tpu.yield
    }) : () -> ()
    %mul3A_10 = arith.constant 624 : i32
    %mul3A_11 = arith.muli %arg1, %mul3A_10 : i32
    %add3A_12 = arith.constant 312 : i32
    %add3A_13 = arith.addi %mul3A_11, %add3A_12 : i32
    "tpu.region"() ({
      %run_scoped3A_75 = tpu.sem_alloc : memref<!tpu.dma_semaphore, #tpu.memory_space<semaphore_mem>>
      %dma_start3A_76 = arith.constant 0 : i32
      %dma_start3A_77 = tpu.memref_slice %arg13[%add3A_13, %dma_start3A_76] : memref<10000x64xf32, #tpu.memory_space<vmem_shared>> -> memref<312x64xf32, #tpu.memory_space<vmem_shared>>
      %dma_start3A_78 = arith.constant 0 : i32
      %dma_start3A_79 = tpu.memref_slice %arg13[%add3A_13, %dma_start3A_78] : memref<10000x64xf32, #tpu.memory_space<vmem_shared>> -> memref<312x64xf32, #tpu.memory_space<vmem_shared>>
      tpu.enqueue_dma source(%arg12 : memref<312x64xf32, #tpu.memory_space<vmem>>) target(%dma_start3A_79 : memref<312x64xf32, #tpu.memory_space<vmem_shared>>) target_semaphore(%run_scoped3A_75 : memref<!tpu.dma_semaphore, #tpu.memory_space<semaphore_mem>>)
      %dma_wait3A = arith.constant 0 : i32
      %dma_wait3A_80 = tpu.memref_slice %arg13[%add3A_13, %dma_wait3A] : memref<10000x64xf32, #tpu.memory_space<vmem_shared>> -> memref<312x64xf32, #tpu.memory_space<vmem_shared>>
      %dma_wait3A_81 = arith.constant 0 : i32
      %dma_wait3A_82 = tpu.memref_slice %arg13[%add3A_13, %dma_wait3A_81] : memref<10000x64xf32, #tpu.memory_space<vmem_shared>> -> memref<312x64xf32, #tpu.memory_space<vmem_shared>>
      tpu.wait_dma2 semaphore(%run_scoped3A_75 : memref<!tpu.dma_semaphore, #tpu.memory_space<semaphore_mem>>) src(%arg12 : memref<312x64xf32, #tpu.memory_space<vmem>>) dst(%dma_wait3A_82 : memref<312x64xf32, #tpu.memory_space<vmem_shared>>)
      tpu.yield
    }) : () -> ()
    %eq3A = arith.constant 15 : i32
    %eq3A_14 = arith.cmpi eq, %arg1, %eq3A : i32
    %convert_element_type3A = arith.extui %eq3A_14 : i1 to i32
    %cond3A = arith.constant 0 : i32
    %cond3A_15 = arith.cmpi ne, %convert_element_type3A, %cond3A : i32
    scf.if %cond3A_15 {
      "tpu.region"() ({
        %run_scoped3A_75 = tpu.sem_alloc : memref<!tpu.dma_semaphore, #tpu.memory_space<semaphore_mem>>
        %dma_start3A_76 = arith.constant 0 : i32
        %dma_start3A_77 = arith.constant 0 : i32
        %dma_start3A_78 = tpu.memref_slice %arg12[%dma_start3A_76, %dma_start3A_77] : memref<312x64xf32, #tpu.memory_space<vmem>> -> memref<16x64xf32, #tpu.memory_space<vmem>>
        %dma_start3A_79 = arith.constant 9984 : i32
        %dma_start3A_80 = arith.constant 0 : i32
        %dma_start3A_81 = tpu.memref_slice %arg13[%dma_start3A_79, %dma_start3A_80] : memref<10000x64xf32, #tpu.memory_space<vmem_shared>> -> memref<16x64xf32, #tpu.memory_space<vmem_shared>>
        %dma_start3A_82 = arith.constant 9984 : i32
        %dma_start3A_83 = arith.constant 0 : i32
        %dma_start3A_84 = tpu.memref_slice %arg13[%dma_start3A_82, %dma_start3A_83] : memref<10000x64xf32, #tpu.memory_space<vmem_shared>> -> memref<16x64xf32, #tpu.memory_space<vmem_shared>>
        %dma_start3A_85 = arith.constant 0 : i32
        %dma_start3A_86 = arith.constant 0 : i32
        %dma_start3A_87 = tpu.memref_slice %arg12[%dma_start3A_85, %dma_start3A_86] : memref<312x64xf32, #tpu.memory_space<vmem>> -> memref<16x64xf32, #tpu.memory_space<vmem>>
        tpu.enqueue_dma source(%dma_start3A_87 : memref<16x64xf32, #tpu.memory_space<vmem>>) target(%dma_start3A_84 : memref<16x64xf32, #tpu.memory_space<vmem_shared>>) target_semaphore(%run_scoped3A_75 : memref<!tpu.dma_semaphore, #tpu.memory_space<semaphore_mem>>)
        %dma_wait3A = arith.constant 0 : i32
        %dma_wait3A_88 = arith.constant 0 : i32
        %dma_wait3A_89 = tpu.memref_slice %arg12[%dma_wait3A, %dma_wait3A_88] : memref<312x64xf32, #tpu.memory_space<vmem>> -> memref<16x64xf32, #tpu.memory_space<vmem>>
        %dma_wait3A_90 = arith.constant 9984 : i32
        %dma_wait3A_91 = arith.constant 0 : i32
        %dma_wait3A_92 = tpu.memref_slice %arg13[%dma_wait3A_90, %dma_wait3A_91] : memref<10000x64xf32, #tpu.memory_space<vmem_shared>> -> memref<16x64xf32, #tpu.memory_space<vmem_shared>>
        %dma_wait3A_93 = arith.constant 9984 : i32
        %dma_wait3A_94 = arith.constant 0 : i32
        %dma_wait3A_95 = tpu.memref_slice %arg13[%dma_wait3A_93, %dma_wait3A_94] : memref<10000x64xf32, #tpu.memory_space<vmem_shared>> -> memref<16x64xf32, #tpu.memory_space<vmem_shared>>
        %dma_wait3A_96 = arith.constant 0 : i32
        %dma_wait3A_97 = arith.constant 0 : i32
        %dma_wait3A_98 = tpu.memref_slice %arg12[%dma_wait3A_96, %dma_wait3A_97] : memref<312x64xf32, #tpu.memory_space<vmem>> -> memref<16x64xf32, #tpu.memory_space<vmem>>
        tpu.wait_dma2 semaphore(%run_scoped3A_75 : memref<!tpu.dma_semaphore, #tpu.memory_space<semaphore_mem>>) src(%dma_wait3A_98 : memref<16x64xf32, #tpu.memory_space<vmem>>) dst(%dma_wait3A_95 : memref<16x64xf32, #tpu.memory_space<vmem_shared>>)
        tpu.yield
      }) : () -> ()
    } else {
    }
    %run_scoped3A = arith.constant 0 : i32
    "tpu.region"() ({
      %run_scoped3A_75 = tpu.sem_alloc : memref<!tpu.dma_semaphore, #tpu.memory_space<semaphore_mem>>
      %dma_start3A_76 = arith.constant 0 : i32
      %dma_start3A_77 = arith.constant 0 : i32
      %dma_start3A_78 = tpu.memref_slice %arg3[%run_scoped3A, %add3A, %dma_start3A_76, %dma_start3A_77] : memref<2x32x80x125xi32, #tpu.memory_space<hbm>> -> memref<1x1x80x125xi32, #tpu.memory_space<hbm>>
      %dma_start3A_79 = tpu.memref_squeeze %dma_start3A_78 : memref<1x1x80x125xi32, #tpu.memory_space<hbm>> -> memref<80x125xi32, #tpu.memory_space<hbm>>
      %dma_start3A_80 = arith.constant 0 : i32
      %dma_start3A_81 = arith.constant 0 : i32
      %dma_start3A_82 = tpu.memref_slice %arg3[%run_scoped3A, %add3A, %dma_start3A_80, %dma_start3A_81] : memref<2x32x80x125xi32, #tpu.memory_space<hbm>> -> memref<1x1x80x125xi32, #tpu.memory_space<hbm>>
      %dma_start3A_83 = tpu.memref_squeeze %dma_start3A_82 : memref<1x1x80x125xi32, #tpu.memory_space<hbm>> -> memref<80x125xi32, #tpu.memory_space<hbm>>
      tpu.enqueue_dma source(%dma_start3A_83 : memref<80x125xi32, #tpu.memory_space<hbm>>) target(%arg5 : memref<80x125xi32, #tpu.memory_space<vmem>>) target_semaphore(%run_scoped3A_75 : memref<!tpu.dma_semaphore, #tpu.memory_space<semaphore_mem>>)
      %dma_wait3A = arith.constant 0 : i32
      %dma_wait3A_84 = arith.constant 0 : i32
      %dma_wait3A_85 = tpu.memref_slice %arg3[%run_scoped3A, %add3A, %dma_wait3A, %dma_wait3A_84] : memref<2x32x80x125xi32, #tpu.memory_space<hbm>> -> memref<1x1x80x125xi32, #tpu.memory_space<hbm>>
      %dma_wait3A_86 = tpu.memref_squeeze %dma_wait3A_85 : memref<1x1x80x125xi32, #tpu.memory_space<hbm>> -> memref<80x125xi32, #tpu.memory_space<hbm>>
      %dma_wait3A_87 = arith.constant 0 : i32
      %dma_wait3A_88 = arith.constant 0 : i32
      %dma_wait3A_89 = tpu.memref_slice %arg3[%run_scoped3A, %add3A, %dma_wait3A_87, %dma_wait3A_88] : memref<2x32x80x125xi32, #tpu.memory_space<hbm>> -> memref<1x1x80x125xi32, #tpu.memory_space<hbm>>
      %dma_wait3A_90 = tpu.memref_squeeze %dma_wait3A_89 : memref<1x1x80x125xi32, #tpu.memory_space<hbm>> -> memref<80x125xi32, #tpu.memory_space<hbm>>
      tpu.wait_dma2 semaphore(%run_scoped3A_75 : memref<!tpu.dma_semaphore, #tpu.memory_space<semaphore_mem>>) src(%dma_wait3A_90 : memref<80x125xi32, #tpu.memory_space<hbm>>) dst(%arg5 : memref<80x125xi32, #tpu.memory_space<vmem>>)
      tpu.yield
    }) : () -> ()
    %run_scoped3A_16 = arith.constant 1 : i32
    "tpu.region"() ({
      %run_scoped3A_75 = tpu.sem_alloc : memref<!tpu.dma_semaphore, #tpu.memory_space<semaphore_mem>>
      %dma_start3A_76 = arith.constant 0 : i32
      %dma_start3A_77 = arith.constant 0 : i32
      %dma_start3A_78 = tpu.memref_slice %arg3[%run_scoped3A_16, %add3A, %dma_start3A_76, %dma_start3A_77] : memref<2x32x80x125xi32, #tpu.memory_space<hbm>> -> memref<1x1x80x125xi32, #tpu.memory_space<hbm>>
      %dma_start3A_79 = tpu.memref_squeeze %dma_start3A_78 : memref<1x1x80x125xi32, #tpu.memory_space<hbm>> -> memref<80x125xi32, #tpu.memory_space<hbm>>
      %dma_start3A_80 = arith.constant 0 : i32
      %dma_start3A_81 = arith.constant 0 : i32
      %dma_start3A_82 = tpu.memref_slice %arg3[%run_scoped3A_16, %add3A, %dma_start3A_80, %dma_start3A_81] : memref<2x32x80x125xi32, #tpu.memory_space<hbm>> -> memref<1x1x80x125xi32, #tpu.memory_space<hbm>>
      %dma_start3A_83 = tpu.memref_squeeze %dma_start3A_82 : memref<1x1x80x125xi32, #tpu.memory_space<hbm>> -> memref<80x125xi32, #tpu.memory_space<hbm>>
      tpu.enqueue_dma source(%dma_start3A_83 : memref<80x125xi32, #tpu.memory_space<hbm>>) target(%arg6 : memref<80x125xi32, #tpu.memory_space<vmem>>) target_semaphore(%run_scoped3A_75 : memref<!tpu.dma_semaphore, #tpu.memory_space<semaphore_mem>>)
      %dma_wait3A = arith.constant 0 : i32
      %dma_wait3A_84 = arith.constant 0 : i32
      %dma_wait3A_85 = tpu.memref_slice %arg3[%run_scoped3A_16, %add3A, %dma_wait3A, %dma_wait3A_84] : memref<2x32x80x125xi32, #tpu.memory_space<hbm>> -> memref<1x1x80x125xi32, #tpu.memory_space<hbm>>
      %dma_wait3A_86 = tpu.memref_squeeze %dma_wait3A_85 : memref<1x1x80x125xi32, #tpu.memory_space<hbm>> -> memref<80x125xi32, #tpu.memory_space<hbm>>
      %dma_wait3A_87 = arith.constant 0 : i32
      %dma_wait3A_88 = arith.constant 0 : i32
      %dma_wait3A_89 = tpu.memref_slice %arg3[%run_scoped3A_16, %add3A, %dma_wait3A_87, %dma_wait3A_88] : memref<2x32x80x125xi32, #tpu.memory_space<hbm>> -> memref<1x1x80x125xi32, #tpu.memory_space<hbm>>
      %dma_wait3A_90 = tpu.memref_squeeze %dma_wait3A_89 : memref<1x1x80x125xi32, #tpu.memory_space<hbm>> -> memref<80x125xi32, #tpu.memory_space<hbm>>
      tpu.wait_dma2 semaphore(%run_scoped3A_75 : memref<!tpu.dma_semaphore, #tpu.memory_space<semaphore_mem>>) src(%dma_wait3A_90 : memref<80x125xi32, #tpu.memory_space<hbm>>) dst(%arg6 : memref<80x125xi32, #tpu.memory_space<vmem>>)
      tpu.yield
    }) : () -> ()
    %barrier3A = arith.constant 0 : index
    tpu.barrier barrier_id(%barrier3A)
    %dma_start3A = arith.constant 0 : i32
    %dma_start3A_17 = arith.constant 0 : i32
    %dma_start3A_18 = tpu.memref_slice %arg5[%dma_start3A, %dma_start3A_17] : memref<80x125xi32, #tpu.memory_space<vmem>> -> memref<1x125xi32, #tpu.memory_space<vmem>>
    %dma_start3A_19 = tpu.memref_squeeze %dma_start3A_18 : memref<1x125xi32, #tpu.memory_space<vmem>> -> memref<125xi32, #tpu.memory_space<vmem>>
    %dma_start3A_20 = arith.constant 0 : i32
    %dma_start3A_21 = arith.constant 0 : i32
    %dma_start3A_22 = tpu.memref_slice %arg2[%dma_start3A_20, %dma_start3A_21] : memref<10000x64xf32, #tpu.memory_space<hbm>> -> memref<10000x64xf32, #tpu.memory_space<hbm>>
    tpu.enqueue_indirect_dma source(%dma_start3A_22 : memref<10000x64xf32, #tpu.memory_space<hbm>>) target(%arg7 : memref<125x64xf32, #tpu.memory_space<vmem>>) offsets(%dma_start3A_19 : memref<125xi32, #tpu.memory_space<vmem>>) semaphore(%arg14 : memref<!tpu.dma_semaphore, #tpu.memory_space<semaphore_mem>>)
    %dma_start3A_23 = arith.constant 1 : i32
    %dma_start3A_24 = arith.constant 0 : i32
    %dma_start3A_25 = tpu.memref_slice %arg5[%dma_start3A_23, %dma_start3A_24] : memref<80x125xi32, #tpu.memory_space<vmem>> -> memref<1x125xi32, #tpu.memory_space<vmem>>
    %dma_start3A_26 = tpu.memref_squeeze %dma_start3A_25 : memref<1x125xi32, #tpu.memory_space<vmem>> -> memref<125xi32, #tpu.memory_space<vmem>>
    %dma_start3A_27 = arith.constant 0 : i32
    %dma_start3A_28 = arith.constant 0 : i32
    %dma_start3A_29 = tpu.memref_slice %arg2[%dma_start3A_27, %dma_start3A_28] : memref<10000x64xf32, #tpu.memory_space<hbm>> -> memref<10000x64xf32, #tpu.memory_space<hbm>>
    tpu.enqueue_indirect_dma source(%dma_start3A_29 : memref<10000x64xf32, #tpu.memory_space<hbm>>) target(%arg8 : memref<125x64xf32, #tpu.memory_space<vmem>>) offsets(%dma_start3A_26 : memref<125xi32, #tpu.memory_space<vmem>>) semaphore(%arg15 : memref<!tpu.dma_semaphore, #tpu.memory_space<semaphore_mem>>)
    %dma_start3A_30 = arith.constant 2 : i32
    %dma_start3A_31 = arith.constant 0 : i32
    %dma_start3A_32 = tpu.memref_slice %arg5[%dma_start3A_30, %dma_start3A_31] : memref<80x125xi32, #tpu.memory_space<vmem>> -> memref<1x125xi32, #tpu.memory_space<vmem>>
    %dma_start3A_33 = tpu.memref_squeeze %dma_start3A_32 : memref<1x125xi32, #tpu.memory_space<vmem>> -> memref<125xi32, #tpu.memory_space<vmem>>
    %dma_start3A_34 = arith.constant 0 : i32
    %dma_start3A_35 = arith.constant 0 : i32
    %dma_start3A_36 = tpu.memref_slice %arg2[%dma_start3A_34, %dma_start3A_35] : memref<10000x64xf32, #tpu.memory_space<hbm>> -> memref<10000x64xf32, #tpu.memory_space<hbm>>
    tpu.enqueue_indirect_dma source(%dma_start3A_36 : memref<10000x64xf32, #tpu.memory_space<hbm>>) target(%arg9 : memref<125x64xf32, #tpu.memory_space<vmem>>) offsets(%dma_start3A_33 : memref<125xi32, #tpu.memory_space<vmem>>) semaphore(%arg16 : memref<!tpu.dma_semaphore, #tpu.memory_space<semaphore_mem>>)
    %dma_start3A_37 = arith.constant 3 : i32
    %dma_start3A_38 = arith.constant 0 : i32
    %dma_start3A_39 = tpu.memref_slice %arg5[%dma_start3A_37, %dma_start3A_38] : memref<80x125xi32, #tpu.memory_space<vmem>> -> memref<1x125xi32, #tpu.memory_space<vmem>>
    %dma_start3A_40 = tpu.memref_squeeze %dma_start3A_39 : memref<1x125xi32, #tpu.memory_space<vmem>> -> memref<125xi32, #tpu.memory_space<vmem>>
    %dma_start3A_41 = arith.constant 0 : i32
    %dma_start3A_42 = arith.constant 0 : i32
    %dma_start3A_43 = tpu.memref_slice %arg2[%dma_start3A_41, %dma_start3A_42] : memref<10000x64xf32, #tpu.memory_space<hbm>> -> memref<10000x64xf32, #tpu.memory_space<hbm>>
    tpu.enqueue_indirect_dma source(%dma_start3A_43 : memref<10000x64xf32, #tpu.memory_space<hbm>>) target(%arg10 : memref<125x64xf32, #tpu.memory_space<vmem>>) offsets(%dma_start3A_40 : memref<125xi32, #tpu.memory_space<vmem>>) semaphore(%arg17 : memref<!tpu.dma_semaphore, #tpu.memory_space<semaphore_mem>>)
    %dma_start3A_44 = arith.constant 4 : i32
    %dma_start3A_45 = arith.constant 0 : i32
    %dma_start3A_46 = tpu.memref_slice %arg5[%dma_start3A_44, %dma_start3A_45] : memref<80x125xi32, #tpu.memory_space<vmem>> -> memref<1x125xi32, #tpu.memory_space<vmem>>
    %dma_start3A_47 = tpu.memref_squeeze %dma_start3A_46 : memref<1x125xi32, #tpu.memory_space<vmem>> -> memref<125xi32, #tpu.memory_space<vmem>>
    %dma_start3A_48 = arith.constant 0 : i32
    %dma_start3A_49 = arith.constant 0 : i32
    %dma_start3A_50 = tpu.memref_slice %arg2[%dma_start3A_48, %dma_start3A_49] : memref<10000x64xf32, #tpu.memory_space<hbm>> -> memref<10000x64xf32, #tpu.memory_space<hbm>>
    tpu.enqueue_indirect_dma source(%dma_start3A_50 : memref<10000x64xf32, #tpu.memory_space<hbm>>) target(%arg11 : memref<125x64xf32, #tpu.memory_space<vmem>>) offsets(%dma_start3A_47 : memref<125xi32, #tpu.memory_space<vmem>>) semaphore(%arg18 : memref<!tpu.dma_semaphore, #tpu.memory_space<semaphore_mem>>)
    %scan3A_51 = arith.constant 0 : i32
    %scan3A_52 = arith.constant 0 : i32
    %scan3A_53 = arith.constant 16 : i32
    %scan3A_54 = arith.addi %scan3A_52, %scan3A_53 : i32
    %scan3A_55 = arith.constant 1 : i32
    scf.for %scan3A_75 = %scan3A_52 to %scan3A_54 step %scan3A_55  : i32 {
      %mul3A_76 = arith.constant 5 : i32
      %mul3A_77 = arith.muli %scan3A_75, %mul3A_76 : i32
      %add3A_78 = arith.constant 0 : i32
      %add3A_79 = arith.addi %mul3A_77, %add3A_78 : i32
      %dma_wait3A = arith.constant 0 : i32
      %dma_wait3A_80 = tpu.memref_slice %arg5[%add3A_79, %dma_wait3A] : memref<80x125xi32, #tpu.memory_space<vmem>> -> memref<1x125xi32, #tpu.memory_space<vmem>>
      %dma_wait3A_81 = tpu.memref_squeeze %dma_wait3A_80 : memref<1x125xi32, #tpu.memory_space<vmem>> -> memref<125xi32, #tpu.memory_space<vmem>>
      %dma_wait3A_82 = arith.constant 0 : i32
      %dma_wait3A_83 = arith.constant 0 : i32
      %dma_wait3A_84 = tpu.memref_slice %arg2[%dma_wait3A_82, %dma_wait3A_83] : memref<10000x64xf32, #tpu.memory_space<hbm>> -> memref<10000x64xf32, #tpu.memory_space<hbm>>
      tpu.wait_indirect_dma semaphore(%arg14 : memref<!tpu.dma_semaphore, #tpu.memory_space<semaphore_mem>>) src(%dma_wait3A_84 : memref<10000x64xf32, #tpu.memory_space<hbm>>) dst(%arg7 : memref<125x64xf32, #tpu.memory_space<vmem>>)
      "tpu.region"() ({
        %run_scoped3A_159 = tpu.sem_alloc : memref<!tpu.dma_semaphore, #tpu.memory_space<semaphore_mem>>
        %dma_start3A_160 = arith.constant 0 : i32
        %dma_start3A_161 = tpu.memref_slice %arg6[%add3A_79, %dma_start3A_160] : memref<80x125xi32, #tpu.memory_space<vmem>> -> memref<1x125xi32, #tpu.memory_space<vmem>>
        %dma_start3A_162 = tpu.memref_squeeze %dma_start3A_161 : memref<1x125xi32, #tpu.memory_space<vmem>> -> memref<125xi32, #tpu.memory_space<vmem>>
        %dma_start3A_163 = arith.constant 0 : i32
        %dma_start3A_164 = arith.constant 0 : i32
        %dma_start3A_165 = tpu.memref_slice %arg13[%dma_start3A_163, %dma_start3A_164] : memref<10000x64xf32, #tpu.memory_space<vmem_shared>> -> memref<10000x64xf32, #tpu.memory_space<vmem_shared>>
        tpu.enqueue_indirect_dma source(%arg7 : memref<125x64xf32, #tpu.memory_space<vmem>>) target(%dma_start3A_165 : memref<10000x64xf32, #tpu.memory_space<vmem_shared>>) offsets(%dma_start3A_162 : memref<125xi32, #tpu.memory_space<vmem>>) semaphore(%run_scoped3A_159 : memref<!tpu.dma_semaphore, #tpu.memory_space<semaphore_mem>>) {add = true}
        %dma_wait3A_166 = arith.constant 0 : i32
        %dma_wait3A_167 = tpu.memref_slice %arg6[%add3A_79, %dma_wait3A_166] : memref<80x125xi32, #tpu.memory_space<vmem>> -> memref<1x125xi32, #tpu.memory_space<vmem>>
        %dma_wait3A_168 = tpu.memref_squeeze %dma_wait3A_167 : memref<1x125xi32, #tpu.memory_space<vmem>> -> memref<125xi32, #tpu.memory_space<vmem>>
        %dma_wait3A_169 = arith.constant 0 : i32
        %dma_wait3A_170 = arith.constant 0 : i32
        %dma_wait3A_171 = tpu.memref_slice %arg13[%dma_wait3A_169, %dma_wait3A_170] : memref<10000x64xf32, #tpu.memory_space<vmem_shared>> -> memref<10000x64xf32, #tpu.memory_space<vmem_shared>>
        tpu.wait_indirect_dma semaphore(%run_scoped3A_159 : memref<!tpu.dma_semaphore, #tpu.memory_space<semaphore_mem>>) src(%arg7 : memref<125x64xf32, #tpu.memory_space<vmem>>) dst(%dma_wait3A_171 : memref<10000x64xf32, #tpu.memory_space<vmem_shared>>)
        tpu.yield
      }) : () -> ()
      %add3A_85 = arith.constant 5 : i32
      %add3A_86 = arith.addi %add3A_79, %add3A_85 : i32
      %lt3A = arith.constant 80 : i32
      %lt3A_87 = arith.cmpi slt, %add3A_86, %lt3A : i32
      %convert_element_type3A_88 = arith.extui %lt3A_87 : i1 to i32
      %cond3A_89 = arith.constant 0 : i32
      %cond3A_90 = arith.cmpi ne, %convert_element_type3A_88, %cond3A_89 : i32
      scf.if %cond3A_90 {
        %dma_start3A_159 = arith.constant 0 : i32
        %dma_start3A_160 = tpu.memref_slice %arg5[%add3A_86, %dma_start3A_159] : memref<80x125xi32, #tpu.memory_space<vmem>> -> memref<1x125xi32, #tpu.memory_space<vmem>>
        %dma_start3A_161 = tpu.memref_squeeze %dma_start3A_160 : memref<1x125xi32, #tpu.memory_space<vmem>> -> memref<125xi32, #tpu.memory_space<vmem>>
        %dma_start3A_162 = arith.constant 0 : i32
        %dma_start3A_163 = arith.constant 0 : i32
        %dma_start3A_164 = tpu.memref_slice %arg2[%dma_start3A_162, %dma_start3A_163] : memref<10000x64xf32, #tpu.memory_space<hbm>> -> memref<10000x64xf32, #tpu.memory_space<hbm>>
        tpu.enqueue_indirect_dma source(%dma_start3A_164 : memref<10000x64xf32, #tpu.memory_space<hbm>>) target(%arg7 : memref<125x64xf32, #tpu.memory_space<vmem>>) offsets(%dma_start3A_161 : memref<125xi32, #tpu.memory_space<vmem>>) semaphore(%arg14 : memref<!tpu.dma_semaphore, #tpu.memory_space<semaphore_mem>>)
      } else {
      }
      %mul3A_91 = arith.constant 5 : i32
      %mul3A_92 = arith.muli %scan3A_75, %mul3A_91 : i32
      %add3A_93 = arith.constant 1 : i32
      %add3A_94 = arith.addi %mul3A_92, %add3A_93 : i32
      %dma_wait3A_95 = arith.constant 0 : i32
      %dma_wait3A_96 = tpu.memref_slice %arg5[%add3A_94, %dma_wait3A_95] : memref<80x125xi32, #tpu.memory_space<vmem>> -> memref<1x125xi32, #tpu.memory_space<vmem>>
      %dma_wait3A_97 = tpu.memref_squeeze %dma_wait3A_96 : memref<1x125xi32, #tpu.memory_space<vmem>> -> memref<125xi32, #tpu.memory_space<vmem>>
      %dma_wait3A_98 = arith.constant 0 : i32
      %dma_wait3A_99 = arith.constant 0 : i32
      %dma_wait3A_100 = tpu.memref_slice %arg2[%dma_wait3A_98, %dma_wait3A_99] : memref<10000x64xf32, #tpu.memory_space<hbm>> -> memref<10000x64xf32, #tpu.memory_space<hbm>>
      tpu.wait_indirect_dma semaphore(%arg15 : memref<!tpu.dma_semaphore, #tpu.memory_space<semaphore_mem>>) src(%dma_wait3A_100 : memref<10000x64xf32, #tpu.memory_space<hbm>>) dst(%arg8 : memref<125x64xf32, #tpu.memory_space<vmem>>)
      "tpu.region"() ({
        %run_scoped3A_159 = tpu.sem_alloc : memref<!tpu.dma_semaphore, #tpu.memory_space<semaphore_mem>>
        %dma_start3A_160 = arith.constant 0 : i32
        %dma_start3A_161 = tpu.memref_slice %arg6[%add3A_94, %dma_start3A_160] : memref<80x125xi32, #tpu.memory_space<vmem>> -> memref<1x125xi32, #tpu.memory_space<vmem>>
        %dma_start3A_162 = tpu.memref_squeeze %dma_start3A_161 : memref<1x125xi32, #tpu.memory_space<vmem>> -> memref<125xi32, #tpu.memory_space<vmem>>
        %dma_start3A_163 = arith.constant 0 : i32
        %dma_start3A_164 = arith.constant 0 : i32
        %dma_start3A_165 = tpu.memref_slice %arg13[%dma_start3A_163, %dma_start3A_164] : memref<10000x64xf32, #tpu.memory_space<vmem_shared>> -> memref<10000x64xf32, #tpu.memory_space<vmem_shared>>
        tpu.enqueue_indirect_dma source(%arg8 : memref<125x64xf32, #tpu.memory_space<vmem>>) target(%dma_start3A_165 : memref<10000x64xf32, #tpu.memory_space<vmem_shared>>) offsets(%dma_start3A_162 : memref<125xi32, #tpu.memory_space<vmem>>) semaphore(%run_scoped3A_159 : memref<!tpu.dma_semaphore, #tpu.memory_space<semaphore_mem>>) {add = true}
        %dma_wait3A_166 = arith.constant 0 : i32
        %dma_wait3A_167 = tpu.memref_slice %arg6[%add3A_94, %dma_wait3A_166] : memref<80x125xi32, #tpu.memory_space<vmem>> -> memref<1x125xi32, #tpu.memory_space<vmem>>
        %dma_wait3A_168 = tpu.memref_squeeze %dma_wait3A_167 : memref<1x125xi32, #tpu.memory_space<vmem>> -> memref<125xi32, #tpu.memory_space<vmem>>
        %dma_wait3A_169 = arith.constant 0 : i32
        %dma_wait3A_170 = arith.constant 0 : i32
        %dma_wait3A_171 = tpu.memref_slice %arg13[%dma_wait3A_169, %dma_wait3A_170] : memref<10000x64xf32, #tpu.memory_space<vmem_shared>> -> memref<10000x64xf32, #tpu.memory_space<vmem_shared>>
        tpu.wait_indirect_dma semaphore(%run_scoped3A_159 : memref<!tpu.dma_semaphore, #tpu.memory_space<semaphore_mem>>) src(%arg8 : memref<125x64xf32, #tpu.memory_space<vmem>>) dst(%dma_wait3A_171 : memref<10000x64xf32, #tpu.memory_space<vmem_shared>>)
        tpu.yield
      }) : () -> ()
      %add3A_101 = arith.constant 5 : i32
      %add3A_102 = arith.addi %add3A_94, %add3A_101 : i32
      %lt3A_103 = arith.constant 80 : i32
      %lt3A_104 = arith.cmpi slt, %add3A_102, %lt3A_103 : i32
      %convert_element_type3A_105 = arith.extui %lt3A_104 : i1 to i32
      %cond3A_106 = arith.constant 0 : i32
      %cond3A_107 = arith.cmpi ne, %convert_element_type3A_105, %cond3A_106 : i32
      scf.if %cond3A_107 {
        %dma_start3A_159 = arith.constant 0 : i32
        %dma_start3A_160 = tpu.memref_slice %arg5[%add3A_102, %dma_start3A_159] : memref<80x125xi32, #tpu.memory_space<vmem>> -> memref<1x125xi32, #tpu.memory_space<vmem>>
        %dma_start3A_161 = tpu.memref_squeeze %dma_start3A_160 : memref<1x125xi32, #tpu.memory_space<vmem>> -> memref<125xi32, #tpu.memory_space<vmem>>
        %dma_start3A_162 = arith.constant 0 : i32
        %dma_start3A_163 = arith.constant 0 : i32
        %dma_start3A_164 = tpu.memref_slice %arg2[%dma_start3A_162, %dma_start3A_163] : memref<10000x64xf32, #tpu.memory_space<hbm>> -> memref<10000x64xf32, #tpu.memory_space<hbm>>
        tpu.enqueue_indirect_dma source(%dma_start3A_164 : memref<10000x64xf32, #tpu.memory_space<hbm>>) target(%arg8 : memref<125x64xf32, #tpu.memory_space<vmem>>) offsets(%dma_start3A_161 : memref<125xi32, #tpu.memory_space<vmem>>) semaphore(%arg15 : memref<!tpu.dma_semaphore, #tpu.memory_space<semaphore_mem>>)
      } else {
      }
      %mul3A_108 = arith.constant 5 : i32
      %mul3A_109 = arith.muli %scan3A_75, %mul3A_108 : i32
      %add3A_110 = arith.constant 2 : i32
      %add3A_111 = arith.addi %mul3A_109, %add3A_110 : i32
      %dma_wait3A_112 = arith.constant 0 : i32
      %dma_wait3A_113 = tpu.memref_slice %arg5[%add3A_111, %dma_wait3A_112] : memref<80x125xi32, #tpu.memory_space<vmem>> -> memref<1x125xi32, #tpu.memory_space<vmem>>
      %dma_wait3A_114 = tpu.memref_squeeze %dma_wait3A_113 : memref<1x125xi32, #tpu.memory_space<vmem>> -> memref<125xi32, #tpu.memory_space<vmem>>
      %dma_wait3A_115 = arith.constant 0 : i32
      %dma_wait3A_116 = arith.constant 0 : i32
      %dma_wait3A_117 = tpu.memref_slice %arg2[%dma_wait3A_115, %dma_wait3A_116] : memref<10000x64xf32, #tpu.memory_space<hbm>> -> memref<10000x64xf32, #tpu.memory_space<hbm>>
      tpu.wait_indirect_dma semaphore(%arg16 : memref<!tpu.dma_semaphore, #tpu.memory_space<semaphore_mem>>) src(%dma_wait3A_117 : memref<10000x64xf32, #tpu.memory_space<hbm>>) dst(%arg9 : memref<125x64xf32, #tpu.memory_space<vmem>>)
      "tpu.region"() ({
        %run_scoped3A_159 = tpu.sem_alloc : memref<!tpu.dma_semaphore, #tpu.memory_space<semaphore_mem>>
        %dma_start3A_160 = arith.constant 0 : i32
        %dma_start3A_161 = tpu.memref_slice %arg6[%add3A_111, %dma_start3A_160] : memref<80x125xi32, #tpu.memory_space<vmem>> -> memref<1x125xi32, #tpu.memory_space<vmem>>
        %dma_start3A_162 = tpu.memref_squeeze %dma_start3A_161 : memref<1x125xi32, #tpu.memory_space<vmem>> -> memref<125xi32, #tpu.memory_space<vmem>>
        %dma_start3A_163 = arith.constant 0 : i32
        %dma_start3A_164 = arith.constant 0 : i32
        %dma_start3A_165 = tpu.memref_slice %arg13[%dma_start3A_163, %dma_start3A_164] : memref<10000x64xf32, #tpu.memory_space<vmem_shared>> -> memref<10000x64xf32, #tpu.memory_space<vmem_shared>>
        tpu.enqueue_indirect_dma source(%arg9 : memref<125x64xf32, #tpu.memory_space<vmem>>) target(%dma_start3A_165 : memref<10000x64xf32, #tpu.memory_space<vmem_shared>>) offsets(%dma_start3A_162 : memref<125xi32, #tpu.memory_space<vmem>>) semaphore(%run_scoped3A_159 : memref<!tpu.dma_semaphore, #tpu.memory_space<semaphore_mem>>) {add = true}
        %dma_wait3A_166 = arith.constant 0 : i32
        %dma_wait3A_167 = tpu.memref_slice %arg6[%add3A_111, %dma_wait3A_166] : memref<80x125xi32, #tpu.memory_space<vmem>> -> memref<1x125xi32, #tpu.memory_space<vmem>>
        %dma_wait3A_168 = tpu.memref_squeeze %dma_wait3A_167 : memref<1x125xi32, #tpu.memory_space<vmem>> -> memref<125xi32, #tpu.memory_space<vmem>>
        %dma_wait3A_169 = arith.constant 0 : i32
        %dma_wait3A_170 = arith.constant 0 : i32
        %dma_wait3A_171 = tpu.memref_slice %arg13[%dma_wait3A_169, %dma_wait3A_170] : memref<10000x64xf32, #tpu.memory_space<vmem_shared>> -> memref<10000x64xf32, #tpu.memory_space<vmem_shared>>
        tpu.wait_indirect_dma semaphore(%run_scoped3A_159 : memref<!tpu.dma_semaphore, #tpu.memory_space<semaphore_mem>>) src(%arg9 : memref<125x64xf32, #tpu.memory_space<vmem>>) dst(%dma_wait3A_171 : memref<10000x64xf32, #tpu.memory_space<vmem_shared>>)
        tpu.yield
      }) : () -> ()
      %add3A_118 = arith.constant 5 : i32
      %add3A_119 = arith.addi %add3A_111, %add3A_118 : i32
      %lt3A_120 = arith.constant 80 : i32
      %lt3A_121 = arith.cmpi slt, %add3A_119, %lt3A_120 : i32
      %convert_element_type3A_122 = arith.extui %lt3A_121 : i1 to i32
      %cond3A_123 = arith.constant 0 : i32
      %cond3A_124 = arith.cmpi ne, %convert_element_type3A_122, %cond3A_123 : i32
      scf.if %cond3A_124 {
        %dma_start3A_159 = arith.constant 0 : i32
        %dma_start3A_160 = tpu.memref_slice %arg5[%add3A_119, %dma_start3A_159] : memref<80x125xi32, #tpu.memory_space<vmem>> -> memref<1x125xi32, #tpu.memory_space<vmem>>
        %dma_start3A_161 = tpu.memref_squeeze %dma_start3A_160 : memref<1x125xi32, #tpu.memory_space<vmem>> -> memref<125xi32, #tpu.memory_space<vmem>>
        %dma_start3A_162 = arith.constant 0 : i32
        %dma_start3A_163 = arith.constant 0 : i32
        %dma_start3A_164 = tpu.memref_slice %arg2[%dma_start3A_162, %dma_start3A_163] : memref<10000x64xf32, #tpu.memory_space<hbm>> -> memref<10000x64xf32, #tpu.memory_space<hbm>>
        tpu.enqueue_indirect_dma source(%dma_start3A_164 : memref<10000x64xf32, #tpu.memory_space<hbm>>) target(%arg9 : memref<125x64xf32, #tpu.memory_space<vmem>>) offsets(%dma_start3A_161 : memref<125xi32, #tpu.memory_space<vmem>>) semaphore(%arg16 : memref<!tpu.dma_semaphore, #tpu.memory_space<semaphore_mem>>)
      } else {
      }
      %mul3A_125 = arith.constant 5 : i32
      %mul3A_126 = arith.muli %scan3A_75, %mul3A_125 : i32
      %add3A_127 = arith.constant 3 : i32
      %add3A_128 = arith.addi %mul3A_126, %add3A_127 : i32
      %dma_wait3A_129 = arith.constant 0 : i32
      %dma_wait3A_130 = tpu.memref_slice %arg5[%add3A_128, %dma_wait3A_129] : memref<80x125xi32, #tpu.memory_space<vmem>> -> memref<1x125xi32, #tpu.memory_space<vmem>>
      %dma_wait3A_131 = tpu.memref_squeeze %dma_wait3A_130 : memref<1x125xi32, #tpu.memory_space<vmem>> -> memref<125xi32, #tpu.memory_space<vmem>>
      %dma_wait3A_132 = arith.constant 0 : i32
      %dma_wait3A_133 = arith.constant 0 : i32
      %dma_wait3A_134 = tpu.memref_slice %arg2[%dma_wait3A_132, %dma_wait3A_133] : memref<10000x64xf32, #tpu.memory_space<hbm>> -> memref<10000x64xf32, #tpu.memory_space<hbm>>
      tpu.wait_indirect_dma semaphore(%arg17 : memref<!tpu.dma_semaphore, #tpu.memory_space<semaphore_mem>>) src(%dma_wait3A_134 : memref<10000x64xf32, #tpu.memory_space<hbm>>) dst(%arg10 : memref<125x64xf32, #tpu.memory_space<vmem>>)
      "tpu.region"() ({
        %run_scoped3A_159 = tpu.sem_alloc : memref<!tpu.dma_semaphore, #tpu.memory_space<semaphore_mem>>
        %dma_start3A_160 = arith.constant 0 : i32
        %dma_start3A_161 = tpu.memref_slice %arg6[%add3A_128, %dma_start3A_160] : memref<80x125xi32, #tpu.memory_space<vmem>> -> memref<1x125xi32, #tpu.memory_space<vmem>>
        %dma_start3A_162 = tpu.memref_squeeze %dma_start3A_161 : memref<1x125xi32, #tpu.memory_space<vmem>> -> memref<125xi32, #tpu.memory_space<vmem>>
        %dma_start3A_163 = arith.constant 0 : i32
        %dma_start3A_164 = arith.constant 0 : i32
        %dma_start3A_165 = tpu.memref_slice %arg13[%dma_start3A_163, %dma_start3A_164] : memref<10000x64xf32, #tpu.memory_space<vmem_shared>> -> memref<10000x64xf32, #tpu.memory_space<vmem_shared>>
        tpu.enqueue_indirect_dma source(%arg10 : memref<125x64xf32, #tpu.memory_space<vmem>>) target(%dma_start3A_165 : memref<10000x64xf32, #tpu.memory_space<vmem_shared>>) offsets(%dma_start3A_162 : memref<125xi32, #tpu.memory_space<vmem>>) semaphore(%run_scoped3A_159 : memref<!tpu.dma_semaphore, #tpu.memory_space<semaphore_mem>>) {add = true}
        %dma_wait3A_166 = arith.constant 0 : i32
        %dma_wait3A_167 = tpu.memref_slice %arg6[%add3A_128, %dma_wait3A_166] : memref<80x125xi32, #tpu.memory_space<vmem>> -> memref<1x125xi32, #tpu.memory_space<vmem>>
        %dma_wait3A_168 = tpu.memref_squeeze %dma_wait3A_167 : memref<1x125xi32, #tpu.memory_space<vmem>> -> memref<125xi32, #tpu.memory_space<vmem>>
        %dma_wait3A_169 = arith.constant 0 : i32
        %dma_wait3A_170 = arith.constant 0 : i32
        %dma_wait3A_171 = tpu.memref_slice %arg13[%dma_wait3A_169, %dma_wait3A_170] : memref<10000x64xf32, #tpu.memory_space<vmem_shared>> -> memref<10000x64xf32, #tpu.memory_space<vmem_shared>>
        tpu.wait_indirect_dma semaphore(%run_scoped3A_159 : memref<!tpu.dma_semaphore, #tpu.memory_space<semaphore_mem>>) src(%arg10 : memref<125x64xf32, #tpu.memory_space<vmem>>) dst(%dma_wait3A_171 : memref<10000x64xf32, #tpu.memory_space<vmem_shared>>)
        tpu.yield
      }) : () -> ()
      %add3A_135 = arith.constant 5 : i32
      %add3A_136 = arith.addi %add3A_128, %add3A_135 : i32
      %lt3A_137 = arith.constant 80 : i32
      %lt3A_138 = arith.cmpi slt, %add3A_136, %lt3A_137 : i32
      %convert_element_type3A_139 = arith.extui %lt3A_138 : i1 to i32
      %cond3A_140 = arith.constant 0 : i32
      %cond3A_141 = arith.cmpi ne, %convert_element_type3A_139, %cond3A_140 : i32
      scf.if %cond3A_141 {
        %dma_start3A_159 = arith.constant 0 : i32
        %dma_start3A_160 = tpu.memref_slice %arg5[%add3A_136, %dma_start3A_159] : memref<80x125xi32, #tpu.memory_space<vmem>> -> memref<1x125xi32, #tpu.memory_space<vmem>>
        %dma_start3A_161 = tpu.memref_squeeze %dma_start3A_160 : memref<1x125xi32, #tpu.memory_space<vmem>> -> memref<125xi32, #tpu.memory_space<vmem>>
        %dma_start3A_162 = arith.constant 0 : i32
        %dma_start3A_163 = arith.constant 0 : i32
        %dma_start3A_164 = tpu.memref_slice %arg2[%dma_start3A_162, %dma_start3A_163] : memref<10000x64xf32, #tpu.memory_space<hbm>> -> memref<10000x64xf32, #tpu.memory_space<hbm>>
        tpu.enqueue_indirect_dma source(%dma_start3A_164 : memref<10000x64xf32, #tpu.memory_space<hbm>>) target(%arg10 : memref<125x64xf32, #tpu.memory_space<vmem>>) offsets(%dma_start3A_161 : memref<125xi32, #tpu.memory_space<vmem>>) semaphore(%arg17 : memref<!tpu.dma_semaphore, #tpu.memory_space<semaphore_mem>>)
      } else {
      }
      %mul3A_142 = arith.constant 5 : i32
      %mul3A_143 = arith.muli %scan3A_75, %mul3A_142 : i32
      %add3A_144 = arith.constant 4 : i32
      %add3A_145 = arith.addi %mul3A_143, %add3A_144 : i32
      %dma_wait3A_146 = arith.constant 0 : i32
      %dma_wait3A_147 = tpu.memref_slice %arg5[%add3A_145, %dma_wait3A_146] : memref<80x125xi32, #tpu.memory_space<vmem>> -> memref<1x125xi32, #tpu.memory_space<vmem>>
      %dma_wait3A_148 = tpu.memref_squeeze %dma_wait3A_147 : memref<1x125xi32, #tpu.memory_space<vmem>> -> memref<125xi32, #tpu.memory_space<vmem>>
      %dma_wait3A_149 = arith.constant 0 : i32
      %dma_wait3A_150 = arith.constant 0 : i32
      %dma_wait3A_151 = tpu.memref_slice %arg2[%dma_wait3A_149, %dma_wait3A_150] : memref<10000x64xf32, #tpu.memory_space<hbm>> -> memref<10000x64xf32, #tpu.memory_space<hbm>>
      tpu.wait_indirect_dma semaphore(%arg18 : memref<!tpu.dma_semaphore, #tpu.memory_space<semaphore_mem>>) src(%dma_wait3A_151 : memref<10000x64xf32, #tpu.memory_space<hbm>>) dst(%arg11 : memref<125x64xf32, #tpu.memory_space<vmem>>)
      "tpu.region"() ({
        %run_scoped3A_159 = tpu.sem_alloc : memref<!tpu.dma_semaphore, #tpu.memory_space<semaphore_mem>>
        %dma_start3A_160 = arith.constant 0 : i32
        %dma_start3A_161 = tpu.memref_slice %arg6[%add3A_145, %dma_start3A_160] : memref<80x125xi32, #tpu.memory_space<vmem>> -> memref<1x125xi32, #tpu.memory_space<vmem>>
        %dma_start3A_162 = tpu.memref_squeeze %dma_start3A_161 : memref<1x125xi32, #tpu.memory_space<vmem>> -> memref<125xi32, #tpu.memory_space<vmem>>
        %dma_start3A_163 = arith.constant 0 : i32
        %dma_start3A_164 = arith.constant 0 : i32
        %dma_start3A_165 = tpu.memref_slice %arg13[%dma_start3A_163, %dma_start3A_164] : memref<10000x64xf32, #tpu.memory_space<vmem_shared>> -> memref<10000x64xf32, #tpu.memory_space<vmem_shared>>
        tpu.enqueue_indirect_dma source(%arg11 : memref<125x64xf32, #tpu.memory_space<vmem>>) target(%dma_start3A_165 : memref<10000x64xf32, #tpu.memory_space<vmem_shared>>) offsets(%dma_start3A_162 : memref<125xi32, #tpu.memory_space<vmem>>) semaphore(%run_scoped3A_159 : memref<!tpu.dma_semaphore, #tpu.memory_space<semaphore_mem>>) {add = true}
        %dma_wait3A_166 = arith.constant 0 : i32
        %dma_wait3A_167 = tpu.memref_slice %arg6[%add3A_145, %dma_wait3A_166] : memref<80x125xi32, #tpu.memory_space<vmem>> -> memref<1x125xi32, #tpu.memory_space<vmem>>
        %dma_wait3A_168 = tpu.memref_squeeze %dma_wait3A_167 : memref<1x125xi32, #tpu.memory_space<vmem>> -> memref<125xi32, #tpu.memory_space<vmem>>
        %dma_wait3A_169 = arith.constant 0 : i32
        %dma_wait3A_170 = arith.constant 0 : i32
        %dma_wait3A_171 = tpu.memref_slice %arg13[%dma_wait3A_169, %dma_wait3A_170] : memref<10000x64xf32, #tpu.memory_space<vmem_shared>> -> memref<10000x64xf32, #tpu.memory_space<vmem_shared>>
        tpu.wait_indirect_dma semaphore(%run_scoped3A_159 : memref<!tpu.dma_semaphore, #tpu.memory_space<semaphore_mem>>) src(%arg11 : memref<125x64xf32, #tpu.memory_space<vmem>>) dst(%dma_wait3A_171 : memref<10000x64xf32, #tpu.memory_space<vmem_shared>>)
        tpu.yield
      }) : () -> ()
      %add3A_152 = arith.constant 5 : i32
      %add3A_153 = arith.addi %add3A_145, %add3A_152 : i32
      %lt3A_154 = arith.constant 80 : i32
      %lt3A_155 = arith.cmpi slt, %add3A_153, %lt3A_154 : i32
      %convert_element_type3A_156 = arith.extui %lt3A_155 : i1 to i32
      %cond3A_157 = arith.constant 0 : i32
      %cond3A_158 = arith.cmpi ne, %convert_element_type3A_156, %cond3A_157 : i32
      scf.if %cond3A_158 {
        %dma_start3A_159 = arith.constant 0 : i32
        %dma_start3A_160 = tpu.memref_slice %arg5[%add3A_153, %dma_start3A_159] : memref<80x125xi32, #tpu.memory_space<vmem>> -> memref<1x125xi32, #tpu.memory_space<vmem>>
        %dma_start3A_161 = tpu.memref_squeeze %dma_start3A_160 : memref<1x125xi32, #tpu.memory_space<vmem>> -> memref<125xi32, #tpu.memory_space<vmem>>
        %dma_start3A_162 = arith.constant 0 : i32
        %dma_start3A_163 = arith.constant 0 : i32
        %dma_start3A_164 = tpu.memref_slice %arg2[%dma_start3A_162, %dma_start3A_163] : memref<10000x64xf32, #tpu.memory_space<hbm>> -> memref<10000x64xf32, #tpu.memory_space<hbm>>
        tpu.enqueue_indirect_dma source(%dma_start3A_164 : memref<10000x64xf32, #tpu.memory_space<hbm>>) target(%arg11 : memref<125x64xf32, #tpu.memory_space<vmem>>) offsets(%dma_start3A_161 : memref<125xi32, #tpu.memory_space<vmem>>) semaphore(%arg18 : memref<!tpu.dma_semaphore, #tpu.memory_space<semaphore_mem>>)
      } else {
      }
    }
    %scan3A_56 = arith.constant 16 : i32
    %barrier3A_57 = arith.constant 0 : index
    tpu.barrier barrier_id(%barrier3A_57)
    %mul3A_58 = arith.constant 624 : i32
    %mul3A_59 = arith.muli %arg1, %mul3A_58 : i32
    %add3A_60 = arith.constant 0 : i32
    %add3A_61 = arith.addi %mul3A_59, %add3A_60 : i32
    "tpu.region"() ({
      %run_scoped3A_75 = tpu.sem_alloc : memref<!tpu.dma_semaphore, #tpu.memory_space<semaphore_mem>>
      %dma_start3A_76 = arith.constant 0 : i32
      %dma_start3A_77 = tpu.memref_slice %arg13[%add3A_61, %dma_start3A_76] : memref<10000x64xf32, #tpu.memory_space<vmem_shared>> -> memref<312x64xf32, #tpu.memory_space<vmem_shared>>
      %dma_start3A_78 = arith.constant 0 : i32
      %dma_start3A_79 = tpu.memref_slice %arg13[%add3A_61, %dma_start3A_78] : memref<10000x64xf32, #tpu.memory_space<vmem_shared>> -> memref<312x64xf32, #tpu.memory_space<vmem_shared>>
      tpu.enqueue_dma source(%dma_start3A_79 : memref<312x64xf32, #tpu.memory_space<vmem_shared>>) target(%arg12 : memref<312x64xf32, #tpu.memory_space<vmem>>) target_semaphore(%run_scoped3A_75 : memref<!tpu.dma_semaphore, #tpu.memory_space<semaphore_mem>>)
      %dma_wait3A = arith.constant 0 : i32
      %dma_wait3A_80 = tpu.memref_slice %arg13[%add3A_61, %dma_wait3A] : memref<10000x64xf32, #tpu.memory_space<vmem_shared>> -> memref<312x64xf32, #tpu.memory_space<vmem_shared>>
      %dma_wait3A_81 = arith.constant 0 : i32
      %dma_wait3A_82 = tpu.memref_slice %arg13[%add3A_61, %dma_wait3A_81] : memref<10000x64xf32, #tpu.memory_space<vmem_shared>> -> memref<312x64xf32, #tpu.memory_space<vmem_shared>>
      tpu.wait_dma2 semaphore(%run_scoped3A_75 : memref<!tpu.dma_semaphore, #tpu.memory_space<semaphore_mem>>) src(%dma_wait3A_82 : memref<312x64xf32, #tpu.memory_space<vmem_shared>>) dst(%arg12 : memref<312x64xf32, #tpu.memory_space<vmem>>)
      tpu.yield
    }) : () -> ()
    %mul3A_62 = arith.constant 64 : i32
    %mul3A_63 = arith.muli %arg0, %mul3A_62 : i32
    "tpu.region"() ({
      %run_scoped3A_75 = tpu.sem_alloc : memref<!tpu.dma_semaphore, #tpu.memory_space<semaphore_mem>>
      %dma_start3A_76 = tpu.memref_slice %arg4[%add3A_61, %mul3A_63] : memref<10000x128xf32, #tpu.memory_space<hbm>> -> memref<312x64xf32, #tpu.memory_space<hbm>>
      %dma_start3A_77 = tpu.memref_slice %arg4[%add3A_61, %mul3A_63] : memref<10000x128xf32, #tpu.memory_space<hbm>> -> memref<312x64xf32, #tpu.memory_space<hbm>>
      tpu.enqueue_dma source(%arg12 : memref<312x64xf32, #tpu.memory_space<vmem>>) target(%dma_start3A_77 : memref<312x64xf32, #tpu.memory_space<hbm>>) target_semaphore(%run_scoped3A_75 : memref<!tpu.dma_semaphore, #tpu.memory_space<semaphore_mem>>)
      %dma_wait3A = tpu.memref_slice %arg4[%add3A_61, %mul3A_63] : memref<10000x128xf32, #tpu.memory_space<hbm>> -> memref<312x64xf32, #tpu.memory_space<hbm>>
      %dma_wait3A_78 = tpu.memref_slice %arg4[%add3A_61, %mul3A_63] : memref<10000x128xf32, #tpu.memory_space<hbm>> -> memref<312x64xf32, #tpu.memory_space<hbm>>
      tpu.wait_dma2 semaphore(%run_scoped3A_75 : memref<!tpu.dma_semaphore, #tpu.memory_space<semaphore_mem>>) src(%arg12 : memref<312x64xf32, #tpu.memory_space<vmem>>) dst(%dma_wait3A_78 : memref<312x64xf32, #tpu.memory_space<hbm>>)
      tpu.yield
    }) : () -> ()
    %mul3A_64 = arith.constant 624 : i32
    %mul3A_65 = arith.muli %arg1, %mul3A_64 : i32
    %add3A_66 = arith.constant 312 : i32
    %add3A_67 = arith.addi %mul3A_65, %add3A_66 : i32
    "tpu.region"() ({
      %run_scoped3A_75 = tpu.sem_alloc : memref<!tpu.dma_semaphore, #tpu.memory_space<semaphore_mem>>
      %dma_start3A_76 = arith.constant 0 : i32
      %dma_start3A_77 = tpu.memref_slice %arg13[%add3A_67, %dma_start3A_76] : memref<10000x64xf32, #tpu.memory_space<vmem_shared>> -> memref<312x64xf32, #tpu.memory_space<vmem_shared>>
      %dma_start3A_78 = arith.constant 0 : i32
      %dma_start3A_79 = tpu.memref_slice %arg13[%add3A_67, %dma_start3A_78] : memref<10000x64xf32, #tpu.memory_space<vmem_shared>> -> memref<312x64xf32, #tpu.memory_space<vmem_shared>>
      tpu.enqueue_dma source(%dma_start3A_79 : memref<312x64xf32, #tpu.memory_space<vmem_shared>>) target(%arg12 : memref<312x64xf32, #tpu.memory_space<vmem>>) target_semaphore(%run_scoped3A_75 : memref<!tpu.dma_semaphore, #tpu.memory_space<semaphore_mem>>)
      %dma_wait3A = arith.constant 0 : i32
      %dma_wait3A_80 = tpu.memref_slice %arg13[%add3A_67, %dma_wait3A] : memref<10000x64xf32, #tpu.memory_space<vmem_shared>> -> memref<312x64xf32, #tpu.memory_space<vmem_shared>>
      %dma_wait3A_81 = arith.constant 0 : i32
      %dma_wait3A_82 = tpu.memref_slice %arg13[%add3A_67, %dma_wait3A_81] : memref<10000x64xf32, #tpu.memory_space<vmem_shared>> -> memref<312x64xf32, #tpu.memory_space<vmem_shared>>
      tpu.wait_dma2 semaphore(%run_scoped3A_75 : memref<!tpu.dma_semaphore, #tpu.memory_space<semaphore_mem>>) src(%dma_wait3A_82 : memref<312x64xf32, #tpu.memory_space<vmem_shared>>) dst(%arg12 : memref<312x64xf32, #tpu.memory_space<vmem>>)
      tpu.yield
    }) : () -> ()
    %mul3A_68 = arith.constant 64 : i32
    %mul3A_69 = arith.muli %arg0, %mul3A_68 : i32
    "tpu.region"() ({
      %run_scoped3A_75 = tpu.sem_alloc : memref<!tpu.dma_semaphore, #tpu.memory_space<semaphore_mem>>
      %dma_start3A_76 = tpu.memref_slice %arg4[%add3A_67, %mul3A_69] : memref<10000x128xf32, #tpu.memory_space<hbm>> -> memref<312x64xf32, #tpu.memory_space<hbm>>
      %dma_start3A_77 = tpu.memref_slice %arg4[%add3A_67, %mul3A_69] : memref<10000x128xf32, #tpu.memory_space<hbm>> -> memref<312x64xf32, #tpu.memory_space<hbm>>
      tpu.enqueue_dma source(%arg12 : memref<312x64xf32, #tpu.memory_space<vmem>>) target(%dma_start3A_77 : memref<312x64xf32, #tpu.memory_space<hbm>>) target_semaphore(%run_scoped3A_75 : memref<!tpu.dma_semaphore, #tpu.memory_space<semaphore_mem>>)
      %dma_wait3A = tpu.memref_slice %arg4[%add3A_67, %mul3A_69] : memref<10000x128xf32, #tpu.memory_space<hbm>> -> memref<312x64xf32, #tpu.memory_space<hbm>>
      %dma_wait3A_78 = tpu.memref_slice %arg4[%add3A_67, %mul3A_69] : memref<10000x128xf32, #tpu.memory_space<hbm>> -> memref<312x64xf32, #tpu.memory_space<hbm>>
      tpu.wait_dma2 semaphore(%run_scoped3A_75 : memref<!tpu.dma_semaphore, #tpu.memory_space<semaphore_mem>>) src(%arg12 : memref<312x64xf32, #tpu.memory_space<vmem>>) dst(%dma_wait3A_78 : memref<312x64xf32, #tpu.memory_space<hbm>>)
      tpu.yield
    }) : () -> ()
    %eq3A_70 = arith.constant 15 : i32
    %eq3A_71 = arith.cmpi eq, %arg1, %eq3A_70 : i32
    %convert_element_type3A_72 = arith.extui %eq3A_71 : i1 to i32
    %cond3A_73 = arith.constant 0 : i32
    %cond3A_74 = arith.cmpi ne, %convert_element_type3A_72, %cond3A_73 : i32
    scf.if %cond3A_74 {
      "tpu.region"() ({
        %run_scoped3A_77 = tpu.sem_alloc : memref<!tpu.dma_semaphore, #tpu.memory_space<semaphore_mem>>
        %dma_start3A_78 = arith.constant 0 : i32
        %dma_start3A_79 = arith.constant 0 : i32
        %dma_start3A_80 = tpu.memref_slice %arg12[%dma_start3A_78, %dma_start3A_79] : memref<312x64xf32, #tpu.memory_space<vmem>> -> memref<16x64xf32, #tpu.memory_space<vmem>>
        %dma_start3A_81 = arith.constant 9984 : i32
        %dma_start3A_82 = arith.constant 0 : i32
        %dma_start3A_83 = tpu.memref_slice %arg13[%dma_start3A_81, %dma_start3A_82] : memref<10000x64xf32, #tpu.memory_space<vmem_shared>> -> memref<16x64xf32, #tpu.memory_space<vmem_shared>>
        %dma_start3A_84 = arith.constant 0 : i32
        %dma_start3A_85 = arith.constant 0 : i32
        %dma_start3A_86 = tpu.memref_slice %arg12[%dma_start3A_84, %dma_start3A_85] : memref<312x64xf32, #tpu.memory_space<vmem>> -> memref<16x64xf32, #tpu.memory_space<vmem>>
        %dma_start3A_87 = arith.constant 9984 : i32
        %dma_start3A_88 = arith.constant 0 : i32
        %dma_start3A_89 = tpu.memref_slice %arg13[%dma_start3A_87, %dma_start3A_88] : memref<10000x64xf32, #tpu.memory_space<vmem_shared>> -> memref<16x64xf32, #tpu.memory_space<vmem_shared>>
        tpu.enqueue_dma source(%dma_start3A_89 : memref<16x64xf32, #tpu.memory_space<vmem_shared>>) target(%dma_start3A_86 : memref<16x64xf32, #tpu.memory_space<vmem>>) target_semaphore(%run_scoped3A_77 : memref<!tpu.dma_semaphore, #tpu.memory_space<semaphore_mem>>)
        %dma_wait3A = arith.constant 0 : i32
        %dma_wait3A_90 = arith.constant 0 : i32
        %dma_wait3A_91 = tpu.memref_slice %arg12[%dma_wait3A, %dma_wait3A_90] : memref<312x64xf32, #tpu.memory_space<vmem>> -> memref<16x64xf32, #tpu.memory_space<vmem>>
        %dma_wait3A_92 = arith.constant 9984 : i32
        %dma_wait3A_93 = arith.constant 0 : i32
        %dma_wait3A_94 = tpu.memref_slice %arg13[%dma_wait3A_92, %dma_wait3A_93] : memref<10000x64xf32, #tpu.memory_space<vmem_shared>> -> memref<16x64xf32, #tpu.memory_space<vmem_shared>>
        %dma_wait3A_95 = arith.constant 0 : i32
        %dma_wait3A_96 = arith.constant 0 : i32
        %dma_wait3A_97 = tpu.memref_slice %arg12[%dma_wait3A_95, %dma_wait3A_96] : memref<312x64xf32, #tpu.memory_space<vmem>> -> memref<16x64xf32, #tpu.memory_space<vmem>>
        %dma_wait3A_98 = arith.constant 9984 : i32
        %dma_wait3A_99 = arith.constant 0 : i32
        %dma_wait3A_100 = tpu.memref_slice %arg13[%dma_wait3A_98, %dma_wait3A_99] : memref<10000x64xf32, #tpu.memory_space<vmem_shared>> -> memref<16x64xf32, #tpu.memory_space<vmem_shared>>
        tpu.wait_dma2 semaphore(%run_scoped3A_77 : memref<!tpu.dma_semaphore, #tpu.memory_space<semaphore_mem>>) src(%dma_wait3A_100 : memref<16x64xf32, #tpu.memory_space<vmem_shared>>) dst(%dma_wait3A_97 : memref<16x64xf32, #tpu.memory_space<vmem>>)
        tpu.yield
      }) : () -> ()
      %mul3A_75 = arith.constant 64 : i32
      %mul3A_76 = arith.muli %arg0, %mul3A_75 : i32
      "tpu.region"() ({
        %run_scoped3A_77 = tpu.sem_alloc : memref<!tpu.dma_semaphore, #tpu.memory_space<semaphore_mem>>
        %dma_start3A_78 = arith.constant 0 : i32
        %dma_start3A_79 = arith.constant 0 : i32
        %dma_start3A_80 = tpu.memref_slice %arg12[%dma_start3A_78, %dma_start3A_79] : memref<312x64xf32, #tpu.memory_space<vmem>> -> memref<16x64xf32, #tpu.memory_space<vmem>>
        %dma_start3A_81 = arith.constant 9984 : i32
        %dma_start3A_82 = tpu.memref_slice %arg4[%dma_start3A_81, %mul3A_76] : memref<10000x128xf32, #tpu.memory_space<hbm>> -> memref<16x64xf32, #tpu.memory_space<hbm>>
        %dma_start3A_83 = arith.constant 9984 : i32
        %dma_start3A_84 = tpu.memref_slice %arg4[%dma_start3A_83, %mul3A_76] : memref<10000x128xf32, #tpu.memory_space<hbm>> -> memref<16x64xf32, #tpu.memory_space<hbm>>
        %dma_start3A_85 = arith.constant 0 : i32
        %dma_start3A_86 = arith.constant 0 : i32
        %dma_start3A_87 = tpu.memref_slice %arg12[%dma_start3A_85, %dma_start3A_86] : memref<312x64xf32, #tpu.memory_space<vmem>> -> memref<16x64xf32, #tpu.memory_space<vmem>>
        tpu.enqueue_dma source(%dma_start3A_87 : memref<16x64xf32, #tpu.memory_space<vmem>>) target(%dma_start3A_84 : memref<16x64xf32, #tpu.memory_space<hbm>>) target_semaphore(%run_scoped3A_77 : memref<!tpu.dma_semaphore, #tpu.memory_space<semaphore_mem>>)
        %dma_wait3A = arith.constant 0 : i32
        %dma_wait3A_88 = arith.constant 0 : i32
        %dma_wait3A_89 = tpu.memref_slice %arg12[%dma_wait3A, %dma_wait3A_88] : memref<312x64xf32, #tpu.memory_space<vmem>> -> memref<16x64xf32, #tpu.memory_space<vmem>>
        %dma_wait3A_90 = arith.constant 9984 : i32
        %dma_wait3A_91 = tpu.memref_slice %arg4[%dma_wait3A_90, %mul3A_76] : memref<10000x128xf32, #tpu.memory_space<hbm>> -> memref<16x64xf32, #tpu.memory_space<hbm>>
        %dma_wait3A_92 = arith.constant 9984 : i32
        %dma_wait3A_93 = tpu.memref_slice %arg4[%dma_wait3A_92, %mul3A_76] : memref<10000x128xf32, #tpu.memory_space<hbm>> -> memref<16x64xf32, #tpu.memory_space<hbm>>
        %dma_wait3A_94 = arith.constant 0 : i32
        %dma_wait3A_95 = arith.constant 0 : i32
        %dma_wait3A_96 = tpu.memref_slice %arg12[%dma_wait3A_94, %dma_wait3A_95] : memref<312x64xf32, #tpu.memory_space<vmem>> -> memref<16x64xf32, #tpu.memory_space<vmem>>
        tpu.wait_dma2 semaphore(%run_scoped3A_77 : memref<!tpu.dma_semaphore, #tpu.memory_space<semaphore_mem>>) src(%dma_wait3A_96 : memref<16x64xf32, #tpu.memory_space<vmem>>) dst(%dma_wait3A_93 : memref<16x64xf32, #tpu.memory_space<hbm>>)
        tpu.yield
      }) : () -> ()
    } else {
    }
    return
  }
}

module attributes {stable_mosaic.version = 14 : i64} {
  func.func @_p1_body(%arg0: memref<10000x128xf32, #tpu.memory_space<vmem>>, %arg1: memref<128x64xf32, #tpu.memory_space<vmem>>, %arg2: memref<2x10000xf32, #tpu.memory_space<vmem>>, %arg3: memref<10000x64xf32, #tpu.memory_space<vmem>>) attributes {dimension_semantics = [], scalar_prefetch = 0 : i64, scratch_operands = 0 : i64, tpu.core_type = #tpu.core_type<tc>} {
    %get3A = arith.constant 0 : index
    %get3A_0 = arith.constant 0 : index
    %get3A_1 = vector.load %arg0[%get3A, %get3A_0] : memref<10000x128xf32, #tpu.memory_space<vmem>>, vector<10000x128xf32>
    %get3A_2 = arith.constant 0 : index
    %get3A_3 = arith.constant 0 : index
    %get3A_4 = vector.load %arg1[%get3A_2, %get3A_3] : memref<128x64xf32, #tpu.memory_space<vmem>>, vector<128x64xf32>
    %dot_general3A = arith.constant dense<0.000000e+00> : vector<10000x64xf32>
    %dot_general3A_5 = tpu.matmul %get3A_1, %get3A_4, %dot_general3A {dimension_numbers = #tpu.dot_dimension_numbers<[1], [0], [0], [1], [0, 0, 1, 1], [], []>, transpose_lhs_hint = false} : vector<10000x128xf32>, vector<128x64xf32>, vector<10000x64xf32> -> vector<10000x64xf32>
    %get3A_6 = arith.constant 0 : index
    %get3A_7 = arith.constant 0 : index
    %get3A_8 = vector.load %arg2[%get3A_6, %get3A_7] : memref<2x10000xf32, #tpu.memory_space<vmem>>, vector<2x10000xf32>
    %broadcast_in_dim3A = arith.constant 1.000000e+00 : f32
    %broadcast_in_dim3A_9 = vector.broadcast %broadcast_in_dim3A : f32 to vector<2x1xf32>
    %dot_general3A_10 = arith.constant dense<0.000000e+00> : vector<10000x1xf32>
    %dot_general3A_11 = tpu.matmul %get3A_8, %broadcast_in_dim3A_9, %dot_general3A_10 {dimension_numbers = #tpu.dot_dimension_numbers<[0], [0], [1], [1], [0, 1, 1, 1], [], []>, transpose_lhs_hint = false} : vector<2x10000xf32>, vector<2x1xf32>, vector<10000x1xf32> -> vector<10000x1xf32>
    %add3A = arith.constant 1.000000e+00 : f32
    %add3A_12 = vector.broadcast %add3A : f32 to vector<10000x1xf32>
    %add3A_13 = arith.addf %dot_general3A_11, %add3A_12 : vector<10000x1xf32>
    %rsqrt3A = math.rsqrt %add3A_13 : vector<10000x1xf32>
    %mul3A = vector.broadcast %rsqrt3A : vector<10000x1xf32> to vector<10000x64xf32>
    %mul3A_14 = arith.mulf %dot_general3A_5, %mul3A : vector<10000x64xf32>
    %swap3A = arith.constant 0 : index
    %swap3A_15 = arith.constant 0 : index
    %swap3A_16 = vector.load %arg3[%swap3A, %swap3A_15] : memref<10000x64xf32, #tpu.memory_space<vmem>>, vector<10000x64xf32>
    tpu.vector_store %arg3[%swap3A, %swap3A_15], %mul3A_14 {strides = array<i32>} : memref<10000x64xf32, #tpu.memory_space<vmem>>, vector<10000x64xf32>,
    return
  }
}

module attributes {stable_mosaic.version = 14 : i64} {
  func.func @_p3_body(%arg0: memref<10000x64xf32, #tpu.memory_space<vmem>>, %arg1: memref<10000x128xf32, #tpu.memory_space<vmem>>, %arg2: memref<2x10000xf32, #tpu.memory_space<vmem>>, %arg3: memref<1x64xf32, #tpu.memory_space<vmem>>, %arg4: memref<64x32xf32, #tpu.memory_space<vmem>>, %arg5: memref<10000x32xf32, #tpu.memory_space<vmem>>) attributes {dimension_semantics = [], scalar_prefetch = 0 : i64, scratch_operands = 0 : i64, tpu.core_type = #tpu.core_type<tc>} {
    %get3A = arith.constant 0 : index
    %get3A_0 = arith.constant 0 : index
    %get3A_1 = vector.load %arg2[%get3A, %get3A_0] : memref<2x10000xf32, #tpu.memory_space<vmem>>, vector<2x10000xf32>
    %broadcast_in_dim3A = arith.constant 1.000000e+00 : f32
    %broadcast_in_dim3A_2 = vector.broadcast %broadcast_in_dim3A : f32 to vector<2x1xf32>
    %dot_general3A = arith.constant dense<0.000000e+00> : vector<10000x1xf32>
    %dot_general3A_3 = tpu.matmul %get3A_1, %broadcast_in_dim3A_2, %dot_general3A {dimension_numbers = #tpu.dot_dimension_numbers<[0], [0], [1], [1], [0, 1, 1, 1], [], []>, transpose_lhs_hint = false} : vector<2x10000xf32>, vector<2x1xf32>, vector<10000x1xf32> -> vector<10000x1xf32>
    %add3A = arith.constant 1.000000e+00 : f32
    %add3A_4 = vector.broadcast %add3A : f32 to vector<10000x1xf32>
    %add3A_5 = arith.addf %dot_general3A_3, %add3A_4 : vector<10000x1xf32>
    %rsqrt3A = math.rsqrt %add3A_5 : vector<10000x1xf32>
    %get3A_6 = arith.constant 0 : index
    %get3A_7 = arith.constant 0 : index
    %get3A_8 = vector.load %arg1[%get3A_6, %get3A_7] : memref<10000x128xf32, #tpu.memory_space<vmem>>, vector<10000x128xf32>
    %slice3A = vector.extract_strided_slice %get3A_8 {offsets = [0, 0], sizes = [10000, 64], strides = [1, 1]} : vector<10000x128xf32> to vector<10000x64xf32>
    %slice3A_9 = vector.extract_strided_slice %get3A_8 {offsets = [0, 64], sizes = [10000, 64], strides = [1, 1]} : vector<10000x128xf32> to vector<10000x64xf32>
    %add3A_10 = arith.addf %slice3A, %slice3A_9 : vector<10000x64xf32>
    %get3A_11 = arith.constant 0 : index
    %get3A_12 = arith.constant 0 : index
    %get3A_13 = vector.load %arg0[%get3A_11, %get3A_12] : memref<10000x64xf32, #tpu.memory_space<vmem>>, vector<10000x64xf32>
    %add3A_14 = arith.addf %add3A_10, %get3A_13 : vector<10000x64xf32>
    %mul3A = vector.broadcast %rsqrt3A : vector<10000x1xf32> to vector<10000x64xf32>
    %mul3A_15 = arith.mulf %add3A_14, %mul3A : vector<10000x64xf32>
    %get3A_16 = arith.constant 0 : index
    %get3A_17 = arith.constant 0 : index
    %get3A_18 = vector.load %arg3[%get3A_16, %get3A_17] : memref<1x64xf32, #tpu.memory_space<vmem>>, vector<1x64xf32>
    %add3A_19 = vector.broadcast %get3A_18 : vector<1x64xf32> to vector<10000x64xf32>
    %add3A_20 = arith.addf %mul3A_15, %add3A_19 : vector<10000x64xf32>
    %max3A = arith.constant 0.000000e+00 : f32
    %max3A_21 = vector.broadcast %max3A : f32 to vector<10000x64xf32>
    %max3A_22 = arith.maximumf %add3A_20, %max3A_21 : vector<10000x64xf32>
    %get3A_23 = arith.constant 0 : index
    %get3A_24 = arith.constant 0 : index
    %get3A_25 = vector.load %arg4[%get3A_23, %get3A_24] : memref<64x32xf32, #tpu.memory_space<vmem>>, vector<64x32xf32>
    %dot_general3A_26 = arith.constant dense<0.000000e+00> : vector<10000x32xf32>
    %dot_general3A_27 = tpu.matmul %max3A_22, %get3A_25, %dot_general3A_26 {dimension_numbers = #tpu.dot_dimension_numbers<[1], [0], [0], [1], [0, 0, 1, 1], [], []>, transpose_lhs_hint = false} : vector<10000x64xf32>, vector<64x32xf32>, vector<10000x32xf32> -> vector<10000x32xf32>
    %mul3A_28 = vector.broadcast %rsqrt3A : vector<10000x1xf32> to vector<10000x32xf32>
    %mul3A_29 = arith.mulf %dot_general3A_27, %mul3A_28 : vector<10000x32xf32>
    %swap3A = arith.constant 0 : index
    %swap3A_30 = arith.constant 0 : index
    %swap3A_31 = vector.load %arg5[%swap3A, %swap3A_30] : memref<10000x32xf32, #tpu.memory_space<vmem>>, vector<10000x32xf32>
    tpu.vector_store %arg5[%swap3A, %swap3A_30], %mul3A_29 {strides = array<i32>} : memref<10000x32xf32, #tpu.memory_space<vmem>>, vector<10000x32xf32>,
    return
  }
}

module attributes {stable_mosaic.version = 14 : i64} {
  func.func @_p5_body(%arg0: memref<10000x32xf32, #tpu.memory_space<vmem>>, %arg1: memref<10000x128xf32, #tpu.memory_space<vmem>>, %arg2: memref<2x10000xf32, #tpu.memory_space<vmem>>, %arg3: memref<1x32xf32, #tpu.memory_space<vmem>>, %arg4: memref<10000x32xf32, #tpu.memory_space<vmem>>) attributes {dimension_semantics = [], scalar_prefetch = 0 : i64, scratch_operands = 0 : i64, tpu.core_type = #tpu.core_type<tc>} {
    %get3A = arith.constant 0 : index
    %get3A_0 = arith.constant 0 : index
    %get3A_1 = vector.load %arg2[%get3A, %get3A_0] : memref<2x10000xf32, #tpu.memory_space<vmem>>, vector<2x10000xf32>
    %broadcast_in_dim3A = arith.constant 1.000000e+00 : f32
    %broadcast_in_dim3A_2 = vector.broadcast %broadcast_in_dim3A : f32 to vector<2x1xf32>
    %dot_general3A = arith.constant dense<0.000000e+00> : vector<10000x1xf32>
    %dot_general3A_3 = tpu.matmul %get3A_1, %broadcast_in_dim3A_2, %dot_general3A {dimension_numbers = #tpu.dot_dimension_numbers<[0], [0], [1], [1], [0, 1, 1, 1], [], []>, transpose_lhs_hint = false} : vector<2x10000xf32>, vector<2x1xf32>, vector<10000x1xf32> -> vector<10000x1xf32>
    %add3A = arith.constant 1.000000e+00 : f32
    %add3A_4 = vector.broadcast %add3A : f32 to vector<10000x1xf32>
    %add3A_5 = arith.addf %dot_general3A_3, %add3A_4 : vector<10000x1xf32>
    %rsqrt3A = math.rsqrt %add3A_5 : vector<10000x1xf32>
    %get3A_6 = arith.constant 0 : index
    %get3A_7 = arith.constant 0 : index
    %get3A_8 = vector.load %arg1[%get3A_6, %get3A_7] : memref<10000x128xf32, #tpu.memory_space<vmem>>, vector<10000x128xf32>
    %slice3A = vector.extract_strided_slice %get3A_8 {offsets = [0, 0], sizes = [10000, 32], strides = [1, 1]} : vector<10000x128xf32> to vector<10000x32xf32>
    %slice3A_9 = vector.extract_strided_slice %get3A_8 {offsets = [0, 32], sizes = [10000, 32], strides = [1, 1]} : vector<10000x128xf32> to vector<10000x32xf32>
    %add3A_10 = arith.addf %slice3A, %slice3A_9 : vector<10000x32xf32>
    %get3A_11 = arith.constant 0 : index
    %get3A_12 = arith.constant 0 : index
    %get3A_13 = vector.load %arg0[%get3A_11, %get3A_12] : memref<10000x32xf32, #tpu.memory_space<vmem>>, vector<10000x32xf32>
    %add3A_14 = arith.addf %add3A_10, %get3A_13 : vector<10000x32xf32>
    %mul3A = vector.broadcast %rsqrt3A : vector<10000x1xf32> to vector<10000x32xf32>
    %mul3A_15 = arith.mulf %add3A_14, %mul3A : vector<10000x32xf32>
    %get3A_16 = arith.constant 0 : index
    %get3A_17 = arith.constant 0 : index
    %get3A_18 = vector.load %arg3[%get3A_16, %get3A_17] : memref<1x32xf32, #tpu.memory_space<vmem>>, vector<1x32xf32>
    %add3A_19 = vector.broadcast %get3A_18 : vector<1x32xf32> to vector<10000x32xf32>
    %add3A_20 = arith.addf %mul3A_15, %add3A_19 : vector<10000x32xf32>
    %max3A = arith.constant 0.000000e+00 : f32
    %max3A_21 = vector.broadcast %max3A : f32 to vector<10000x32xf32>
    %max3A_22 = arith.maximumf %add3A_20, %max3A_21 : vector<10000x32xf32>
    %reduce_sum3A = arith.constant dense<0.000000e+00> : vector<32xf32>
    %reduce_sum3A_23 = vector.multi_reduction <add>, %max3A_22, %reduce_sum3A [0] : vector<10000x32xf32> to vector<32xf32>
    %broadcast_in_dim3A_24 = vector.shape_cast %reduce_sum3A_23 : vector<32xf32> to vector<1x32xf32>
    %mul3A_25 = arith.constant 9.99999974E-5 : f32
    %mul3A_26 = vector.broadcast %mul3A_25 : f32 to vector<1x32xf32>
    %mul3A_27 = arith.mulf %broadcast_in_dim3A_24, %mul3A_26 : vector<1x32xf32>
    %sub3A = vector.broadcast %mul3A_27 : vector<1x32xf32> to vector<10000x32xf32>
    %sub3A_28 = arith.subf %max3A_22, %sub3A : vector<10000x32xf32>
    %mul3A_29 = arith.mulf %sub3A_28, %sub3A_28 : vector<10000x32xf32>
    %reduce_sum3A_30 = arith.constant dense<0.000000e+00> : vector<32xf32>
    %reduce_sum3A_31 = vector.multi_reduction <add>, %mul3A_29, %reduce_sum3A_30 [0] : vector<10000x32xf32> to vector<32xf32>
    %broadcast_in_dim3A_32 = vector.shape_cast %reduce_sum3A_31 : vector<32xf32> to vector<1x32xf32>
    %mul3A_33 = arith.constant 9.99999974E-5 : f32
    %mul3A_34 = vector.broadcast %mul3A_33 : f32 to vector<1x32xf32>
    %mul3A_35 = arith.mulf %broadcast_in_dim3A_32, %mul3A_34 : vector<1x32xf32>
    %max3A_36 = arith.constant 0.00999999977 : f32
    %max3A_37 = vector.broadcast %max3A_36 : f32 to vector<1x32xf32>
    %max3A_38 = arith.maximumf %mul3A_35, %max3A_37 : vector<1x32xf32>
    %sqrt3A = math.sqrt %max3A_38 : vector<1x32xf32>
    %div3A = vector.broadcast %sqrt3A : vector<1x32xf32> to vector<10000x32xf32>
    %div3A_39 = arith.divf %sub3A_28, %div3A : vector<10000x32xf32>
    %swap3A = arith.constant 0 : index
    %swap3A_40 = arith.constant 0 : index
    %swap3A_41 = vector.load %arg4[%swap3A, %swap3A_40] : memref<10000x32xf32, #tpu.memory_space<vmem>>, vector<10000x32xf32>
    tpu.vector_store %arg4[%swap3A, %swap3A_40], %div3A_39 {strides = array<i32>} : memref<10000x32xf32, #tpu.memory_space<vmem>>, vector<10000x32xf32>,
    return
  }
}

</mosaic_0001>

<sc_bundles>
// kernel: kernel.11.cloned.1.call-start
scs
__scs_entry_jumppad:
0x0: {  	(pc) =	sbr.rel $0x88, $3  }
0x1: {  	(tag) =	ssettag $0x0;
	lr =	simm.s32 $0x1  }
0x2: {  	[smem:$0x3F9B] =	sst lr;
	_ =	strace $0xD0000000  }
0x3: {  	_ = 	snop  }
0x4: {  	_ = 	snop  }
0x5: {  	_ = 	snop  }
0x6: {  	_ = 	snop  }
0x7: {  	_ = 	snop  }
__scs_overlays_trampoline_lowered:
0x8: {  	[smem:$0x3FAA] =	sst s0  }
0x9: {  	[smem:$0x3FAB] =	sst s1  }
0xa: {  	[smem:$0x3FAC] =	sst s2  }
0xb: {  	[smem:$0x3FAD] =	sst s3  }
0xc: {  	[smem:$0x3FAE] =	sst s4  }
0xd: {  	[smem:$0x3FAF] =	sst s5  }
0xe: {  	[smem:$0x3FB0] =	sst s6  }
0xf: {  	[smem:$0x3FB1] =	sst s7  }
0x10: {  	[smem:$0x3FB2] =	sst s8  }
0x11: {  	[smem:$0x3FB3] =	sst s9;
	s0 =	simm.s32 @!p0 $0x0  }
0x12: {  	s1 =	sld [smem:$0x3F99];
	s0 =	simm.s32 @p0 $0x1  }
0x13: {  	[smem:$0x3FB4] =	sst s0;
	s0 =	simm.s32 @!p1 $0x0  }
0x14: {  	s2 =	sld [smem:$0x3F98];
	s0 =	simm.s32 @p1 $0x1  }
0x15: {  	[smem:$0x3FB5] =	sst s0;
	s0 =	simm.s32 @!p2 $0x0  }
0x16: {  	s3 =	sld [smem:$0x3FDB];
	s0 =	simm.s32 @p2 $0x1  }
0x17: {  	s4 =	simm.s32 $0x1BF5;
	[smem:$0x3FB7] =	sst s0  }
0x18: {  	s0 =	sld [smem:$0x3F9A];
	_ =	swait.ge [sflag:s4], $0x0  }
0x19: {  	s7 =	sld [smem:$0x3F9B]  }
0x1a: {  	s8 =	sadd.s32 $0xFFFFE003, lr  }
0x1b: {  	s9 =	sadd.s32 $0xFFFFFEF7, lr;
	s5 =	simm.s32 $0xFFFFFFFF;
	p2 =	slt.u32 s8, $0xFFFFF086  }
0x1c: {  	p1 =	slt.u32 s9, $0xF7A;
	s5 =	simm.s32 @!p2 $0x0  }
0x1d: {  	s5 =	simm.s32 @p1 $0x1;
	p0 =	seq.s32 s7, s2  }
0x1e: {  	s7 =	smul.u32 @!p0 $0xF7A, s2;
	p2 =	seq.s32 @!p0 s5, $0x0  }
0x1f: {  	s9 =	smul.u32 $0xF7A, s1;
	s8 =	simm.s32 @!p0 $0x1BF5;
	p2 =	por !p2, p0  }
0x20: {  	[sflag:s8] =	ssyncset.s32 @!p0 $0xFFFFF086;
	s6 =	sadd.s32 @!p0 s3, s7;
	s7 =	simm.s32 @!p0 $0x108  }
0x21: {  	s3 =	sadd.s32 s3, s9;
	s6 =	sadd.s32 @!p0 $0x88, s6;
	s7 =	simm.s32 @p2 $0x1082  }
0x22: {  	[simem:s7], [sflag:s8] =	dma.local @!p0 [hbm:s6], $0xF7A  }
0x23: {  	s9 =	sor.u32 $0xD0000000, s2;
	s6 =	simm.s32 $0x108;
	_ =	swait.ge @!p0 [sflag:s8], $0x0  }
0x24: {  	s3 =	sadd.s32 $0x88, s3;
	s6 =	simm.s32 @!p1 $0x1082;
	[sflag:s4] =	ssyncset.s32 $0xFFFFF086  }
0x25: {  	[simem:s6], [sflag:s4] =	dma.local [hbm:s3], $0xF7A  }
0x26: {  	[smem:$0x3F9B] =	sst s1;
	(tag) =	ssettag s2;
	_ =	strace s9  }
0x27: {  	s1 =	sld [smem:$0x3FAB]  }
0x28: {  	s2 =	sld [smem:$0x3FAC]  }
0x29: {  	s4 =	sld [smem:$0x3FAE]  }
0x2a: {  	p0 =	seq.s32 s5, $0x0;
	s5 =	sld [smem:$0x3FAF]  }
0x2b: {  	s6 =	sld [smem:$0x3FB0]  }
0x2c: {  	s7 =	sld [smem:$0x3FB1]  }
0x2d: {  	s3 =	simm.s32 $0x108;
	s8 =	sld [smem:$0x3FB2]  }
0x2e: {  	s3 =	simm.s32 @!p0 $0x1082;
	s9 =	sld [smem:$0x3FB3]  }
0x2f: {  	lr =	sadd.s32 s0, s3;
	s0 =	sld [smem:$0x3FAA]  }
0x30: {  	s3 =	sld [smem:$0x3FAD]  }
0x31: {  	[smem:$0x3FB6] =	sst s10  }
0x32: {  	s10 =	sld [smem:$0x3FB4];
	_ =	sdelay $0x3  }
0x33: {  	p0 =	seq.s32 s10, $0x1;
	s10 =	sld [smem:$0x3FB6];
	_ =	sdelay $0x3  }
0x34: {  	[smem:$0x3FB6] =	sst s10  }
0x35: {  	s10 =	sld [smem:$0x3FB5];
	_ =	sdelay $0x3  }
0x36: {  	p1 =	seq.s32 s10, $0x1;
	s10 =	sld [smem:$0x3FB6];
	_ =	sdelay $0x3  }
0x37: {  	[smem:$0x3FB6] =	sst s10  }
0x38: {  	s10 =	sld [smem:$0x3FB7]  }
0x39: {  	_ = 	snop;
	(pc) =	sbr.ind lr, $3  }
0x3a: {  	_ = 	snop  }
0x3b: {  	_ = 	snop  }
0x3c: {  	p2 =	seq.s32 s10, $0x1;
	s10 =	sld [smem:$0x3FB6]  }
0x3d: {  	_ =	shalt  }
0x3e: {  	_ =	shalt  }
0x3f: {  	_ =	shalt  }
0x40: {  	_ =	shalt  }
0x41: {  	_ =	shalt  }
0x42: {  	_ =	shalt  }
0x43: {  	_ =	shalt  }
0x44: {  	_ =	shalt  }
0x45: {  	_ =	shalt  }
0x46: {  	_ =	shalt  }
0x47: {  	_ =	shalt  }
0x48: {  	_ =	shalt  }
0x49: {  	_ =	shalt  }
0x4a: {  	_ =	shalt  }
0x4b: {  	_ =	shalt  }
0x4c: {  	_ =	shalt  }
0x4d: {  	_ =	shalt  }
0x4e: {  	_ =	shalt  }
0x4f: {  	_ =	shalt  }
0x50: {  	_ =	shalt  }
0x51: {  	_ =	shalt  }
0x52: {  	_ =	shalt  }
0x53: {  	_ =	shalt  }
0x54: {  	_ =	shalt  }
0x55: {  	_ =	shalt  }
0x56: {  	_ =	shalt  }
0x57: {  	_ =	shalt  }
0x58: {  	_ =	shalt  }
0x59: {  	_ =	shalt  }
0x5a: {  	_ =	shalt  }
0x5b: {  	_ =	shalt  }
0x5c: {  	_ =	shalt  }
0x5d: {  	_ =	shalt  }
0x5e: {  	_ =	shalt  }
0x5f: {  	_ =	shalt  }
0x60: {  	_ =	shalt  }
0x61: {  	_ =	shalt  }
0x62: {  	_ =	shalt  }
0x63: {  	_ =	shalt  }
0x64: {  	_ =	shalt  }
0x65: {  	_ =	shalt  }
0x66: {  	_ =	shalt  }
0x67: {  	_ =	shalt  }
0x68: {  	_ =	shalt  }
0x69: {  	_ =	shalt  }
0x6a: {  	_ =	shalt  }
0x6b: {  	_ =	shalt  }
0x6c: {  	_ =	shalt  }
0x6d: {  	_ =	shalt  }
0x6e: {  	_ =	shalt  }
0x6f: {  	_ =	shalt  }
0x70: {  	_ =	shalt  }
0x71: {  	_ =	shalt  }
0x72: {  	_ =	shalt  }
0x73: {  	_ =	shalt  }
0x74: {  	_ =	shalt  }
0x75: {  	_ =	shalt  }
0x76: {  	_ =	shalt  }
0x77: {  	_ =	shalt  }
0x78: {  	_ =	shalt  }
0x79: {  	_ =	shalt  }
0x7a: {  	_ =	shalt  }
0x7b: {  	_ =	shalt  }
0x7c: {  	_ =	shalt  }
0x7d: {  	_ =	shalt  }
0x7e: {  	_ =	shalt  }
0x7f: {  	_ =	shalt  }
0x80: {  	_ =	shalt  }
0x81: {  	_ =	shalt  }
0x82: {  	_ =	shalt  }
0x83: {  	_ =	shalt  }
0x84: {  	_ =	shalt  }
0x85: {  	_ =	shalt  }
0x86: {  	_ =	shalt  }
0x87: {  	_ =	shalt  }
.Lfunc_end0:
.L_simem_size_0:
called_computation.1_lowered:
.L_overlay_start_0:
0x88: {  	s2 =	sld [smem:$0x3FD9]  }
0x89: {  	s3 =	sld [smem:$0x3FFE];
	_ =	sdelay $0x1  }
0x8a: {  	s1 =	srdreg.scid  }
0x8b: {  	s0 =	sand.u32 $0x1, s1  }
0x8c: {  	s16 =	sshll.u32 s0, $0xA;
	s2 =	sadd.s32 s3, s2  }
0x8d: {  	s2 =	sadd.s32 s2, s16  }
0x8e: {  	[smem:$0x3FC2] =	sst s2  }
0x8f: {  	_ = 	snop  }
0x90: {  	(tm) =	ssettm $0x1  }
0x91: {  	s17 =	sld [smem:$0x3FFB];
	_ =	sdelay $0x3  }
0x92: {  	_ =	strace s17  }
0x93: {  	s2 =	sld [smem:$0x3FFC];
	_ =	sdelay $0x3  }
0x94: {  	_ =	strace s2  }
0x95: {  	s2 =	sld [smem:$0x3FFD];
	_ =	sdelay $0x3  }
0x96: {  	_ =	strace s2  }
0x97: {  	_ =	strace $0x8FFFFFFF  }
0x98: {  	s18 =	sld [smem:$0x3FDB];
	_ =	sdelay $0x1  }
0x99: {  	s19 =	simm.s32 $_scs_section_size  }
0x9a: {  	s4 =	simm.s32 $_size__tile_overlayer_lowered;
	s5 =	simm.s32 $_tile_overlayer_lowered  }
0x9b: {  	s22 =	simm.s32 $0x1BFF;
	s21 =	sshll.u32 s5, $0x1;
	s2 =	sadd.s32 s19, s18  }
0x9c: {  	s6 =	simm.s32 $0x0;
	s20 =	sshll.u32 s4, $0x1;
	s4 =	sadd.s32 s21, s2  }
0x9d: {  	[timem:s6], [sflag:s22] =	dma.local [hbm:s4], s20  }
0x9e: {  	_ =	swait.ge [sflag:s22], s20  }
0x9f: {  	s3 =	ssub.s32 $0x0, s20;
	[sflag:s22] =	ssyncset.done $0x0  }
0xa0: {  	[sflag:s22] =	ssyncadd.s32 s3;
	_ =	sdelay $0x1  }
0xa1: {  	s23 =	simm.s32 $0x1B8B  }
0xa2: {  	_ =	swait.ge [sflag:s23], $0x1  }
0xa3: {  	[sflag:s23] =	ssyncset.done $0x0  }
0xa4: {  	s25 =	simm.s32 $0x1B8E;
	s24 =	sld [smem:$0x3FFE];
	[sflag:s23] =	ssyncadd.s32 $0xFFFFFFFF  }
0xa5: {  	s26 =	simm.s32 $execute0_lowered;
	[smem:$0x3FD2] =	sst s25  }
0xa6: {  	s4 =	sshll.u32 s26, $0x1;
	_ =	strace $0x80000049;
	[dreg:$0x1] =	wrdreg $0xFFFFFFFF  }
0xa7: {  	s28 =	simm.s32 $_size_execute0_lowered;
	s2 =	sadd.s32 s2, s4;
	[dreg:$0x0] =	wrdreg $0x0  }
0xa8: {  	s4 =	sshll.u32 s28, $0x1;
	[dreg:$0x2] =	wrdreg s2  }
0xa9: {  	[dreg:$0x3] =	wrdreg s4  }
0xaa: {  	[dreg:$0x4] =	wrdreg $0xC0  }
0xab: {  	_ =	task [dreg:s6], $0x5FFFF  }
0xac: {  	[dreg:$0x1] =	wrdreg $0xFFFFFFFF  }
0xad: {  	[dreg:$0x0] =	wrdreg $0x60  }
0xae: {  	[dreg:$0x2] =	wrdreg s24  }
0xaf: {  	[dreg:$0x3] =	wrdreg $0x13A400  }
0xb0: {  	[dreg:$0x4] =	wrdreg $0x9  }
0xb1: {  	_ =	task.clear_ibuf [dreg:s6], $0x5FFFF;
	_ =	strace $0x90000049  }
0xb2: {  	s29 =	simm.s32 $0x9;
	_ =	strace $0x8000004B  }
0xb3: {  	_ =	swait.ge [sflag:s29], $0x1  }
0xb4: {  	[sflag:s29] =	ssyncadd.s32 $0xFFFFFFFF  }
0xb5: {  	_ =	strace $0x9000004B  }
0xb6: {  	_ =	sfence  }
0xb7: {  	s30 =	sld [smem:$0x0];
	_ =	sdelay $0x2  }
0xb8: {  	s31 =	sshll.u32 s1, $0xD;
	s1 =	sshrl.u32 s1, $0x2  }
0xb9: {  	s3 =	sand.u32 $0x4000, s31;
	s1 =	sadd.s32 s1, s30  }
0xba: {  	s0 =	sor.u32 s3, s0;
	s1 =	sshll.u32 s1, $0x11  }
0xbb: {  	s0 =	sor.u32 s1, s0  }
0xbc: {  	s0 =	sadd.s32 $0x8F2B, s0  }
0xbd: {  	[sflag:s0] =	ssyncadd.remote.s32 $0x1  }
0xbe: {  	_ =	sfence.sel $0xFFFF  }
0xbf: {  	[dreg:$0x0] =	wrdreg $0xFFFFFFFF;
	(pc) =	sbr.abs _section_cstart, $3  }
0xc0: {  	[dreg:$0x1] =	wrdreg $0xFFFFFFFF  }
0xc1: {  	_ =	task.clear_ibuf [dreg:s6], $0x2FFFF;
	_ =	strace $0x9FFFFFFF  }
0xc2: {  	(tm) =	ssettm $0x7FFFFFFF  }
0xc3: {  	_ =	shalt  }
tec
execute0_lowered:
.L_overlay_start_1:
0x0: {  	(tag) =	ssettag $0x1  }
0x1: {  	s1 =	rddreg [dreg:$0x0]  }
0x2: {  	s0 =	srdreg.scid;
	s2 =	rddreg [dreg:$0x1]  }
0x3: {  	s14 =	stileid.u32;
	s3 =	simm.s32 $0x0;
	s15 =	simm.s32 $0x6  }
0x4: {  	s17 =	simm.s32 $0x7D;
	s18 =	simm.s32 $0x5000;
	s19 =	simm.s32 $0x80  }
0x5: {  	s20 =	simm.s32 $0x6F40;
	s22 =	simm.s32 $0x8E80;
	s24 =	simm.s32 $0xADC0  }
0x6: {  	s28 =	simm.s32 $0x1;
	s29 =	simm.s32 $0x2;
	s6 =	smul.u32 $0x270, s14  }
0x7: {  	s30 =	simm.s32 $0x3;
	s31 =	simm.s32 $0x4;
	s7 =	smul.u32 $0x27000, s14  }
0x8: {  	s0 =	sand.u32 $0x1, s0;
	[smem:$0x7FF] =	sst s3;
	s11 =	smul.u32 $0x13800, s14  }
0x9: {  	p0 =	sne.s32 s14, $0xF;
	s4 =	sshll.u32 s0, $0x4;
	_ =	strace $0x8000004A  }
0xa: {  	s26 =	ssub.s32 $0x2, s0;
	s12 =	sshll.u32 s0, $0x6;
	s0 =	sshll.u32 s0, $0x3  }
0xb: {  	s4 =	sor.u32 s14, s4;
	s8 =	sshrl.u32 s26, $0x1;
	s7 =	sshrl.u32 s7, $0x2  }
0xc: {  	s10 =	sadd.s32 $0x138, s6;
	s11 =	sor.u32 s12, s11;
	s14 =	simm.s32 $0xEC40  }
0xd: {  	s5 =	smul.u32 $0x2800, s4;
	s4 =	sadd.s32 $0x16000, s1;
	s13 =	ssub.s32 s26, s8  }
0xe: {  	s6 =	sshll.u32 s10, $0x6;
	s10 =	sshll.u32 s10, $0x7;
	s11 =	sshrl.u32 s11, $0x3  }
0xf: {  	s26 =	simm.s32 $0xCD00;
	s6 =	sadd.s32 s6, s2;
	s10 =	sor.u32 s12, s10  }
0x10: {  	s13 =	smax.u32 s13, $0x1;
	s5 =	sshrl.u32 s5, $0x3;
	s12 =	sshrl.u32 s10, $0x3  }
0x11: {  	s9 =	sadd.s32 s5, s1;
	s1 =	sadd.s32 $0x29A00, s1;
	s5 =	sadd.s32 s7, s2  }
0x12: {  	s7 =	sadd.s32 $0x9C000, s2;
	s8 =	sadd.s32 $0x2000, s9;
	s9 =	sadd.s32 $0xC000, s9  }
0x13: {  	s10 =	sadd.s32 s1, s11;
	s11 =	sadd.s32 s1, s12;
	s0 =	sadd.s32 s0, s1  }
0x14: {  	v0 =	vimm.f32 $0.0e+00;
	s1 =	simm.s32 $0x40;
	s12 =	sadd.s32 $0x27000, s0;
	s0 =	simm.s32 $0x5  }
.LBB2_1:
0x15: {  	s21 =	simm.s32 $0x100;
	s16 =	simm.s32 $0x0  }
.LBB2_2:
0x16: {  	p1 =	sne.s32 s21, $0x13700;
	[tilespmem:s16+$0xEC70] =	vst v0;
	s23 =	smov.u32 s21;
	s21 =	sadd.s32 $0x100, s21  }
.Ltmp0:
0x17: {  	[tilespmem:s16+$0xEC60] =	vst v0;
	(pc) =	sbr.rel @p1 .LBB2_2-.Ltmp0, $3  }
0x18: {  	[tilespmem:s16+$0xEC40] =	vst v0  }
0x19: {  	[tilespmem:s16+$0xEC50] =	vst v0;
	_ =	sdelay $0x1  }
0x1a: {  	s16 =	sshra.s32 s23, $0x2  }
0x1b: {  	[tilespmem:s16+$0xEC70] =	vst v0  }
0x1c: {  	[tilespmem:s16+$0xEC60] =	vst v0  }
0x1d: {  	[tilespmem:s16+$0xEC40] =	vst v0  }
0x1e: {  	[tilespmem:s16+$0xEC50] =	vst v0  }
0x1f: {  	[spmem:s5] =	stream.linear.scatter [tilespmem:s14], [sflag:$0x6], $0x4E00, $0x38;
	[tilespmem:$0x1D680] =	vst v63  }
0x20: {  	_ =	swait.ge [sflag:s15], $0x4E00  }
0x21: {  	[sflag:s15] =	ssyncset.done $0x0  }
0x22: {  	[sflag:s15] =	ssyncadd.s32 $0xFFFFB200  }
0x23: {  	[spmem:s6] =	stream.linear.scatter [tilespmem:s14], [sflag:$0x6], $0x4E00, $0x38;
	[tilespmem:$0x1D680] =	vst v63  }
0x24: {  	_ =	swait.ge [sflag:s15], $0x4E00  }
0x25: {  	[sflag:s15] =	ssyncset.done $0x0  }
0x26: {  	s16 =	simm.s32 @!p0 $0xEC40;
	[sflag:s15] =	ssyncadd.s32 $0xFFFFB200  }
0x27: {  	[spmem:s7] =	stream.linear.scatter @!p0 [tilespmem:s16], [sflag:$0x6], $0x400, $0x38;
	[tilespmem:$0x1D680] =	vst v63  }
0x28: {  	s16 =	simm.s32 @!p0 $0x6  }
0x29: {  	_ =	swait.ge @!p0 [sflag:s16], $0x400  }
0x2a: {  	[sflag:s16] =	ssyncset.done @!p0 $0x0  }
0x2b: {  	s25 =	simm.s32 $0x0;
	[sflag:s16] =	ssyncadd.s32 @!p0 $0xFFFFFC00  }
0x2c: {  	[tilespmem:s25], [sflag:$0x6] =	stream.linear.gather [hbm4b:s8+s25], $0x2800, $0x38;
	[tilespmem:$0x1D680] =	vst v63  }
0x2d: {  	_ =	swait.ge [sflag:s15], $0x2800  }
0x2e: {  	[sflag:s15] =	ssyncset.done $0x0  }
0x2f: {  	s21 =	simm.s32 $0x2800;
	[sflag:s15] =	ssyncadd.s32 $0xFFFFD800  }
0x30: {  	[tilespmem:s21], [sflag:$0x6] =	stream.linear.gather [hbm4b:s9+s25], $0x2800, $0x38;
	[tilespmem:$0x1D680] =	vst v63  }
0x31: {  	_ =	swait.ge [sflag:s15], $0x2800  }
0x32: {  	[sflag:s15] =	ssyncset.done $0x0  }
0x33: {  	[sflag:s15] =	ssyncadd.s32 $0xFFFFD800  }
0x34: {  	[bflag:$0x0] =	sbarrier.arrive $0xFFFF  }
0x35: {  	[tilespmem:s18], [sflag:$0x1] =	stream.indirect.gather [hbm4b:s4+s17], $0x40, s25, s17, $0xb8;
	[tilespmem:$0x1D680] =	vst v63  }
0x36: {  	_ = 	snop  }
0x37: {  	[tilespmem:s20], [sflag:$0x2] =	stream.indirect.gather [hbm4b:s4+s17], $0x40, s19, s17, $0xb8;
	[tilespmem:$0x1D680] =	vst v63  }
0x38: {  	s21 =	simm.s32 $0x100  }
0x39: {  	[tilespmem:s22], [sflag:$0x3] =	stream.indirect.gather [hbm4b:s4+s17], $0x40, s21, s17, $0xb8;
	[tilespmem:$0x1D680] =	vst v63  }
0x3a: {  	s23 =	simm.s32 $0x180  }
0x3b: {  	[tilespmem:s24], [sflag:$0x4] =	stream.indirect.gather [hbm4b:s4+s17], $0x40, s23, s17, $0xb8;
	[tilespmem:$0x1D680] =	vst v63  }
0x3c: {  	s25 =	simm.s32 $0x200  }
0x3d: {  	[tilespmem:s26], [sflag:$0x5] =	stream.indirect.gather [hbm4b:s4+s17], $0x40, s25, s17, $0xb8;
	[tilespmem:$0x1D680] =	vst v63  }
0x3e: {  	_ =	swait.ge [sflag:s28], $0x1F40  }
0x3f: {  	[sflag:s28] =	ssyncset.done $0x0  }
0x40: {  	s21 =	simm.s32 $0x2800;
	[sflag:s28] =	ssyncadd.s32 $0xFFFFE0C0  }
0x41: {  	[spmem:s2] =	stream.indirect.scatter.add.f32 [tilespmem:s18], [sflag:$0x6], $0x40, s21, s17, $0xb8;
	[tilespmem:$0x1D680] =	vst v63  }
0x42: {  	_ =	swait.ge [sflag:s15], $0x1F40  }
0x43: {  	[sflag:s15] =	ssyncset.done $0x0  }
0x44: {  	s23 =	simm.s32 $0x280;
	[sflag:s15] =	ssyncadd.s32 $0xFFFFE0C0  }
0x45: {  	[tilespmem:s18], [sflag:$0x1] =	stream.indirect.gather [hbm4b:s4+s17], $0x40, s23, s17, $0xb8;
	[tilespmem:$0x1D680] =	vst v63  }
0x46: {  	_ =	swait.ge [sflag:s29], $0x1F40  }
0x47: {  	[sflag:s29] =	ssyncset.done $0x0  }
0x48: {  	s25 =	simm.s32 $0x2880;
	[sflag:s29] =	ssyncadd.s32 $0xFFFFE0C0  }
0x49: {  	[spmem:s2] =	stream.indirect.scatter.add.f32 [tilespmem:s20], [sflag:$0x6], $0x40, s25, s17, $0xb8;
	[tilespmem:$0x1D680] =	vst v63  }
0x4a: {  	_ =	swait.ge [sflag:s15], $0x1F40  }
0x4b: {  	[sflag:s15] =	ssyncset.done $0x0  }
0x4c: {  	s21 =	simm.s32 $0x300;
	[sflag:s15] =	ssyncadd.s32 $0xFFFFE0C0  }
0x4d: {  	[tilespmem:s20], [sflag:$0x2] =	stream.indirect.gather [hbm4b:s4+s17], $0x40, s21, s17, $0xb8;
	[tilespmem:$0x1D680] =	vst v63  }
0x4e: {  	_ =	swait.ge [sflag:s30], $0x1F40  }
0x4f: {  	[sflag:s30] =	ssyncset.done $0x0  }
0x50: {  	s23 =	simm.s32 $0x2900;
	[sflag:s30] =	ssyncadd.s32 $0xFFFFE0C0  }
0x51: {  	[spmem:s2] =	stream.indirect.scatter.add.f32 [tilespmem:s22], [sflag:$0x6], $0x40, s23, s17, $0xb8;
	[tilespmem:$0x1D680] =	vst v63  }
0x52: {  	_ =	swait.ge [sflag:s15], $0x1F40  }
0x53: {  	[sflag:s15] =	ssyncset.done $0x0  }
0x54: {  	s25 =	simm.s32 $0x380;
	[sflag:s15] =	ssyncadd.s32 $0xFFFFE0C0  }
0x55: {  	[tilespmem:s22], [sflag:$0x3] =	stream.indirect.gather [hbm4b:s4+s17], $0x40, s25, s17, $0xb8;
	[tilespmem:$0x1D680] =	vst v63  }
0x56: {  	_ =	swait.ge [sflag:s31], $0x1F40  }
0x57: {  	[sflag:s31] =	ssyncset.done $0x0  }
0x58: {  	s21 =	simm.s32 $0x2980;
	[sflag:s31] =	ssyncadd.s32 $0xFFFFE0C0  }
0x59: {  	[spmem:s2] =	stream.indirect.scatter.add.f32 [tilespmem:s24], [sflag:$0x6], $0x40, s21, s17, $0xb8;
	[tilespmem:$0x1D680] =	vst v63  }
0x5a: {  	_ =	swait.ge [sflag:s15], $0x1F40  }
0x5b: {  	[sflag:s15] =	ssyncset.done $0x0  }
0x5c: {  	s23 =	simm.s32 $0x400;
	[sflag:s15] =	ssyncadd.s32 $0xFFFFE0C0  }
0x5d: {  	[tilespmem:s24], [sflag:$0x4] =	stream.indirect.gather [hbm4b:s4+s17], $0x40, s23, s17, $0xb8;
	[tilespmem:$0x1D680] =	vst v63  }
0x5e: {  	_ =	swait.ge [sflag:s0], $0x1F40  }
0x5f: {  	[sflag:s0] =	ssyncset.done $0x0  }
0x60: {  	s25 =	simm.s32 $0x2A00;
	[sflag:s0] =	ssyncadd.s32 $0xFFFFE0C0  }
0x61: {  	[spmem:s2] =	stream.indirect.scatter.add.f32 [tilespmem:s26], [sflag:$0x6], $0x40, s25, s17, $0xb8;
	[tilespmem:$0x1D680] =	vst v63  }
0x62: {  	_ =	swait.ge [sflag:s15], $0x1F40  }
0x63: {  	[sflag:s15] =	ssyncset.done $0x0  }
0x64: {  	s16 =	simm.s32 $0xA00;
	s21 =	simm.s32 $0x480;
	[sflag:s15] =	ssyncadd.s32 $0xFFFFE0C0  }
.LBB2_4:
0x65: {  	[tilespmem:s26], [sflag:$0x5] =	stream.indirect.gather [hbm4b:s4+s17], $0x40, s21, s17, $0xb8;
	[tilespmem:$0x1D680] =	vst v63  }
0x66: {  	s21 =	smov.u32 s16  }
0x67: {  	p1 =	sne.s32 s16, $0x8C00;
	s16 =	sadd.s32 $0xA00, s16;
	_ =	swait.ge [sflag:s28], $0x1F40  }
0x68: {  	s21 =	sshra.s32 s21, $0x2;
	[sflag:s28] =	ssyncset.done $0x0  }
0x69: {  	s23 =	sadd.s32 $0x2800, s21;
	[sflag:s28] =	ssyncadd.s32 $0xFFFFE0C0  }
0x6a: {  	[spmem:s2] =	stream.indirect.scatter.add.f32 [tilespmem:s18], [sflag:$0x6], $0x40, s23, s17, $0xb8;
	[tilespmem:$0x1D680] =	vst v63  }
0x6b: {  	_ =	swait.ge [sflag:s15], $0x1F40  }
0x6c: {  	[sflag:s15] =	ssyncset.done $0x0  }
0x6d: {  	s23 =	sadd.s32 $0x280, s21;
	[sflag:s15] =	ssyncadd.s32 $0xFFFFE0C0  }
0x6e: {  	[tilespmem:s18], [sflag:$0x1] =	stream.indirect.gather [hbm4b:s4+s17], $0x40, s23, s17, $0xb8;
	[tilespmem:$0x1D680] =	vst v63  }
0x6f: {  	_ =	swait.ge [sflag:s29], $0x1F40  }
0x70: {  	[sflag:s29] =	ssyncset.done $0x0  }
0x71: {  	s23 =	sadd.s32 $0x2880, s21;
	[sflag:s29] =	ssyncadd.s32 $0xFFFFE0C0  }
0x72: {  	[spmem:s2] =	stream.indirect.scatter.add.f32 [tilespmem:s20], [sflag:$0x6], $0x40, s23, s17, $0xb8;
	[tilespmem:$0x1D680] =	vst v63  }
0x73: {  	_ =	swait.ge [sflag:s15], $0x1F40  }
0x74: {  	[sflag:s15] =	ssyncset.done $0x0  }
0x75: {  	s23 =	sadd.s32 $0x300, s21;
	[sflag:s15] =	ssyncadd.s32 $0xFFFFE0C0  }
0x76: {  	[tilespmem:s20], [sflag:$0x2] =	stream.indirect.gather [hbm4b:s4+s17], $0x40, s23, s17, $0xb8;
	[tilespmem:$0x1D680] =	vst v63  }
0x77: {  	_ =	swait.ge [sflag:s30], $0x1F40  }
0x78: {  	[sflag:s30] =	ssyncset.done $0x0  }
0x79: {  	s23 =	sadd.s32 $0x2900, s21;
	[sflag:s30] =	ssyncadd.s32 $0xFFFFE0C0  }
0x7a: {  	[spmem:s2] =	stream.indirect.scatter.add.f32 [tilespmem:s22], [sflag:$0x6], $0x40, s23, s17, $0xb8;
	[tilespmem:$0x1D680] =	vst v63  }
0x7b: {  	_ =	swait.ge [sflag:s15], $0x1F40  }
0x7c: {  	[sflag:s15] =	ssyncset.done $0x0  }
0x7d: {  	s23 =	sadd.s32 $0x380, s21;
	[sflag:s15] =	ssyncadd.s32 $0xFFFFE0C0  }
0x7e: {  	[tilespmem:s22], [sflag:$0x3] =	stream.indirect.gather [hbm4b:s4+s17], $0x40, s23, s17, $0xb8;
	[tilespmem:$0x1D680] =	vst v63  }
0x7f: {  	_ =	swait.ge [sflag:s31], $0x1F40  }
0x80: {  	[sflag:s31] =	ssyncset.done $0x0  }
0x81: {  	s23 =	sadd.s32 $0x2980, s21;
	[sflag:s31] =	ssyncadd.s32 $0xFFFFE0C0  }
0x82: {  	[spmem:s2] =	stream.indirect.scatter.add.f32 [tilespmem:s24], [sflag:$0x6], $0x40, s23, s17, $0xb8;
	[tilespmem:$0x1D680] =	vst v63  }
0x83: {  	_ =	swait.ge [sflag:s15], $0x1F40  }
0x84: {  	[sflag:s15] =	ssyncset.done $0x0  }
0x85: {  	s23 =	sadd.s32 $0x400, s21;
	[sflag:s15] =	ssyncadd.s32 $0xFFFFE0C0  }
0x86: {  	[tilespmem:s24], [sflag:$0x4] =	stream.indirect.gather [hbm4b:s4+s17], $0x40, s23, s17, $0xb8;
	[tilespmem:$0x1D680] =	vst v63  }
0x87: {  	_ =	swait.ge [sflag:s0], $0x1F40  }
0x88: {  	[sflag:s0] =	ssyncset.done $0x0  }
.Ltmp1:
0x89: {  	s23 =	sadd.s32 $0x2A00, s21;
	[sflag:s0] =	ssyncadd.s32 $0xFFFFE0C0;
	(pc) =	sbr.rel @p1 .LBB2_4-.Ltmp1, $4  }
0x8a: {  	[spmem:s2] =	stream.indirect.scatter.add.f32 [tilespmem:s26], [sflag:$0x6], $0x40, s23, s17, $0xb8;
	[tilespmem:$0x1D680] =	vst v63  }
0x8b: {  	_ =	swait.ge [sflag:s15], $0x1F40  }
0x8c: {  	[sflag:s15] =	ssyncset.done $0x0  }
0x8d: {  	s21 =	sadd.s32 $0x480, s21;
	[sflag:s15] =	ssyncadd.s32 $0xFFFFE0C0  }
0x8e: {  	[tilespmem:s26], [sflag:$0x5] =	stream.indirect.gather [hbm4b:s4+s17], $0x40, s21, s17, $0xb8;
	[tilespmem:$0x1D680] =	vst v63  }
0x8f: {  	_ =	swait.ge [sflag:s28], $0x1F40  }
0x90: {  	[sflag:s28] =	ssyncset.done $0x0  }
0x91: {  	s16 =	simm.s32 $0x4D80;
	[sflag:s28] =	ssyncadd.s32 $0xFFFFE0C0  }
0x92: {  	[spmem:s2] =	stream.indirect.scatter.add.f32 [tilespmem:s18], [sflag:$0x6], $0x40, s16, s17, $0xb8;
	[tilespmem:$0x1D680] =	vst v63  }
0x93: {  	_ =	swait.ge [sflag:s15], $0x1F40  }
0x94: {  	[sflag:s15] =	ssyncset.done $0x0  }
0x95: {  	[sflag:s15] =	ssyncadd.s32 $0xFFFFE0C0  }
0x96: {  	_ =	swait.ge [sflag:s29], $0x1F40  }
0x97: {  	[sflag:s29] =	ssyncset.done $0x0  }
0x98: {  	s25 =	simm.s32 $0x4E00;
	[sflag:s29] =	ssyncadd.s32 $0xFFFFE0C0  }
0x99: {  	[spmem:s2] =	stream.indirect.scatter.add.f32 [tilespmem:s20], [sflag:$0x6], $0x40, s25, s17, $0xb8;
	[tilespmem:$0x1D680] =	vst v63  }
0x9a: {  	_ =	swait.ge [sflag:s15], $0x1F40  }
0x9b: {  	[sflag:s15] =	ssyncset.done $0x0  }
0x9c: {  	[sflag:s15] =	ssyncadd.s32 $0xFFFFE0C0  }
0x9d: {  	_ =	swait.ge [sflag:s30], $0x1F40  }
0x9e: {  	[sflag:s30] =	ssyncset.done $0x0  }
0x9f: {  	s21 =	simm.s32 $0x4E80;
	[sflag:s30] =	ssyncadd.s32 $0xFFFFE0C0  }
0xa0: {  	[spmem:s2] =	stream.indirect.scatter.add.f32 [tilespmem:s22], [sflag:$0x6], $0x40, s21, s17, $0xb8;
	[tilespmem:$0x1D680] =	vst v63  }
0xa1: {  	_ =	swait.ge [sflag:s15], $0x1F40  }
0xa2: {  	[sflag:s15] =	ssyncset.done $0x0  }
0xa3: {  	[sflag:s15] =	ssyncadd.s32 $0xFFFFE0C0  }
0xa4: {  	_ =	swait.ge [sflag:s31], $0x1F40  }
0xa5: {  	[sflag:s31] =	ssyncset.done $0x0  }
0xa6: {  	s23 =	simm.s32 $0x4F00;
	[sflag:s31] =	ssyncadd.s32 $0xFFFFE0C0  }
0xa7: {  	[spmem:s2] =	stream.indirect.scatter.add.f32 [tilespmem:s24], [sflag:$0x6], $0x40, s23, s17, $0xb8;
	[tilespmem:$0x1D680] =	vst v63  }
0xa8: {  	_ =	swait.ge [sflag:s15], $0x1F40  }
0xa9: {  	[sflag:s15] =	ssyncset.done $0x0  }
0xaa: {  	[sflag:s15] =	ssyncadd.s32 $0xFFFFE0C0  }
0xab: {  	_ =	swait.ge [sflag:s0], $0x1F40  }
0xac: {  	[sflag:s0] =	ssyncset.done $0x0  }
0xad: {  	s25 =	simm.s32 $0x4F80;
	[sflag:s0] =	ssyncadd.s32 $0xFFFFE0C0  }
0xae: {  	[spmem:s2] =	stream.indirect.scatter.add.f32 [tilespmem:s26], [sflag:$0x6], $0x40, s25, s17, $0xb8;
	[tilespmem:$0x1D680] =	vst v63  }
0xaf: {  	_ =	swait.ge [sflag:s15], $0x1F40  }
0xb0: {  	[sflag:s15] =	ssyncset.done $0x0  }
0xb1: {  	[sflag:s15] =	ssyncadd.s32 $0xFFFFE0C0  }
0xb2: {  	[bflag:$0x0] =	sbarrier.arrive $0xFFFF  }
0xb3: {  	[tilespmem:s14], [sflag:$0x6] =	stream.linear.gather [spmem:s5], $0x4E00, $0x38;
	[tilespmem:$0x1D680] =	vst v63  }
0xb4: {  	_ =	swait.ge [sflag:s15], $0x4E00  }
0xb5: {  	[sflag:s15] =	ssyncset.done $0x0  }
0xb6: {  	[sflag:s15] =	ssyncadd.s32 $0xFFFFB200  }
0xb7: {  	[hbm4b:s10+s1] =	stream.strided.scatter [tilespmem:s14], [sflag:$0x6], $0x4E00, s19, s1, $0x38;
	[tilespmem:$0x1D680] =	vst v63  }
0xb8: {  	_ =	swait.ge [sflag:s15], $0x4E00  }
0xb9: {  	[sflag:s15] =	ssyncset.done $0x0  }
0xba: {  	[sflag:s15] =	ssyncadd.s32 $0xFFFFB200  }
0xbb: {  	[tilespmem:s14], [sflag:$0x6] =	stream.linear.gather [spmem:s6], $0x4E00, $0x38;
	[tilespmem:$0x1D680] =	vst v63  }
0xbc: {  	_ =	swait.ge [sflag:s15], $0x4E00  }
0xbd: {  	[sflag:s15] =	ssyncset.done $0x0  }
0xbe: {  	[sflag:s15] =	ssyncadd.s32 $0xFFFFB200  }
0xbf: {  	[hbm4b:s11+s1] =	stream.strided.scatter [tilespmem:s14], [sflag:$0x6], $0x4E00, s19, s1, $0x38;
	[tilespmem:$0x1D680] =	vst v63  }
0xc0: {  	_ =	swait.ge [sflag:s15], $0x4E00  }
0xc1: {  	[sflag:s15] =	ssyncset.done $0x0  }
0xc2: {  	s16 =	simm.s32 @!p0 $0xEC40;
	s21 =	simm.s32 @!p0 $0x6;
	[sflag:s15] =	ssyncadd.s32 $0xFFFFB200  }
0xc3: {  	[tilespmem:s16], [sflag:$0x6] =	stream.linear.gather @!p0 [spmem:s7], $0x400, $0x38;
	[tilespmem:$0x1D680] =	vst v63  }
0xc4: {  	s3 =	sadd.s32 $0x1, s3;
	_ =	swait.ge @!p0 [sflag:s21], $0x400  }
0xc5: {  	p1 =	sne.s32 s3, s13;
	s23 =	simm.s32 @!p0 $0x40;
	[sflag:s21] =	ssyncset.done @!p0 $0x0  }
.Ltmp2:
0xc6: {  	s25 =	simm.s32 @!p0 $0x80;
	[sflag:s21] =	ssyncadd.s32 @!p0 $0xFFFFFC00;
	(pc) =	sbr.rel @p1 .LBB2_1-.Ltmp2, $4  }
0xc7: {  	[hbm4b:s12+s23] =	stream.strided.scatter @!p0 [tilespmem:s16], [sflag:$0x6], $0x400, s25, s23, $0x38;
	[tilespmem:$0x1D680] =	vst v63  }
0xc8: {  	_ =	swait.ge @!p0 [sflag:s21], $0x400  }
0xc9: {  	[sflag:s21] =	ssyncset.done @!p0 $0x0  }
0xca: {  	[sflag:s21] =	ssyncadd.s32 @!p0 $0xFFFFFC00  }
0xcb: {  	_ =	sfence.sel $0x180000  }
0xcc: {  	[bflag:$0x0] =	sbarrier.arrive $0xFFFF  }
0xcd: {  	_ =	strace $0x9000004A  }
0xce: {  	s0 =	stileid.u32;
	[bflag:$0x2] =	sbarrier.arrive $0xFFFF  }
0xcf: {  	p0 =	sne.s32 s0, $0x0;
	s0 =	rddreg [dreg:$0x2]  }
0xd0: {  	s0 =	sadd.s32 @!p0 $0x100000, s0  }
0xd1: {  	[sflag:s0] =	ssyncadd.tile.s32 @!p0 $0x1;
	_ =	shalt  }
.Lfunc_end2:
_tile_overlayer_lowered:
.L_overlay_start_2:
0xd2: {  	(tag) =	ssettag $0x2  }
0xd3: {  	s0 =	rddreg [dreg:$0x0];
	s2 =	stileid.u32  }
0xd4: {  	s1 =	rddreg [dreg:$0x1];
	p0 =	sne.s32 s2, $0x0  }
0xd5: {  	s3 =	rddreg [dreg:$0x2];
	[bflag:$0x3] =	sbarrier.arrive $0xFFFF;
	s2 =	simm.s32 @!p0 $0x1C06  }
0xd6: {  	[timem:s3], [sflag:s2] =	dma.local @!p0 [hbm:s0], s1  }
0xd7: {  	s0 =	simm.s32 @!p0 $0x6  }
0xd8: {  	_ =	swait.ge @!p0 [sflag:s0], s1  }
0xd9: {  	s1 =	ssub.s32 @!p0 $0x0, s1;
	[sflag:s0] =	ssyncset.done @!p0 $0x0  }
0xda: {  	[sflag:s0] =	ssyncadd.s32 @!p0 s1  }
0xdb: {  	[bflag:$0x3] =	sbarrier.arrive $0xFFFF  }
0xdc: {  	_ =	shalt  }

// kernel: kernel.14.cloned.1.call-start
scs
__scs_entry_jumppad:
0x0: {  	(pc) =	sbr.rel $0x88, $3  }
0x1: {  	(tag) =	ssettag $0x0;
	lr =	simm.s32 $0x1  }
0x2: {  	[smem:$0x3F9B] =	sst lr;
	_ =	strace $0xD0000000  }
0x3: {  	_ = 	snop  }
0x4: {  	_ = 	snop  }
0x5: {  	_ = 	snop  }
0x6: {  	_ = 	snop  }
0x7: {  	_ = 	snop  }
__scs_overlays_trampoline_lowered:
0x8: {  	[smem:$0x3FAA] =	sst s0  }
0x9: {  	[smem:$0x3FAB] =	sst s1  }
0xa: {  	[smem:$0x3FAC] =	sst s2  }
0xb: {  	[smem:$0x3FAD] =	sst s3  }
0xc: {  	[smem:$0x3FAE] =	sst s4  }
0xd: {  	[smem:$0x3FAF] =	sst s5  }
0xe: {  	[smem:$0x3FB0] =	sst s6  }
0xf: {  	[smem:$0x3FB1] =	sst s7  }
0x10: {  	[smem:$0x3FB2] =	sst s8  }
0x11: {  	[smem:$0x3FB3] =	sst s9;
	s0 =	simm.s32 @!p0 $0x0  }
0x12: {  	s1 =	sld [smem:$0x3F99];
	s0 =	simm.s32 @p0 $0x1  }
0x13: {  	[smem:$0x3FB4] =	sst s0;
	s0 =	simm.s32 @!p1 $0x0  }
0x14: {  	s2 =	sld [smem:$0x3F98];
	s0 =	simm.s32 @p1 $0x1  }
0x15: {  	[smem:$0x3FB5] =	sst s0;
	s0 =	simm.s32 @!p2 $0x0  }
0x16: {  	s3 =	sld [smem:$0x3FDB];
	s0 =	simm.s32 @p2 $0x1  }
0x17: {  	s4 =	simm.s32 $0x1BF5;
	[smem:$0x3FB7] =	sst s0  }
0x18: {  	s0 =	sld [smem:$0x3F9A];
	_ =	swait.ge [sflag:s4], $0x0  }
0x19: {  	s7 =	sld [smem:$0x3F9B]  }
0x1a: {  	s8 =	sadd.s32 $0xFFFFE003, lr  }
0x1b: {  	s9 =	sadd.s32 $0xFFFFFEF7, lr;
	s5 =	simm.s32 $0xFFFFFFFF;
	p2 =	slt.u32 s8, $0xFFFFF086  }
0x1c: {  	p1 =	slt.u32 s9, $0xF7A;
	s5 =	simm.s32 @!p2 $0x0  }
0x1d: {  	s5 =	simm.s32 @p1 $0x1;
	p0 =	seq.s32 s7, s2  }
0x1e: {  	s7 =	smul.u32 @!p0 $0xF7A, s2;
	p2 =	seq.s32 @!p0 s5, $0x0  }
0x1f: {  	s9 =	smul.u32 $0xF7A, s1;
	s8 =	simm.s32 @!p0 $0x1BF5;
	p2 =	por !p2, p0  }
0x20: {  	[sflag:s8] =	ssyncset.s32 @!p0 $0xFFFFF086;
	s6 =	sadd.s32 @!p0 s3, s7;
	s7 =	simm.s32 @!p0 $0x108  }
0x21: {  	s3 =	sadd.s32 s3, s9;
	s6 =	sadd.s32 @!p0 $0x88, s6;
	s7 =	simm.s32 @p2 $0x1082  }
0x22: {  	[simem:s7], [sflag:s8] =	dma.local @!p0 [hbm:s6], $0xF7A  }
0x23: {  	s9 =	sor.u32 $0xD0000000, s2;
	s6 =	simm.s32 $0x108;
	_ =	swait.ge @!p0 [sflag:s8], $0x0  }
0x24: {  	s3 =	sadd.s32 $0x88, s3;
	s6 =	simm.s32 @!p1 $0x1082;
	[sflag:s4] =	ssyncset.s32 $0xFFFFF086  }
0x25: {  	[simem:s6], [sflag:s4] =	dma.local [hbm:s3], $0xF7A  }
0x26: {  	[smem:$0x3F9B] =	sst s1;
	(tag) =	ssettag s2;
	_ =	strace s9  }
0x27: {  	s1 =	sld [smem:$0x3FAB]  }
0x28: {  	s2 =	sld [smem:$0x3FAC]  }
0x29: {  	s4 =	sld [smem:$0x3FAE]  }
0x2a: {  	p0 =	seq.s32 s5, $0x0;
	s5 =	sld [smem:$0x3FAF]  }
0x2b: {  	s6 =	sld [smem:$0x3FB0]  }
0x2c: {  	s7 =	sld [smem:$0x3FB1]  }
0x2d: {  	s3 =	simm.s32 $0x108;
	s8 =	sld [smem:$0x3FB2]  }
0x2e: {  	s3 =	simm.s32 @!p0 $0x1082;
	s9 =	sld [smem:$0x3FB3]  }
0x2f: {  	lr =	sadd.s32 s0, s3;
	s0 =	sld [smem:$0x3FAA]  }
0x30: {  	s3 =	sld [smem:$0x3FAD]  }
0x31: {  	[smem:$0x3FB6] =	sst s10  }
0x32: {  	s10 =	sld [smem:$0x3FB4];
	_ =	sdelay $0x3  }
0x33: {  	p0 =	seq.s32 s10, $0x1;
	s10 =	sld [smem:$0x3FB6];
	_ =	sdelay $0x3  }
0x34: {  	[smem:$0x3FB6] =	sst s10  }
0x35: {  	s10 =	sld [smem:$0x3FB5];
	_ =	sdelay $0x3  }
0x36: {  	p1 =	seq.s32 s10, $0x1;
	s10 =	sld [smem:$0x3FB6];
	_ =	sdelay $0x3  }
0x37: {  	[smem:$0x3FB6] =	sst s10  }
0x38: {  	s10 =	sld [smem:$0x3FB7]  }
0x39: {  	_ = 	snop;
	(pc) =	sbr.ind lr, $3  }
0x3a: {  	_ = 	snop  }
0x3b: {  	_ = 	snop  }
0x3c: {  	p2 =	seq.s32 s10, $0x1;
	s10 =	sld [smem:$0x3FB6]  }
0x3d: {  	_ =	shalt  }
0x3e: {  	_ =	shalt  }
0x3f: {  	_ =	shalt  }
0x40: {  	_ =	shalt  }
0x41: {  	_ =	shalt  }
0x42: {  	_ =	shalt  }
0x43: {  	_ =	shalt  }
0x44: {  	_ =	shalt  }
0x45: {  	_ =	shalt  }
0x46: {  	_ =	shalt  }
0x47: {  	_ =	shalt  }
0x48: {  	_ =	shalt  }
0x49: {  	_ =	shalt  }
0x4a: {  	_ =	shalt  }
0x4b: {  	_ =	shalt  }
0x4c: {  	_ =	shalt  }
0x4d: {  	_ =	shalt  }
0x4e: {  	_ =	shalt  }
0x4f: {  	_ =	shalt  }
0x50: {  	_ =	shalt  }
0x51: {  	_ =	shalt  }
0x52: {  	_ =	shalt  }
0x53: {  	_ =	shalt  }
0x54: {  	_ =	shalt  }
0x55: {  	_ =	shalt  }
0x56: {  	_ =	shalt  }
0x57: {  	_ =	shalt  }
0x58: {  	_ =	shalt  }
0x59: {  	_ =	shalt  }
0x5a: {  	_ =	shalt  }
0x5b: {  	_ =	shalt  }
0x5c: {  	_ =	shalt  }
0x5d: {  	_ =	shalt  }
0x5e: {  	_ =	shalt  }
0x5f: {  	_ =	shalt  }
0x60: {  	_ =	shalt  }
0x61: {  	_ =	shalt  }
0x62: {  	_ =	shalt  }
0x63: {  	_ =	shalt  }
0x64: {  	_ =	shalt  }
0x65: {  	_ =	shalt  }
0x66: {  	_ =	shalt  }
0x67: {  	_ =	shalt  }
0x68: {  	_ =	shalt  }
0x69: {  	_ =	shalt  }
0x6a: {  	_ =	shalt  }
0x6b: {  	_ =	shalt  }
0x6c: {  	_ =	shalt  }
0x6d: {  	_ =	shalt  }
0x6e: {  	_ =	shalt  }
0x6f: {  	_ =	shalt  }
0x70: {  	_ =	shalt  }
0x71: {  	_ =	shalt  }
0x72: {  	_ =	shalt  }
0x73: {  	_ =	shalt  }
0x74: {  	_ =	shalt  }
0x75: {  	_ =	shalt  }
0x76: {  	_ =	shalt  }
0x77: {  	_ =	shalt  }
0x78: {  	_ =	shalt  }
0x79: {  	_ =	shalt  }
0x7a: {  	_ =	shalt  }
0x7b: {  	_ =	shalt  }
0x7c: {  	_ =	shalt  }
0x7d: {  	_ =	shalt  }
0x7e: {  	_ =	shalt  }
0x7f: {  	_ =	shalt  }
0x80: {  	_ =	shalt  }
0x81: {  	_ =	shalt  }
0x82: {  	_ =	shalt  }
0x83: {  	_ =	shalt  }
0x84: {  	_ =	shalt  }
0x85: {  	_ =	shalt  }
0x86: {  	_ =	shalt  }
0x87: {  	_ =	shalt  }
.Lfunc_end0:
.L_simem_size_0:
called_computation.2_lowered:
.L_overlay_start_0:
0x88: {  	s2 =	sld [smem:$0x3FD9]  }
0x89: {  	s3 =	sld [smem:$0x3FFE];
	_ =	sdelay $0x1  }
0x8a: {  	s1 =	srdreg.scid  }
0x8b: {  	s0 =	sand.u32 $0x1, s1  }
0x8c: {  	s17 =	sshll.u32 s0, $0xA;
	s2 =	sadd.s32 s3, s2  }
0x8d: {  	s2 =	sadd.s32 s2, s17  }
0x8e: {  	[smem:$0x3FC2] =	sst s2  }
0x8f: {  	_ = 	snop  }
0x90: {  	s2 =	sld [smem:$0x3FD0];
	(tm) =	ssettm $0x1  }
0x91: {  	s18 =	sld [smem:$0x3FFB];
	_ =	sdelay $0x3  }
0x92: {  	_ =	strace s18  }
0x93: {  	s3 =	sld [smem:$0x3FFC];
	_ =	sdelay $0x3  }
0x94: {  	_ =	strace s3  }
0x95: {  	s3 =	sld [smem:$0x3FFD];
	_ =	sdelay $0x3  }
0x96: {  	_ =	strace s3  }
0x97: {  	_ =	strace $0x8FFFFFFF  }
0x98: {  	s19 =	sld [smem:$0x3FDB];
	_ =	sdelay $0x1  }
0x99: {  	s4 =	simm.s32 $_scs_section_size  }
0x9a: {  	s5 =	simm.s32 $_size__tile_overlayer_lowered;
	s6 =	simm.s32 $_tile_overlayer_lowered  }
0x9b: {  	s22 =	simm.s32 $0x1BFF;
	s21 =	sshll.u32 s6, $0x1;
	s3 =	sadd.s32 s4, s19  }
0x9c: {  	s7 =	simm.s32 $0x0;
	s20 =	sshll.u32 s5, $0x1;
	s5 =	sadd.s32 s21, s3  }
0x9d: {  	[timem:s7], [sflag:s22] =	dma.local [hbm:s5], s20  }
0x9e: {  	_ =	swait.ge [sflag:s22], s20  }
0x9f: {  	s4 =	ssub.s32 $0x0, s20;
	[sflag:s22] =	ssyncset.done $0x0  }
0xa0: {  	[sflag:s22] =	ssyncadd.s32 s4;
	_ =	sdelay $0x1  }
0xa1: {  	s23 =	simm.s32 $0x1B8B  }
0xa2: {  	_ =	swait.ge [sflag:s23], $0x1  }
0xa3: {  	[sflag:s23] =	ssyncset.done $0x0  }
0xa4: {  	s25 =	simm.s32 $0x1B8E;
	s24 =	sld [smem:$0x3FFE];
	[sflag:s23] =	ssyncadd.s32 $0xFFFFFFFF  }
0xa5: {  	s26 =	simm.s32 $execute0_lowered;
	[smem:$0x3FD2] =	sst s25  }
0xa6: {  	s5 =	sshll.u32 s26, $0x1;
	_ =	strace $0x8000004C;
	[dreg:$0x1] =	wrdreg $0xFFFFFFFF  }
0xa7: {  	s28 =	simm.s32 $_size_execute0_lowered;
	s3 =	sadd.s32 s3, s5;
	[dreg:$0x0] =	wrdreg $0x0  }
0xa8: {  	s5 =	sshll.u32 s28, $0x1;
	[dreg:$0x2] =	wrdreg s3  }
0xa9: {  	[dreg:$0x3] =	wrdreg s5  }
0xaa: {  	[dreg:$0x4] =	wrdreg $0xC0  }
0xab: {  	_ =	task [dreg:s7], $0x5FFFF  }
0xac: {  	[dreg:$0x1] =	wrdreg $0xFFFFFFFF  }
0xad: {  	[dreg:$0x0] =	wrdreg $0x60  }
0xae: {  	[dreg:$0x2] =	wrdreg s2  }
0xaf: {  	[dreg:$0x3] =	wrdreg s24  }
0xb0: {  	[dreg:$0x4] =	wrdreg $0xC5200  }
0xb1: {  	[dreg:$0x5] =	wrdreg $0x9  }
0xb2: {  	_ =	task.clear_ibuf [dreg:s7], $0x6FFFF;
	_ =	strace $0x9000004C  }
0xb3: {  	s29 =	simm.s32 $0x9;
	_ =	strace $0x8000004E  }
0xb4: {  	_ =	swait.ge [sflag:s29], $0x1  }
0xb5: {  	[sflag:s29] =	ssyncadd.s32 $0xFFFFFFFF  }
0xb6: {  	_ =	strace $0x9000004E  }
0xb7: {  	_ =	sfence  }
0xb8: {  	s30 =	sld [smem:$0x0];
	_ =	sdelay $0x2  }
0xb9: {  	s31 =	sshll.u32 s1, $0xD;
	s1 =	sshrl.u32 s1, $0x2  }
0xba: {  	s3 =	sand.u32 $0x4000, s31;
	s1 =	sadd.s32 s1, s30  }
0xbb: {  	s0 =	sor.u32 s3, s0;
	s1 =	sshll.u32 s1, $0x11  }
0xbc: {  	s0 =	sor.u32 s1, s0  }
0xbd: {  	s0 =	sadd.s32 $0x8F2B, s0  }
0xbe: {  	[sflag:s0] =	ssyncadd.remote.s32 $0x1  }
0xbf: {  	_ =	sfence.sel $0xFFFF  }
0xc0: {  	[dreg:$0x0] =	wrdreg $0xFFFFFFFF;
	(pc) =	sbr.abs _section_cstart, $3  }
0xc1: {  	[dreg:$0x1] =	wrdreg $0xFFFFFFFF  }
0xc2: {  	_ =	task.clear_ibuf [dreg:s7], $0x2FFFF;
	_ =	strace $0x9FFFFFFF  }
0xc3: {  	(tm) =	ssettm $0x7FFFFFFF  }
tec
execute0_lowered:
.L_overlay_start_1:
0x0: {  	(tag) =	ssettag $0x1  }
0x1: {  	s1 =	rddreg [dreg:$0x0]  }
0x2: {  	s0 =	srdreg.scid;
	s5 =	rddreg [dreg:$0x1]  }
0x3: {  	s15 =	stileid.u32;
	s3 =	rddreg [dreg:$0x2];
	s4 =	simm.s32 $0x0  }
0x4: {  	s17 =	simm.s32 $0x7D;
	s18 =	simm.s32 $0x5000;
	s19 =	simm.s32 $0x80  }
0x5: {  	s20 =	simm.s32 $0x5FA0;
	s22 =	simm.s32 $0x6F40;
	s28 =	simm.s32 $0x1  }
0x6: {  	s29 =	simm.s32 $0x2;
	s30 =	simm.s32 $0x3;
	s31 =	simm.s32 $0x4  }
0x7: {  	s0 =	sand.u32 $0x1, s0;
	[smem:$0x7FF] =	sst s4;
	s10 =	smul.u32 $0x13800, s15  }
0x8: {  	s12 =	sadd.s32 $0x16000, s5;
	p0 =	sne.s32 s15, $0xF;
	s2 =	sshll.u32 s0, $0x4  }
0x9: {  	_ =	strace $0x8000004D;
	s24 =	ssub.s32 $0x2, s0;
	s14 =	sshll.u32 s0, $0x5  }
0xa: {  	s0 =	sshll.u32 s0, $0x2;
	s2 =	sor.u32 s15, s2;
	s11 =	sadd.s32 $0x9C00, s10  }
0xb: {  	s6 =	sshrl.u32 s24, $0x1;
	s7 =	sshrl.u32 s10, $0x2;
	s25 =	sor.u32 s14, s10  }
0xc: {  	s0 =	sadd.s32 s0, s12;
	s15 =	simm.s32 $0x6;
	s2 =	smul.u32 $0x2800, s2  }
0xd: {  	s8 =	sshrl.u32 s11, $0x2;
	s13 =	ssub.s32 s24, s6;
	s26 =	sor.u32 s14, s11  }
0xe: {  	s14 =	simm.s32 $0x9E20;
	s24 =	simm.s32 $0x7EE0;
	s6 =	sadd.s32 s8, s3  }
0xf: {  	s11 =	sshrl.u32 s26, $0x3;
	s13 =	smax.u32 s13, $0x1;
	s2 =	sshrl.u32 s2, $0x3  }
0x10: {  	s26 =	simm.s32 $0x8E80;
	s11 =	sadd.s32 s12, s11;
	s2 =	sadd.s32 s2, s5  }
0x11: {  	s8 =	sadd.s32 $0x2000, s2;
	s9 =	sadd.s32 $0xC000, s2;
	s2 =	sshrl.u32 s25, $0x3  }
0x12: {  	s5 =	sadd.s32 s7, s3;
	s7 =	sadd.s32 $0x4E000, s3;
	s10 =	sadd.s32 s12, s2  }
0x13: {  	v0 =	vimm.f32 $0.0e+00;
	s12 =	sadd.s32 $0x27000, s0;
	s2 =	simm.s32 $0x5;
	s0 =	simm.s32 $0x20  }
.LBB2_1:
0x14: {  	s16 =	simm.s32 $0x80;
	s21 =	simm.s32 $0x0  }
.LBB2_2:
0x15: {  	p1 =	sne.s32 s16, $0x9B80;
	[tilespmem:s21+$0x9E20] =	vst v0;
	s23 =	smov.u32 s16;
	s16 =	sadd.s32 $0x80, s16  }
.Ltmp0:
0x16: {  	[tilespmem:s21+$0x9E30] =	vst v0;
	(pc) =	sbr.rel @p1 .LBB2_2-.Ltmp0, $2  }
0x17: {  	_ =	sdelay $0x2  }
0x18: {  	s21 =	sshra.s32 s23, $0x2  }
0x19: {  	[tilespmem:s21+$0x9E20] =	vst v0  }
0x1a: {  	[tilespmem:s21+$0x9E30] =	vst v0  }
0x1b: {  	[spmem:s5] =	stream.linear.scatter [tilespmem:s14], [sflag:$0x6], $0x2700, $0x38;
	[tilespmem:$0x11340] =	vst v63  }
0x1c: {  	_ =	swait.ge [sflag:s15], $0x2700  }
0x1d: {  	[sflag:s15] =	ssyncset.done $0x0  }
0x1e: {  	[sflag:s15] =	ssyncadd.s32 $0xFFFFD900  }
0x1f: {  	[spmem:s6] =	stream.linear.scatter [tilespmem:s14], [sflag:$0x6], $0x2700, $0x38;
	[tilespmem:$0x11340] =	vst v63  }
0x20: {  	_ =	swait.ge [sflag:s15], $0x2700  }
0x21: {  	[sflag:s15] =	ssyncset.done $0x0  }
0x22: {  	s16 =	simm.s32 @!p0 $0x9E20;
	[sflag:s15] =	ssyncadd.s32 $0xFFFFD900  }
0x23: {  	[spmem:s7] =	stream.linear.scatter @!p0 [tilespmem:s16], [sflag:$0x6], $0x200, $0x38;
	[tilespmem:$0x11340] =	vst v63  }
0x24: {  	s16 =	simm.s32 @!p0 $0x6  }
0x25: {  	_ =	swait.ge @!p0 [sflag:s16], $0x200  }
0x26: {  	[sflag:s16] =	ssyncset.done @!p0 $0x0  }
0x27: {  	s23 =	simm.s32 $0x0;
	[sflag:s16] =	ssyncadd.s32 @!p0 $0xFFFFFE00  }
0x28: {  	[tilespmem:s23], [sflag:$0x6] =	stream.linear.gather [hbm4b:s8+s23], $0x2800, $0x38;
	[tilespmem:$0x11340] =	vst v63  }
0x29: {  	_ =	swait.ge [sflag:s15], $0x2800  }
0x2a: {  	[sflag:s15] =	ssyncset.done $0x0  }
0x2b: {  	s25 =	simm.s32 $0x2800;
	[sflag:s15] =	ssyncadd.s32 $0xFFFFD800  }
0x2c: {  	[tilespmem:s25], [sflag:$0x6] =	stream.linear.gather [hbm4b:s9+s23], $0x2800, $0x38;
	[tilespmem:$0x11340] =	vst v63  }
0x2d: {  	_ =	swait.ge [sflag:s15], $0x2800  }
0x2e: {  	[sflag:s15] =	ssyncset.done $0x0  }
0x2f: {  	[sflag:s15] =	ssyncadd.s32 $0xFFFFD800  }
0x30: {  	[bflag:$0x0] =	sbarrier.arrive $0xFFFF  }
0x31: {  	[tilespmem:s18], [sflag:$0x1] =	stream.indirect.gather [hbm4b:s1+s17], $0x20, s23, s17, $0xb8;
	[tilespmem:$0x11340] =	vst v63  }
0x32: {  	_ = 	snop  }
0x33: {  	[tilespmem:s20], [sflag:$0x2] =	stream.indirect.gather [hbm4b:s1+s17], $0x20, s19, s17, $0xb8;
	[tilespmem:$0x11340] =	vst v63  }
0x34: {  	s21 =	simm.s32 $0x100  }
0x35: {  	[tilespmem:s22], [sflag:$0x3] =	stream.indirect.gather [hbm4b:s1+s17], $0x20, s21, s17, $0xb8;
	[tilespmem:$0x11340] =	vst v63  }
0x36: {  	s23 =	simm.s32 $0x180  }
0x37: {  	[tilespmem:s24], [sflag:$0x4] =	stream.indirect.gather [hbm4b:s1+s17], $0x20, s23, s17, $0xb8;
	[tilespmem:$0x11340] =	vst v63  }
0x38: {  	s25 =	simm.s32 $0x200  }
0x39: {  	[tilespmem:s26], [sflag:$0x5] =	stream.indirect.gather [hbm4b:s1+s17], $0x20, s25, s17, $0xb8;
	[tilespmem:$0x11340] =	vst v63  }
0x3a: {  	_ =	swait.ge [sflag:s28], $0xFA0  }
0x3b: {  	[sflag:s28] =	ssyncset.done $0x0  }
0x3c: {  	s21 =	simm.s32 $0x2800;
	[sflag:s28] =	ssyncadd.s32 $0xFFFFF060  }
0x3d: {  	[spmem:s3] =	stream.indirect.scatter.add.f32 [tilespmem:s18], [sflag:$0x6], $0x20, s21, s17, $0xb8;
	[tilespmem:$0x11340] =	vst v63  }
0x3e: {  	_ =	swait.ge [sflag:s15], $0xFA0  }
0x3f: {  	[sflag:s15] =	ssyncset.done $0x0  }
0x40: {  	s23 =	simm.s32 $0x280;
	[sflag:s15] =	ssyncadd.s32 $0xFFFFF060  }
0x41: {  	[tilespmem:s18], [sflag:$0x1] =	stream.indirect.gather [hbm4b:s1+s17], $0x20, s23, s17, $0xb8;
	[tilespmem:$0x11340] =	vst v63  }
0x42: {  	_ =	swait.ge [sflag:s29], $0xFA0  }
0x43: {  	[sflag:s29] =	ssyncset.done $0x0  }
0x44: {  	s25 =	simm.s32 $0x2880;
	[sflag:s29] =	ssyncadd.s32 $0xFFFFF060  }
0x45: {  	[spmem:s3] =	stream.indirect.scatter.add.f32 [tilespmem:s20], [sflag:$0x6], $0x20, s25, s17, $0xb8;
	[tilespmem:$0x11340] =	vst v63  }
0x46: {  	_ =	swait.ge [sflag:s15], $0xFA0  }
0x47: {  	[sflag:s15] =	ssyncset.done $0x0  }
0x48: {  	s21 =	simm.s32 $0x300;
	[sflag:s15] =	ssyncadd.s32 $0xFFFFF060  }
0x49: {  	[tilespmem:s20], [sflag:$0x2] =	stream.indirect.gather [hbm4b:s1+s17], $0x20, s21, s17, $0xb8;
	[tilespmem:$0x11340] =	vst v63  }
0x4a: {  	_ =	swait.ge [sflag:s30], $0xFA0  }
0x4b: {  	[sflag:s30] =	ssyncset.done $0x0  }
0x4c: {  	s23 =	simm.s32 $0x2900;
	[sflag:s30] =	ssyncadd.s32 $0xFFFFF060  }
0x4d: {  	[spmem:s3] =	stream.indirect.scatter.add.f32 [tilespmem:s22], [sflag:$0x6], $0x20, s23, s17, $0xb8;
	[tilespmem:$0x11340] =	vst v63  }
0x4e: {  	_ =	swait.ge [sflag:s15], $0xFA0  }
0x4f: {  	[sflag:s15] =	ssyncset.done $0x0  }
0x50: {  	s25 =	simm.s32 $0x380;
	[sflag:s15] =	ssyncadd.s32 $0xFFFFF060  }
0x51: {  	[tilespmem:s22], [sflag:$0x3] =	stream.indirect.gather [hbm4b:s1+s17], $0x20, s25, s17, $0xb8;
	[tilespmem:$0x11340] =	vst v63  }
0x52: {  	_ =	swait.ge [sflag:s31], $0xFA0  }
0x53: {  	[sflag:s31] =	ssyncset.done $0x0  }
0x54: {  	s21 =	simm.s32 $0x2980;
	[sflag:s31] =	ssyncadd.s32 $0xFFFFF060  }
0x55: {  	[spmem:s3] =	stream.indirect.scatter.add.f32 [tilespmem:s24], [sflag:$0x6], $0x20, s21, s17, $0xb8;
	[tilespmem:$0x11340] =	vst v63  }
0x56: {  	_ =	swait.ge [sflag:s15], $0xFA0  }
0x57: {  	[sflag:s15] =	ssyncset.done $0x0  }
0x58: {  	s23 =	simm.s32 $0x400;
	[sflag:s15] =	ssyncadd.s32 $0xFFFFF060  }
0x59: {  	[tilespmem:s24], [sflag:$0x4] =	stream.indirect.gather [hbm4b:s1+s17], $0x20, s23, s17, $0xb8;
	[tilespmem:$0x11340] =	vst v63  }
0x5a: {  	_ =	swait.ge [sflag:s2], $0xFA0  }
0x5b: {  	[sflag:s2] =	ssyncset.done $0x0  }
0x5c: {  	s25 =	simm.s32 $0x2A00;
	[sflag:s2] =	ssyncadd.s32 $0xFFFFF060  }
0x5d: {  	[spmem:s3] =	stream.indirect.scatter.add.f32 [tilespmem:s26], [sflag:$0x6], $0x20, s25, s17, $0xb8;
	[tilespmem:$0x11340] =	vst v63  }
0x5e: {  	_ =	swait.ge [sflag:s15], $0xFA0  }
0x5f: {  	[sflag:s15] =	ssyncset.done $0x0  }
0x60: {  	s16 =	simm.s32 $0xA00;
	s21 =	simm.s32 $0x480;
	[sflag:s15] =	ssyncadd.s32 $0xFFFFF060  }
.LBB2_4:
0x61: {  	[tilespmem:s26], [sflag:$0x5] =	stream.indirect.gather [hbm4b:s1+s17], $0x20, s21, s17, $0xb8;
	[tilespmem:$0x11340] =	vst v63  }
0x62: {  	s21 =	smov.u32 s16  }
0x63: {  	p1 =	sne.s32 s16, $0x8C00;
	s16 =	sadd.s32 $0xA00, s16;
	_ =	swait.ge [sflag:s28], $0xFA0  }
0x64: {  	s21 =	sshra.s32 s21, $0x2;
	[sflag:s28] =	ssyncset.done $0x0  }
0x65: {  	s23 =	sadd.s32 $0x2800, s21;
	[sflag:s28] =	ssyncadd.s32 $0xFFFFF060  }
0x66: {  	[spmem:s3] =	stream.indirect.scatter.add.f32 [tilespmem:s18], [sflag:$0x6], $0x20, s23, s17, $0xb8;
	[tilespmem:$0x11340] =	vst v63  }
0x67: {  	_ =	swait.ge [sflag:s15], $0xFA0  }
0x68: {  	[sflag:s15] =	ssyncset.done $0x0  }
0x69: {  	s23 =	sadd.s32 $0x280, s21;
	[sflag:s15] =	ssyncadd.s32 $0xFFFFF060  }
0x6a: {  	[tilespmem:s18], [sflag:$0x1] =	stream.indirect.gather [hbm4b:s1+s17], $0x20, s23, s17, $0xb8;
	[tilespmem:$0x11340] =	vst v63  }
0x6b: {  	_ =	swait.ge [sflag:s29], $0xFA0  }
0x6c: {  	[sflag:s29] =	ssyncset.done $0x0  }
0x6d: {  	s23 =	sadd.s32 $0x2880, s21;
	[sflag:s29] =	ssyncadd.s32 $0xFFFFF060  }
0x6e: {  	[spmem:s3] =	stream.indirect.scatter.add.f32 [tilespmem:s20], [sflag:$0x6], $0x20, s23, s17, $0xb8;
	[tilespmem:$0x11340] =	vst v63  }
0x6f: {  	_ =	swait.ge [sflag:s15], $0xFA0  }
0x70: {  	[sflag:s15] =	ssyncset.done $0x0  }
0x71: {  	s23 =	sadd.s32 $0x300, s21;
	[sflag:s15] =	ssyncadd.s32 $0xFFFFF060  }
0x72: {  	[tilespmem:s20], [sflag:$0x2] =	stream.indirect.gather [hbm4b:s1+s17], $0x20, s23, s17, $0xb8;
	[tilespmem:$0x11340] =	vst v63  }
0x73: {  	_ =	swait.ge [sflag:s30], $0xFA0  }
0x74: {  	[sflag:s30] =	ssyncset.done $0x0  }
0x75: {  	s23 =	sadd.s32 $0x2900, s21;
	[sflag:s30] =	ssyncadd.s32 $0xFFFFF060  }
0x76: {  	[spmem:s3] =	stream.indirect.scatter.add.f32 [tilespmem:s22], [sflag:$0x6], $0x20, s23, s17, $0xb8;
	[tilespmem:$0x11340] =	vst v63  }
0x77: {  	_ =	swait.ge [sflag:s15], $0xFA0  }
0x78: {  	[sflag:s15] =	ssyncset.done $0x0  }
0x79: {  	s23 =	sadd.s32 $0x380, s21;
	[sflag:s15] =	ssyncadd.s32 $0xFFFFF060  }
0x7a: {  	[tilespmem:s22], [sflag:$0x3] =	stream.indirect.gather [hbm4b:s1+s17], $0x20, s23, s17, $0xb8;
	[tilespmem:$0x11340] =	vst v63  }
0x7b: {  	_ =	swait.ge [sflag:s31], $0xFA0  }
0x7c: {  	[sflag:s31] =	ssyncset.done $0x0  }
0x7d: {  	s23 =	sadd.s32 $0x2980, s21;
	[sflag:s31] =	ssyncadd.s32 $0xFFFFF060  }
0x7e: {  	[spmem:s3] =	stream.indirect.scatter.add.f32 [tilespmem:s24], [sflag:$0x6], $0x20, s23, s17, $0xb8;
	[tilespmem:$0x11340] =	vst v63  }
0x7f: {  	_ =	swait.ge [sflag:s15], $0xFA0  }
0x80: {  	[sflag:s15] =	ssyncset.done $0x0  }
0x81: {  	s23 =	sadd.s32 $0x400, s21;
	[sflag:s15] =	ssyncadd.s32 $0xFFFFF060  }
0x82: {  	[tilespmem:s24], [sflag:$0x4] =	stream.indirect.gather [hbm4b:s1+s17], $0x20, s23, s17, $0xb8;
	[tilespmem:$0x11340] =	vst v63  }
0x83: {  	_ =	swait.ge [sflag:s2], $0xFA0  }
0x84: {  	[sflag:s2] =	ssyncset.done $0x0  }
.Ltmp1:
0x85: {  	s23 =	sadd.s32 $0x2A00, s21;
	[sflag:s2] =	ssyncadd.s32 $0xFFFFF060;
	(pc) =	sbr.rel @p1 .LBB2_4-.Ltmp1, $4  }
0x86: {  	[spmem:s3] =	stream.indirect.scatter.add.f32 [tilespmem:s26], [sflag:$0x6], $0x20, s23, s17, $0xb8;
	[tilespmem:$0x11340] =	vst v63  }
0x87: {  	_ =	swait.ge [sflag:s15], $0xFA0  }
0x88: {  	[sflag:s15] =	ssyncset.done $0x0  }
0x89: {  	s21 =	sadd.s32 $0x480, s21;
	[sflag:s15] =	ssyncadd.s32 $0xFFFFF060  }
0x8a: {  	[tilespmem:s26], [sflag:$0x5] =	stream.indirect.gather [hbm4b:s1+s17], $0x20, s21, s17, $0xb8;
	[tilespmem:$0x11340] =	vst v63  }
0x8b: {  	_ =	swait.ge [sflag:s28], $0xFA0  }
0x8c: {  	[sflag:s28] =	ssyncset.done $0x0  }
0x8d: {  	s16 =	simm.s32 $0x4D80;
	[sflag:s28] =	ssyncadd.s32 $0xFFFFF060  }
0x8e: {  	[spmem:s3] =	stream.indirect.scatter.add.f32 [tilespmem:s18], [sflag:$0x6], $0x20, s16, s17, $0xb8;
	[tilespmem:$0x11340] =	vst v63  }
0x8f: {  	_ =	swait.ge [sflag:s15], $0xFA0  }
0x90: {  	[sflag:s15] =	ssyncset.done $0x0  }
0x91: {  	[sflag:s15] =	ssyncadd.s32 $0xFFFFF060  }
0x92: {  	_ =	swait.ge [sflag:s29], $0xFA0  }
0x93: {  	[sflag:s29] =	ssyncset.done $0x0  }
0x94: {  	s25 =	simm.s32 $0x4E00;
	[sflag:s29] =	ssyncadd.s32 $0xFFFFF060  }
0x95: {  	[spmem:s3] =	stream.indirect.scatter.add.f32 [tilespmem:s20], [sflag:$0x6], $0x20, s25, s17, $0xb8;
	[tilespmem:$0x11340] =	vst v63  }
0x96: {  	_ =	swait.ge [sflag:s15], $0xFA0  }
0x97: {  	[sflag:s15] =	ssyncset.done $0x0  }
0x98: {  	[sflag:s15] =	ssyncadd.s32 $0xFFFFF060  }
0x99: {  	_ =	swait.ge [sflag:s30], $0xFA0  }
0x9a: {  	[sflag:s30] =	ssyncset.done $0x0  }
0x9b: {  	s21 =	simm.s32 $0x4E80;
	[sflag:s30] =	ssyncadd.s32 $0xFFFFF060  }
0x9c: {  	[spmem:s3] =	stream.indirect.scatter.add.f32 [tilespmem:s22], [sflag:$0x6], $0x20, s21, s17, $0xb8;
	[tilespmem:$0x11340] =	vst v63  }
0x9d: {  	_ =	swait.ge [sflag:s15], $0xFA0  }
0x9e: {  	[sflag:s15] =	ssyncset.done $0x0  }
0x9f: {  	[sflag:s15] =	ssyncadd.s32 $0xFFFFF060  }
0xa0: {  	_ =	swait.ge [sflag:s31], $0xFA0  }
0xa1: {  	[sflag:s31] =	ssyncset.done $0x0  }
0xa2: {  	s23 =	simm.s32 $0x4F00;
	[sflag:s31] =	ssyncadd.s32 $0xFFFFF060  }
0xa3: {  	[spmem:s3] =	stream.indirect.scatter.add.f32 [tilespmem:s24], [sflag:$0x6], $0x20, s23, s17, $0xb8;
	[tilespmem:$0x11340] =	vst v63  }
0xa4: {  	_ =	swait.ge [sflag:s15], $0xFA0  }
0xa5: {  	[sflag:s15] =	ssyncset.done $0x0  }
0xa6: {  	[sflag:s15] =	ssyncadd.s32 $0xFFFFF060  }
0xa7: {  	_ =	swait.ge [sflag:s2], $0xFA0  }
0xa8: {  	[sflag:s2] =	ssyncset.done $0x0  }
0xa9: {  	s25 =	simm.s32 $0x4F80;
	[sflag:s2] =	ssyncadd.s32 $0xFFFFF060  }
0xaa: {  	[spmem:s3] =	stream.indirect.scatter.add.f32 [tilespmem:s26], [sflag:$0x6], $0x20, s25, s17, $0xb8;
	[tilespmem:$0x11340] =	vst v63  }
0xab: {  	_ =	swait.ge [sflag:s15], $0xFA0  }
0xac: {  	[sflag:s15] =	ssyncset.done $0x0  }
0xad: {  	[sflag:s15] =	ssyncadd.s32 $0xFFFFF060  }
0xae: {  	[bflag:$0x0] =	sbarrier.arrive $0xFFFF  }
0xaf: {  	[tilespmem:s14], [sflag:$0x6] =	stream.linear.gather [spmem:s5], $0x2700, $0x38;
	[tilespmem:$0x11340] =	vst v63  }
0xb0: {  	_ =	swait.ge [sflag:s15], $0x2700  }
0xb1: {  	[sflag:s15] =	ssyncset.done $0x0  }
0xb2: {  	[sflag:s15] =	ssyncadd.s32 $0xFFFFD900  }
0xb3: {  	[hbm4b:s10+s0] =	stream.strided.scatter [tilespmem:s14], [sflag:$0x6], $0x2700, s19, s0, $0x38;
	[tilespmem:$0x11340] =	vst v63  }
0xb4: {  	_ =	swait.ge [sflag:s15], $0x2700  }
0xb5: {  	[sflag:s15] =	ssyncset.done $0x0  }
0xb6: {  	[sflag:s15] =	ssyncadd.s32 $0xFFFFD900  }
0xb7: {  	[tilespmem:s14], [sflag:$0x6] =	stream.linear.gather [spmem:s6], $0x2700, $0x38;
	[tilespmem:$0x11340] =	vst v63  }
0xb8: {  	_ =	swait.ge [sflag:s15], $0x2700  }
0xb9: {  	[sflag:s15] =	ssyncset.done $0x0  }
0xba: {  	[sflag:s15] =	ssyncadd.s32 $0xFFFFD900  }
0xbb: {  	[hbm4b:s11+s0] =	stream.strided.scatter [tilespmem:s14], [sflag:$0x6], $0x2700, s19, s0, $0x38;
	[tilespmem:$0x11340] =	vst v63  }
0xbc: {  	_ =	swait.ge [sflag:s15], $0x2700  }
0xbd: {  	[sflag:s15] =	ssyncset.done $0x0  }
0xbe: {  	s16 =	simm.s32 @!p0 $0x9E20;
	s21 =	simm.s32 @!p0 $0x6;
	[sflag:s15] =	ssyncadd.s32 $0xFFFFD900  }
0xbf: {  	[tilespmem:s16], [sflag:$0x6] =	stream.linear.gather @!p0 [spmem:s7], $0x200, $0x38;
	[tilespmem:$0x11340] =	vst v63  }
0xc0: {  	s4 =	sadd.s32 $0x1, s4;
	_ =	swait.ge @!p0 [sflag:s21], $0x200  }
0xc1: {  	p1 =	sne.s32 s4, s13;
	s23 =	simm.s32 @!p0 $0x20;
	[sflag:s21] =	ssyncset.done @!p0 $0x0  }
.Ltmp2:
0xc2: {  	s25 =	simm.s32 @!p0 $0x80;
	[sflag:s21] =	ssyncadd.s32 @!p0 $0xFFFFFE00;
	(pc) =	sbr.rel @p1 .LBB2_1-.Ltmp2, $4  }
0xc3: {  	[hbm4b:s12+s23] =	stream.strided.scatter @!p0 [tilespmem:s16], [sflag:$0x6], $0x200, s25, s23, $0x38;
	[tilespmem:$0x11340] =	vst v63  }
0xc4: {  	_ =	swait.ge @!p0 [sflag:s21], $0x200  }
0xc5: {  	[sflag:s21] =	ssyncset.done @!p0 $0x0  }
0xc6: {  	[sflag:s21] =	ssyncadd.s32 @!p0 $0xFFFFFE00  }
0xc7: {  	_ =	sfence.sel $0x180000  }
0xc8: {  	[bflag:$0x0] =	sbarrier.arrive $0xFFFF  }
0xc9: {  	_ =	strace $0x9000004D  }
0xca: {  	s0 =	stileid.u32;
	[bflag:$0x2] =	sbarrier.arrive $0xFFFF  }
0xcb: {  	p0 =	sne.s32 s0, $0x0;
	s0 =	rddreg [dreg:$0x3]  }
0xcc: {  	s0 =	sadd.s32 @!p0 $0x100000, s0  }
0xcd: {  	[sflag:s0] =	ssyncadd.tile.s32 @!p0 $0x1;
	_ =	shalt  }
.Lfunc_end2:
_tile_overlayer_lowered:
.L_overlay_start_2:
0xce: {  	(tag) =	ssettag $0x2  }
0xcf: {  	s0 =	rddreg [dreg:$0x0];
	s2 =	stileid.u32  }
0xd0: {  	s1 =	rddreg [dreg:$0x1];
	p0 =	sne.s32 s2, $0x0  }
0xd1: {  	s3 =	rddreg [dreg:$0x2];
	[bflag:$0x3] =	sbarrier.arrive $0xFFFF;
	s2 =	simm.s32 @!p0 $0x1C06  }
0xd2: {  	[timem:s3], [sflag:s2] =	dma.local @!p0 [hbm:s0], s1  }
0xd3: {  	s0 =	simm.s32 @!p0 $0x6  }
0xd4: {  	_ =	swait.ge @!p0 [sflag:s0], s1  }
0xd5: {  	s1 =	ssub.s32 @!p0 $0x0, s1;
	[sflag:s0] =	ssyncset.done @!p0 $0x0  }
0xd6: {  	[sflag:s0] =	ssyncadd.s32 @!p0 s1  }
0xd7: {  	[bflag:$0x3] =	sbarrier.arrive $0xFFFF  }
0xd8: {  	_ =	shalt  }

// kernel: kernel.8.cloned.1.call-start
scs
__scs_entry_jumppad:
0x0: {  	(pc) =	sbr.rel $0x88, $3  }
0x1: {  	(tag) =	ssettag $0x0;
	lr =	simm.s32 $0x1  }
0x2: {  	[smem:$0x3F9B] =	sst lr;
	_ =	strace $0xD0000000  }
0x3: {  	_ = 	snop  }
0x4: {  	_ = 	snop  }
0x5: {  	_ = 	snop  }
0x6: {  	_ = 	snop  }
0x7: {  	_ = 	snop  }
__scs_overlays_trampoline_lowered:
0x8: {  	[smem:$0x3FAA] =	sst s0  }
0x9: {  	[smem:$0x3FAB] =	sst s1  }
0xa: {  	[smem:$0x3FAC] =	sst s2  }
0xb: {  	[smem:$0x3FAD] =	sst s3  }
0xc: {  	[smem:$0x3FAE] =	sst s4  }
0xd: {  	[smem:$0x3FAF] =	sst s5  }
0xe: {  	[smem:$0x3FB0] =	sst s6  }
0xf: {  	[smem:$0x3FB1] =	sst s7  }
0x10: {  	[smem:$0x3FB2] =	sst s8  }
0x11: {  	[smem:$0x3FB3] =	sst s9;
	s0 =	simm.s32 @!p0 $0x0  }
0x12: {  	s1 =	sld [smem:$0x3F99];
	s0 =	simm.s32 @p0 $0x1  }
0x13: {  	[smem:$0x3FB4] =	sst s0;
	s0 =	simm.s32 @!p1 $0x0  }
0x14: {  	s2 =	sld [smem:$0x3F98];
	s0 =	simm.s32 @p1 $0x1  }
0x15: {  	[smem:$0x3FB5] =	sst s0;
	s0 =	simm.s32 @!p2 $0x0  }
0x16: {  	s3 =	sld [smem:$0x3FDB];
	s0 =	simm.s32 @p2 $0x1  }
0x17: {  	s4 =	simm.s32 $0x1BF5;
	[smem:$0x3FB7] =	sst s0  }
0x18: {  	s0 =	sld [smem:$0x3F9A];
	_ =	swait.ge [sflag:s4], $0x0  }
0x19: {  	s7 =	sld [smem:$0x3F9B]  }
0x1a: {  	s8 =	sadd.s32 $0xFFFFE003, lr  }
0x1b: {  	s9 =	sadd.s32 $0xFFFFFEF7, lr;
	s5 =	simm.s32 $0xFFFFFFFF;
	p2 =	slt.u32 s8, $0xFFFFF086  }
0x1c: {  	p1 =	slt.u32 s9, $0xF7A;
	s5 =	simm.s32 @!p2 $0x0  }
0x1d: {  	s5 =	simm.s32 @p1 $0x1;
	p0 =	seq.s32 s7, s2  }
0x1e: {  	s7 =	smul.u32 @!p0 $0xF7A, s2;
	p2 =	seq.s32 @!p0 s5, $0x0  }
0x1f: {  	s9 =	smul.u32 $0xF7A, s1;
	s8 =	simm.s32 @!p0 $0x1BF5;
	p2 =	por !p2, p0  }
0x20: {  	[sflag:s8] =	ssyncset.s32 @!p0 $0xFFFFF086;
	s6 =	sadd.s32 @!p0 s3, s7;
	s7 =	simm.s32 @!p0 $0x108  }
0x21: {  	s3 =	sadd.s32 s3, s9;
	s6 =	sadd.s32 @!p0 $0x88, s6;
	s7 =	simm.s32 @p2 $0x1082  }
0x22: {  	[simem:s7], [sflag:s8] =	dma.local @!p0 [hbm:s6], $0xF7A  }
0x23: {  	s9 =	sor.u32 $0xD0000000, s2;
	s6 =	simm.s32 $0x108;
	_ =	swait.ge @!p0 [sflag:s8], $0x0  }
0x24: {  	s3 =	sadd.s32 $0x88, s3;
	s6 =	simm.s32 @!p1 $0x1082;
	[sflag:s4] =	ssyncset.s32 $0xFFFFF086  }
0x25: {  	[simem:s6], [sflag:s4] =	dma.local [hbm:s3], $0xF7A  }
0x26: {  	[smem:$0x3F9B] =	sst s1;
	(tag) =	ssettag s2;
	_ =	strace s9  }
0x27: {  	s1 =	sld [smem:$0x3FAB]  }
0x28: {  	s2 =	sld [smem:$0x3FAC]  }
0x29: {  	s4 =	sld [smem:$0x3FAE]  }
0x2a: {  	p0 =	seq.s32 s5, $0x0;
	s5 =	sld [smem:$0x3FAF]  }
0x2b: {  	s6 =	sld [smem:$0x3FB0]  }
0x2c: {  	s7 =	sld [smem:$0x3FB1]  }
0x2d: {  	s3 =	simm.s32 $0x108;
	s8 =	sld [smem:$0x3FB2]  }
0x2e: {  	s3 =	simm.s32 @!p0 $0x1082;
	s9 =	sld [smem:$0x3FB3]  }
0x2f: {  	lr =	sadd.s32 s0, s3;
	s0 =	sld [smem:$0x3FAA]  }
0x30: {  	s3 =	sld [smem:$0x3FAD]  }
0x31: {  	[smem:$0x3FB6] =	sst s10  }
0x32: {  	s10 =	sld [smem:$0x3FB4];
	_ =	sdelay $0x3  }
0x33: {  	p0 =	seq.s32 s10, $0x1;
	s10 =	sld [smem:$0x3FB6];
	_ =	sdelay $0x3  }
0x34: {  	[smem:$0x3FB6] =	sst s10  }
0x35: {  	s10 =	sld [smem:$0x3FB5];
	_ =	sdelay $0x3  }
0x36: {  	p1 =	seq.s32 s10, $0x1;
	s10 =	sld [smem:$0x3FB6];
	_ =	sdelay $0x3  }
0x37: {  	[smem:$0x3FB6] =	sst s10  }
0x38: {  	s10 =	sld [smem:$0x3FB7]  }
0x39: {  	_ = 	snop;
	(pc) =	sbr.ind lr, $3  }
0x3a: {  	_ = 	snop  }
0x3b: {  	_ = 	snop  }
0x3c: {  	p2 =	seq.s32 s10, $0x1;
	s10 =	sld [smem:$0x3FB6]  }
0x3d: {  	_ =	shalt  }
0x3e: {  	_ =	shalt  }
0x3f: {  	_ =	shalt  }
0x40: {  	_ =	shalt  }
0x41: {  	_ =	shalt  }
0x42: {  	_ =	shalt  }
0x43: {  	_ =	shalt  }
0x44: {  	_ =	shalt  }
0x45: {  	_ =	shalt  }
0x46: {  	_ =	shalt  }
0x47: {  	_ =	shalt  }
0x48: {  	_ =	shalt  }
0x49: {  	_ =	shalt  }
0x4a: {  	_ =	shalt  }
0x4b: {  	_ =	shalt  }
0x4c: {  	_ =	shalt  }
0x4d: {  	_ =	shalt  }
0x4e: {  	_ =	shalt  }
0x4f: {  	_ =	shalt  }
0x50: {  	_ =	shalt  }
0x51: {  	_ =	shalt  }
0x52: {  	_ =	shalt  }
0x53: {  	_ =	shalt  }
0x54: {  	_ =	shalt  }
0x55: {  	_ =	shalt  }
0x56: {  	_ =	shalt  }
0x57: {  	_ =	shalt  }
0x58: {  	_ =	shalt  }
0x59: {  	_ =	shalt  }
0x5a: {  	_ =	shalt  }
0x5b: {  	_ =	shalt  }
0x5c: {  	_ =	shalt  }
0x5d: {  	_ =	shalt  }
0x5e: {  	_ =	shalt  }
0x5f: {  	_ =	shalt  }
0x60: {  	_ =	shalt  }
0x61: {  	_ =	shalt  }
0x62: {  	_ =	shalt  }
0x63: {  	_ =	shalt  }
0x64: {  	_ =	shalt  }
0x65: {  	_ =	shalt  }
0x66: {  	_ =	shalt  }
0x67: {  	_ =	shalt  }
0x68: {  	_ =	shalt  }
0x69: {  	_ =	shalt  }
0x6a: {  	_ =	shalt  }
0x6b: {  	_ =	shalt  }
0x6c: {  	_ =	shalt  }
0x6d: {  	_ =	shalt  }
0x6e: {  	_ =	shalt  }
0x6f: {  	_ =	shalt  }
0x70: {  	_ =	shalt  }
0x71: {  	_ =	shalt  }
0x72: {  	_ =	shalt  }
0x73: {  	_ =	shalt  }
0x74: {  	_ =	shalt  }
0x75: {  	_ =	shalt  }
0x76: {  	_ =	shalt  }
0x77: {  	_ =	shalt  }
0x78: {  	_ =	shalt  }
0x79: {  	_ =	shalt  }
0x7a: {  	_ =	shalt  }
0x7b: {  	_ =	shalt  }
0x7c: {  	_ =	shalt  }
0x7d: {  	_ =	shalt  }
0x7e: {  	_ =	shalt  }
0x7f: {  	_ =	shalt  }
0x80: {  	_ =	shalt  }
0x81: {  	_ =	shalt  }
0x82: {  	_ =	shalt  }
0x83: {  	_ =	shalt  }
0x84: {  	_ =	shalt  }
0x85: {  	_ =	shalt  }
0x86: {  	_ =	shalt  }
0x87: {  	_ =	shalt  }
.Lfunc_end0:
.L_simem_size_0:
called_computation_lowered:
.L_overlay_start_0:
0x88: {  	s2 =	sld [smem:$0x3FD9]  }
0x89: {  	s3 =	sld [smem:$0x3FFE];
	_ =	sdelay $0x1  }
0x8a: {  	s1 =	srdreg.scid  }
0x8b: {  	s0 =	sand.u32 $0x1, s1  }
0x8c: {  	s17 =	sshll.u32 s0, $0xA;
	s2 =	sadd.s32 s3, s2  }
0x8d: {  	s2 =	sadd.s32 s2, s17  }
0x8e: {  	[smem:$0x3FC2] =	sst s2  }
0x8f: {  	_ = 	snop  }
0x90: {  	s2 =	sld [smem:$0x3FD0];
	(tm) =	ssettm $0x1  }
0x91: {  	s18 =	sld [smem:$0x3FFB];
	_ =	sdelay $0x3  }
0x92: {  	_ =	strace s18  }
0x93: {  	s3 =	sld [smem:$0x3FFC];
	_ =	sdelay $0x3  }
0x94: {  	_ =	strace s3  }
0x95: {  	s3 =	sld [smem:$0x3FFD];
	_ =	sdelay $0x3  }
0x96: {  	_ =	strace s3  }
0x97: {  	_ =	strace $0x8FFFFFFF  }
0x98: {  	s19 =	sld [smem:$0x3FDB];
	_ =	sdelay $0x1  }
0x99: {  	s4 =	simm.s32 $_scs_section_size  }
0x9a: {  	s5 =	simm.s32 $_size__tile_overlayer_lowered;
	s6 =	simm.s32 $_tile_overlayer_lowered  }
0x9b: {  	s22 =	simm.s32 $0x1BFF;
	s21 =	sshll.u32 s6, $0x1;
	s3 =	sadd.s32 s4, s19  }
0x9c: {  	s7 =	simm.s32 $0x0;
	s20 =	sshll.u32 s5, $0x1;
	s5 =	sadd.s32 s21, s3  }
0x9d: {  	[timem:s7], [sflag:s22] =	dma.local [hbm:s5], s20  }
0x9e: {  	_ =	swait.ge [sflag:s22], s20  }
0x9f: {  	s4 =	ssub.s32 $0x0, s20;
	[sflag:s22] =	ssyncset.done $0x0  }
0xa0: {  	[sflag:s22] =	ssyncadd.s32 s4;
	_ =	sdelay $0x1  }
0xa1: {  	s23 =	simm.s32 $0x1B8B  }
0xa2: {  	_ =	swait.ge [sflag:s23], $0x1  }
0xa3: {  	[sflag:s23] =	ssyncset.done $0x0  }
0xa4: {  	s25 =	simm.s32 $0x1B8E;
	s24 =	sld [smem:$0x3FFE];
	[sflag:s23] =	ssyncadd.s32 $0xFFFFFFFF  }
0xa5: {  	s26 =	simm.s32 $execute0_lowered;
	[smem:$0x3FD2] =	sst s25  }
0xa6: {  	s5 =	sshll.u32 s26, $0x1;
	_ =	strace $0x80000046;
	[dreg:$0x1] =	wrdreg $0xFFFFFFFF  }
0xa7: {  	s28 =	simm.s32 $_size_execute0_lowered;
	s3 =	sadd.s32 s3, s5;
	[dreg:$0x0] =	wrdreg $0x0  }
0xa8: {  	s5 =	sshll.u32 s28, $0x1;
	[dreg:$0x2] =	wrdreg s3  }
0xa9: {  	[dreg:$0x3] =	wrdreg s5  }
0xaa: {  	[dreg:$0x4] =	wrdreg $0xC0  }
0xab: {  	_ =	task [dreg:s7], $0x5FFFF  }
0xac: {  	[dreg:$0x1] =	wrdreg $0xFFFFFFFF  }
0xad: {  	[dreg:$0x0] =	wrdreg $0x60  }
0xae: {  	[dreg:$0x2] =	wrdreg s24  }
0xaf: {  	[dreg:$0x3] =	wrdreg s2  }
0xb0: {  	[dreg:$0x4] =	wrdreg $0x77100  }
0xb1: {  	[dreg:$0x5] =	wrdreg $0x9  }
0xb2: {  	_ =	task.clear_ibuf [dreg:s7], $0x6FFFF;
	_ =	strace $0x90000046  }
0xb3: {  	s29 =	simm.s32 $0x9;
	_ =	strace $0x80000048  }
0xb4: {  	_ =	swait.ge [sflag:s29], $0x1  }
0xb5: {  	[sflag:s29] =	ssyncadd.s32 $0xFFFFFFFF  }
0xb6: {  	_ =	strace $0x90000048  }
0xb7: {  	_ =	sfence  }
0xb8: {  	s30 =	sld [smem:$0x0];
	_ =	sdelay $0x2  }
0xb9: {  	s31 =	sshll.u32 s1, $0xD;
	s1 =	sshrl.u32 s1, $0x2  }
0xba: {  	s3 =	sand.u32 $0x4000, s31;
	s1 =	sadd.s32 s1, s30  }
0xbb: {  	s0 =	sor.u32 s3, s0;
	s1 =	sshll.u32 s1, $0x11  }
0xbc: {  	s0 =	sor.u32 s1, s0  }
0xbd: {  	s0 =	sadd.s32 $0x8F2B, s0  }
0xbe: {  	[sflag:s0] =	ssyncadd.remote.s32 $0x1  }
0xbf: {  	_ =	sfence.sel $0xFFFF  }
0xc0: {  	[dreg:$0x0] =	wrdreg $0xFFFFFFFF;
	(pc) =	sbr.abs _section_cstart, $3  }
0xc1: {  	[dreg:$0x1] =	wrdreg $0xFFFFFFFF  }
0xc2: {  	_ =	task.clear_ibuf [dreg:s7], $0x2FFFF;
	_ =	strace $0x9FFFFFFF  }
0xc3: {  	(tm) =	ssettm $0x7FFFFFFF  }
tec
execute0_lowered:
.L_overlay_start_1:
0x0: {  	(tag) =	ssettag $0x1  }
0x1: {  	s3 =	rddreg [dreg:$0x0]  }
0x2: {  	s8 =	rddreg [dreg:$0x1]  }
0x3: {  	s0 =	srdreg.scid;
	s7 =	rddreg [dreg:$0x2]  }
0x4: {  	s2 =	simm.s32 $0x0;
	s4 =	sand.u32 $0x1, s0;
	s0 =	stileid.u32  }
0x5: {  	s13 =	simm.s32 $0x2710;
	s14 =	simm.s32 $0x4F10;
	s6 =	smul.u32 $0x9C40, s0  }
0x6: {  	s15 =	simm.s32 $0x0;
	[smem:$0x7FF] =	sst s2;
	s10 =	smul.u32 $0x270, s0  }
0x7: {  	s1 =	sshll.u32 s4, $0x4;
	s9 =	ssub.s32 $0x2, s4;
	s12 =	smul.u32 $0x2710, s4  }
0x8: {  	p0 =	sne.s32 s0, $0xF;
	s5 =	sor.u32 s0, s1;
	s1 =	rddreg [dreg:$0x3]  }
0x9: {  	_ =	strace $0x80000047;
	s11 =	sshrl.u32 s9, $0x1;
	s5 =	smul.u32 $0x2800, s5  }
0xa: {  	s9 =	ssub.s32 s9, s11;
	s29 =	sshrl.u32 s6, $0x2;
	s30 =	sadd.s32 s10, s12  }
0xb: {  	s31 =	sshrl.u32 s12, $0x3;
	s11 =	simm.s32 $0x2800;
	s12 =	simm.s32 $0x270  }
0xc: {  	s4 =	sadd.s32 s29, s7;
	s6 =	sshrl.u32 s30, $0x3;
	s9 =	smax.u32 s9, $0x1  }
0xd: {  	s5 =	sshrl.u32 s5, $0x3;
	s6 =	sadd.s32 s8, s6;
	s8 =	sadd.s32 s8, s31  }
0xe: {  	s3 =	sadd.s32 s3, s5;
	s5 =	sadd.s32 s10, s7;
	s7 =	sadd.s32 $0x2700, s7  }
0xf: {  	v0 =	vimm.f32 $0.0e+00;
	v1 =	vimm.f32 $1.000000000e+00;
	vm0 =	vcmask $0x3F0C;
	s8 =	sadd.s32 $0x4E0, s8;
	s10 =	simm.s32 $0x1;
	s3 =	sadd.s32 $0xC000, s3  }
.LBB2_1:
0x10: {  	s16 =	simm.s32 $0x40;
	s17 =	simm.s32 $0x0  }
.LBB2_2:
0x11: {  	p1 =	sne.s32 s16, $0x9C00;
	[tilespmem:s17+$0x2800] =	vst v0;
	s17 =	smov.u32 s16;
	s16 =	sadd.s32 $0x40, s16  }
.Ltmp0:
0x12: {  	(pc) =	sbr.rel @p1 .LBB2_2-.Ltmp0, $2  }
0x13: {  	_ =	sdelay $0x2  }
0x14: {  	s17 =	sshra.s32 s17, $0x2  }
0x15: {  	[tilespmem:s17+$0x2800] =	vst v0;
	s16 =	simm.s32 $0x0  }
0x16: {  	[tilespmem:s16], [sflag:$0x1] =	stream.linear.gather [hbm4b:s3+s16], $0x2800, $0x38;
	[tilespmem:$0x9E20] =	vst v63  }
0x17: {  	_ =	swait.ge [sflag:s10], $0x2800  }
0x18: {  	[sflag:s10] =	ssyncset.done $0x0  }
0x19: {  	[sflag:s10] =	ssyncadd.s32 $0xFFFFD800  }
.LBB2_4:
0x1a: {  	s17 =	sshra.s32 s16, $0x2  }
0x1b: {  	v2 =	vld [tilespmem:s17+$0x0];
	_ =	sdelay $0x7  }
0x1c: {  	[tilespmem:v2+s11+$0x0] =	vst.idx.add.f32.msk $0xffff, v1  }
0x1d: {  	v2 =	vld [tilespmem:s17+$0x10];
	_ =	sdelay $0x7  }
0x1e: {  	[tilespmem:v2+s11+$0x0] =	vst.idx.add.f32.msk $0xffff, v1  }
0x1f: {  	v2 =	vld [tilespmem:s17+$0x20];
	_ =	sdelay $0x7  }
0x20: {  	[tilespmem:v2+s11+$0x0] =	vst.idx.add.f32.msk $0xffff, v1  }
0x21: {  	v2 =	vld [tilespmem:s17+$0x30];
	_ =	sdelay $0x7  }
0x22: {  	[tilespmem:v2+s11+$0x0] =	vst.idx.add.f32.msk $0xffff, v1  }
0x23: {  	v2 =	vld [tilespmem:s17+$0x40];
	_ =	sdelay $0x7  }
0x24: {  	[tilespmem:v2+s11+$0x0] =	vst.idx.add.f32.msk $0xffff, v1  }
0x25: {  	v2 =	vld [tilespmem:s17+$0x50];
	_ =	sdelay $0x7  }
0x26: {  	[tilespmem:v2+s11+$0x0] =	vst.idx.add.f32.msk $0xffff, v1  }
0x27: {  	v2 =	vld [tilespmem:s17+$0x60];
	_ =	sdelay $0x7  }
0x28: {  	[tilespmem:v2+s11+$0x0] =	vst.idx.add.f32.msk $0xffff, v1  }
0x29: {  	v2 =	vld [tilespmem:s17+$0x6D];
	_ =	sdelay $0x2  }
0x2a: {  	p1 =	sne.s32 s16, $0x9E00  }
.Ltmp1:
0x2b: {  	_ = 	snop;
	(pc) =	sbr.rel @p1 .LBB2_4-.Ltmp1, $2  }
0x2c: {  	_ =	sdelay $0x2  }
0x2d: {  	s16 =	sadd.s32 $0x200, s16;
	[tilespmem:v2+s11+$0x0] =	vst.idx.add.f32.msk vm0, v1  }
0x2e: {  	[spmem:s4] =	stream.linear.scatter [tilespmem:s11], [sflag:$0x1], $0x2710, $0x38;
	[tilespmem:$0x9E20] =	vst v63  }
0x2f: {  	_ =	swait.ge [sflag:s10], $0x2710  }
0x30: {  	[sflag:s10] =	ssyncset.done $0x0  }
0x31: {  	[sflag:s10] =	ssyncadd.s32 $0xFFFFD8F0  }
0x32: {  	[bflag:$0x0] =	sbarrier.arrive $0xFFFF  }
0x33: {  	[tilespmem:s14], [sflag:$0x1] =	stream.strided.gather [spmem:s5], $0x2700, s13, s12, $0x38;
	[tilespmem:$0x9E20] =	vst v63  }
0x34: {  	_ =	swait.ge [sflag:s10], $0x2700  }
0x35: {  	[sflag:s10] =	ssyncset.done $0x0  }
0x36: {  	s16 =	simm.s32 $0xFFFFFD90;
	[sflag:s10] =	ssyncadd.s32 $0xFFFFD900  }
0x37: {  	s17 =	simm.s32 $0xFFFFF680;
	v2 =	vld [tilespmem:s16+$0x53F0]  }
.LBB2_6:
0x38: {  	p1 =	sne.s32 s17, $0xFFFFFFC0;
	v3 =	vld [tilespmem:s16+$0x5180];
	_ =	sdelay $0x1  }
0x39: {  	v4 =	vld [tilespmem:s16+$0x5660];
	_ =	sdelay $0x1  }
0x3a: {  	v5 =	vld [tilespmem:s16+$0x58D0]  }
0x3b: {  	v2 =	vadd.f32 v2, v3  }
0x3c: {  	v3 =	vld [tilespmem:s16+$0x5B40]  }
0x3d: {  	v2 =	vadd.f32 v4, v2  }
0x3e: {  	v4 =	vld [tilespmem:s16+$0x5DB0]  }
0x3f: {  	v2 =	vadd.f32 v5, v2  }
0x40: {  	v5 =	vld [tilespmem:s16+$0x6020]  }
0x41: {  	v2 =	vadd.f32 v3, v2  }
0x42: {  	v3 =	vld [tilespmem:s16+$0x6290]  }
0x43: {  	v2 =	vadd.f32 v4, v2  }
0x44: {  	v4 =	vld [tilespmem:s16+$0x6500]  }
0x45: {  	v2 =	vadd.f32 v5, v2  }
0x46: {  	v5 =	vld [tilespmem:s16+$0x6770]  }
0x47: {  	v2 =	vadd.f32 v3, v2  }
0x48: {  	v3 =	vld [tilespmem:s16+$0x69E0]  }
0x49: {  	v2 =	vadd.f32 v4, v2  }
0x4a: {  	v4 =	vld [tilespmem:s16+$0x6C50]  }
0x4b: {  	v2 =	vadd.f32 v5, v2  }
0x4c: {  	v5 =	vld [tilespmem:s16+$0x6EC0]  }
0x4d: {  	v2 =	vadd.f32 v3, v2  }
0x4e: {  	v3 =	vld [tilespmem:s16+$0x7130]  }
0x4f: {  	v2 =	vadd.f32 v4, v2  }
0x50: {  	v4 =	vld [tilespmem:s16+$0x73A0]  }
0x51: {  	v2 =	vadd.f32 v5, v2  }
0x52: {  	v5 =	vld [tilespmem:s16+$0x7610]  }
0x53: {  	v2 =	vadd.f32 v3, v2;
	_ =	sdelay $0x1  }
.Ltmp2:
0x54: {  	v2 =	vadd.f32 v4, v2;
	(pc) =	sbr.rel @p1 .LBB2_6-.Ltmp2, $4  }
0x55: {  	_ = 	snop  }
0x56: {  	v3 =	vadd.f32 v5, v2  }
0x57: {  	s18 =	sshra.s32 s17, $0x2  }
0x58: {  	s17 =	sadd.s32 $0x40, s17;
	v2 =	vld [tilespmem:s18+$0x53F0];
	[tilespmem:s16+$0x5180] =	vst v3;
	s16 =	smov.u32 s18  }
0x59: {  	v3 =	vld [tilespmem:s16+$0x5180];
	_ =	sdelay $0x1  }
0x5a: {  	v4 =	vld [tilespmem:s16+$0x5660];
	_ =	sdelay $0x1  }
0x5b: {  	v5 =	vld [tilespmem:s16+$0x58D0]  }
0x5c: {  	v2 =	vadd.f32 v2, v3  }
0x5d: {  	v3 =	vld [tilespmem:s16+$0x5B40]  }
0x5e: {  	v2 =	vadd.f32 v4, v2  }
0x5f: {  	v56 =	vld [tilespmem:s16+$0x5DB0]  }
0x60: {  	v2 =	vadd.f32 v5, v2  }
0x61: {  	v57 =	vld [tilespmem:s16+$0x6020]  }
0x62: {  	v2 =	vadd.f32 v3, v2  }
0x63: {  	v3 =	vld [tilespmem:s16+$0x6290]  }
0x64: {  	v2 =	vadd.f32 v56, v2  }
0x65: {  	v58 =	vld [tilespmem:s16+$0x6500]  }
0x66: {  	v2 =	vadd.f32 v57, v2  }
0x67: {  	v59 =	vld [tilespmem:s16+$0x6770]  }
0x68: {  	v2 =	vadd.f32 v3, v2  }
0x69: {  	v3 =	vld [tilespmem:s16+$0x69E0]  }
0x6a: {  	v2 =	vadd.f32 v58, v2  }
0x6b: {  	v60 =	vld [tilespmem:s16+$0x6C50]  }
0x6c: {  	v2 =	vadd.f32 v59, v2  }
0x6d: {  	v61 =	vld [tilespmem:s16+$0x6EC0]  }
0x6e: {  	v2 =	vadd.f32 v3, v2  }
0x6f: {  	v3 =	vld [tilespmem:s16+$0x7130]  }
0x70: {  	v2 =	vadd.f32 v60, v2  }
0x71: {  	v62 =	vld [tilespmem:s16+$0x73A0]  }
0x72: {  	v2 =	vadd.f32 v61, v2  }
0x73: {  	v63 =	vld [tilespmem:s16+$0x7610]  }
0x74: {  	v2 =	vadd.f32 v3, v2;
	_ =	sdelay $0x1  }
0x75: {  	v2 =	vadd.f32 v62, v2;
	_ =	sdelay $0x1  }
0x76: {  	v2 =	vadd.f32 v63, v2;
	_ =	sdelay $0x1  }
0x77: {  	[tilespmem:s16+$0x5180] =	vst v2  }
0x78: {  	[hbm4b:s6+s2] =	stream.linear.scatter [tilespmem:s14], [sflag:$0x1], $0x270, $0x38;
	[tilespmem:$0x9E20] =	vst v63  }
0x79: {  	_ =	swait.ge [sflag:s10], $0x270  }
0x7a: {  	s17 =	simm.s32 @!p0 $0x2710;
	[sflag:s10] =	ssyncset.done $0x0  }
0x7b: {  	s18 =	simm.s32 @!p0 $0x7610;
	s16 =	simm.s32 @!p0 $0x10;
	[sflag:s10] =	ssyncadd.s32 $0xFFFFFD90  }
0x7c: {  	[tilespmem:s18], [sflag:$0x1] =	stream.strided.gather @!p0 [spmem:s7], $0x100, s17, s16, $0x38;
	[tilespmem:$0x9E20] =	vst v63  }
0x7d: {  	s16 =	simm.s32 @!p0 $0x1  }
0x7e: {  	_ =	swait.ge @!p0 [sflag:s16], $0x100  }
0x7f: {  	[sflag:s16] =	ssyncset.done @!p0 $0x0  }
0x80: {  	[sflag:s16] =	ssyncadd.s32 @!p0 $0xFFFFFF00  }
0x81: {  	v2 =	vld @!p0 [tilespmem:$0x7610]  }
0x82: {  	v3 =	vld @!p0 [tilespmem:$0x7620];
	_ =	sdelay $0x1  }
0x83: {  	v4 =	vld @!p0 [tilespmem:$0x7630];
	_ =	sdelay $0x1  }
0x84: {  	v5 =	vld @!p0 [tilespmem:$0x7640]  }
0x85: {  	v2 =	vadd.f32 @!p0 v3, v2  }
0x86: {  	v3 =	vld @!p0 [tilespmem:$0x7650]  }
0x87: {  	v2 =	vadd.f32 @!p0 v4, v2  }
0x88: {  	v4 =	vld @!p0 [tilespmem:$0x7660]  }
0x89: {  	v2 =	vadd.f32 @!p0 v5, v2  }
0x8a: {  	v5 =	vld @!p0 [tilespmem:$0x7670]  }
0x8b: {  	v2 =	vadd.f32 @!p0 v3, v2  }
0x8c: {  	v3 =	vld @!p0 [tilespmem:$0x7680]  }
0x8d: {  	v2 =	vadd.f32 @!p0 v4, v2  }
0x8e: {  	v4 =	vld @!p0 [tilespmem:$0x7690]  }
0x8f: {  	v2 =	vadd.f32 @!p0 v5, v2  }
0x90: {  	v5 =	vld @!p0 [tilespmem:$0x76A0]  }
0x91: {  	v2 =	vadd.f32 @!p0 v3, v2  }
0x92: {  	v3 =	vld @!p0 [tilespmem:$0x76B0]  }
0x93: {  	v2 =	vadd.f32 @!p0 v4, v2  }
0x94: {  	v4 =	vld @!p0 [tilespmem:$0x76C0]  }
0x95: {  	v2 =	vadd.f32 @!p0 v5, v2  }
0x96: {  	v5 =	vld @!p0 [tilespmem:$0x76D0]  }
0x97: {  	v2 =	vadd.f32 @!p0 v3, v2  }
0x98: {  	v3 =	vld @!p0 [tilespmem:$0x76E0]  }
0x99: {  	v2 =	vadd.f32 @!p0 v4, v2  }
0x9a: {  	v4 =	vld @!p0 [tilespmem:$0x76F0]  }
0x9b: {  	v2 =	vadd.f32 @!p0 v5, v2  }
0x9c: {  	v5 =	vld @!p0 [tilespmem:$0x7700]  }
0x9d: {  	v2 =	vadd.f32 @!p0 v3, v2;
	_ =	sdelay $0x1  }
0x9e: {  	v2 =	vadd.f32 @!p0 v4, v2;
	_ =	sdelay $0x1  }
0x9f: {  	s15 =	sadd.s32 $0x1, s15;
	v2 =	vadd.f32 @!p0 v5, v2  }
0xa0: {  	p1 =	sne.s32 s15, s9  }
.Ltmp3:
0xa1: {  	s17 =	simm.s32 @!p0 $0x0;
	[tilespmem:$0x7610] =	vst @!p0 v2;
	(pc) =	sbr.rel @p1 .LBB2_1-.Ltmp3, $4  }
0xa2: {  	[hbm4b:s8+s17] =	stream.linear.scatter @!p0 [tilespmem:s18], [sflag:$0x1], $0x10, $0x38;
	[tilespmem:$0x9E20] =	vst v63  }
0xa3: {  	_ =	swait.ge @!p0 [sflag:s16], $0x10  }
0xa4: {  	[sflag:s16] =	ssyncset.done @!p0 $0x0  }
0xa5: {  	[sflag:s16] =	ssyncadd.s32 @!p0 $0xFFFFFFF0  }
0xa6: {  	_ =	sfence.sel $0x180000  }
0xa7: {  	[bflag:$0x0] =	sbarrier.arrive $0xFFFF  }
0xa8: {  	p0 =	sne.s32 s0, $0x0;
	_ =	strace $0x90000047  }
0xa9: {  	s0 =	sadd.s32 @!p0 $0x100000, s1;
	[bflag:$0x2] =	sbarrier.arrive $0xFFFF  }
0xaa: {  	[sflag:s0] =	ssyncadd.tile.s32 @!p0 $0x1;
	_ =	shalt  }
.Lfunc_end2:
_tile_overlayer_lowered:
.L_overlay_start_2:
0xab: {  	(tag) =	ssettag $0x2  }
0xac: {  	s0 =	rddreg [dreg:$0x0];
	s2 =	stileid.u32  }
0xad: {  	s1 =	rddreg [dreg:$0x1];
	p0 =	sne.s32 s2, $0x0  }
0xae: {  	s3 =	rddreg [dreg:$0x2];
	[bflag:$0x3] =	sbarrier.arrive $0xFFFF;
	s2 =	simm.s32 @!p0 $0x1C01  }
0xaf: {  	[timem:s3], [sflag:s2] =	dma.local @!p0 [hbm:s0], s1  }
0xb0: {  	s0 =	simm.s32 @!p0 $0x1  }
0xb1: {  	_ =	swait.ge @!p0 [sflag:s0], s1  }
0xb2: {  	s1 =	ssub.s32 @!p0 $0x0, s1;
	[sflag:s0] =	ssyncset.done @!p0 $0x0  }
0xb3: {  	[sflag:s0] =	ssyncadd.s32 @!p0 s1  }
0xb4: {  	[bflag:$0x3] =	sbarrier.arrive $0xFFFF  }
0xb5: {  	_ =	shalt  }

</sc_bundles>
